<compile_context>
chip_gen: v7x
topology: tpu7x:2x2x1
jax: 0.10.2.dev20260603
libtpu: 0.0.44.dev20260713+nightly
codegen_flags: <defaults>
</compile_context>

<pallas_src>
import functools

import jax
import jax.numpy as jnp
from jax import lax
from jax.experimental import pallas as pl
from jax.experimental.pallas import tpu as pltpu
from jax.experimental.pallas import tpu_sc as plsc

T = 2048
D = 2048
E = 8
F = 128

TT = 128
D2 = D // 2
G = T // TT + E
T_PAD = G * TT

NC = 2
NS = 16
NW = NC * NS
L = 16
SLOTS_W = T_PAD // NW
CH = SLOTS_W // L


def _router_body(x_ref, cn_ref, dest_ref, eot_ref, xb_ref):
    cn = cn_ref[...]
    cn = cn / (jnp.sqrt(jnp.sum(cn * cn, axis=-1, keepdims=True)) + 1e-8)
    cnt = cn.T

    nchunk = T // TT
    ri = lax.broadcasted_iota(jnp.int32, (TT, TT), 0)
    ci = lax.broadcasted_iota(jnp.int32, (TT, TT), 1)
    Lt = jnp.where(ri >= ci, 1.0, 0.0).astype(jnp.float32)

    ohs = []
    incs = []
    tots = []
    for c in range(nchunk):
        xc = x_ref[pl.ds(c * TT, TT), :]
        xci = jax.lax.bitcast_convert_type(xc, jnp.int32)
        rl = xci[:, :D2]
        rh = xci[:, D2:]
        rl = (rl + 0x7FFF + ((rl >> 16) & 1)) >> 16
        rh = (rh + 0x7FFF + ((rh >> 16) & 1)) >> 16
        xb_ref[pl.ds(c * TT, TT), :] = (rh << 16) | (rl & 0xFFFF)
        xn = xc / (jnp.sqrt(jnp.sum(xc * xc, axis=-1, keepdims=True)) + 1e-8)
        sims = jnp.dot(xn, cnt, preferred_element_type=jnp.float32)
        mx = jnp.max(sims, axis=-1, keepdims=True)
        eidx = lax.broadcasted_iota(jnp.int32, (TT, E), 1)
        idx = jnp.min(jnp.where(sims >= mx, eidx, E), axis=-1, keepdims=True)
        oh = jnp.where(eidx == idx, 1.0, 0.0).astype(jnp.float32)
        inc = jnp.dot(Lt, oh, preferred_element_type=jnp.float32)
        ohs.append(oh)
        incs.append(inc)
        tots.append(inc[TT - 1:TT, :])

    tot = jnp.concatenate(tots, axis=0)
    ri2 = lax.broadcasted_iota(jnp.int32, (nchunk, nchunk), 0)
    ci2 = lax.broadcasted_iota(jnp.int32, (nchunk, nchunk), 1)
    Ls = jnp.where(ri2 > ci2, 1.0, 0.0).astype(jnp.float32)
    ex = jnp.dot(Ls, tot, preferred_element_type=jnp.float32)
    counts = ex[nchunk - 1:nchunk, :] + tot[nchunk - 1:nchunk, :]

    counts_i = (counts + 0.5).astype(jnp.int32)
    tiles_i = (counts_i + (TT - 1)) >> 7
    tiles_f = tiles_i.astype(jnp.float32)
    ri3 = lax.broadcasted_iota(jnp.int32, (E, E), 0)
    ci3 = lax.broadcasted_iota(jnp.int32, (E, E), 1)
    Mu = jnp.where(ri3 <= ci3, 1.0, 0.0).astype(jnp.float32)
    cum_tiles = jnp.dot(tiles_f, Mu, preferred_element_type=jnp.float32)
    poff = (cum_tiles - tiles_f) * float(TT)

    for c in range(nchunk):
        base = poff + ex[c:c + 1, :]
        dvals = jnp.sum(ohs[c] * (base + incs[c] - 1.0), axis=-1, keepdims=True)
        di = dvals.astype(jnp.int32)
        di = (di & ~127) | ((di & 127) ^ 83)
        dest_ref[pl.ds(c * TT, TT), :] = di

    gio = lax.broadcasted_iota(jnp.int32, (G, E), 0).astype(jnp.float32)
    ge = jnp.where(gio >= cum_tiles, 1.0, 0.0)
    eot = jnp.sum(ge, axis=-1, keepdims=True).astype(jnp.int32)
    eot_ref[...] = jnp.minimum(eot, E - 1)


def _route(x, centroids):
    return pl.pallas_call(
        _router_body,
        grid=(1,),
        in_specs=[
            pl.BlockSpec((T, D), lambda i: (0, 0)),
            pl.BlockSpec((E, D), lambda i: (0, 0)),
        ],
        out_specs=[
            pl.BlockSpec((T, 1), lambda i: (0, 0)),
            pl.BlockSpec((G, 1), lambda i: (0, 0)),
            pl.BlockSpec((T, D2), lambda i: (0, 0)),
        ],
        out_shape=[
            jax.ShapeDtypeStruct((T, 1), jnp.int32),
            jax.ShapeDtypeStruct((G, 1), jnp.int32),
            jax.ShapeDtypeStruct((T, D2), jnp.int32),
        ],
    )(x, centroids)


NB = 3
TW = T // NW
CT = TW // L


def _sc_gather_body(x_hbm, dest_hbm, xg_hbm,
                    dest_v, dest2_v, rows_v,
                    gsem0, gsem1, gsem2, wsem0, wsem1, wsem2):
    wid = lax.axis_index("c") * NS + lax.axis_index("s")
    lo = wid * TW
    gsems = [gsem0, gsem1, gsem2]
    wsems = [wsem0, wsem1, wsem2]

    pltpu.sync_copy(dest_hbm.at[pl.ds(lo, TW)], dest_v)
    for c in range(CT):
        dest2_v[c, :] = dest_v[pl.ds(c * L, L)]

    gcopies = [None] * CT
    wcopies = [None] * CT
    for c in range(NB):
        gcopies[c] = pltpu.async_copy(x_hbm.at[pl.ds(lo + c * L, L)],
                                      rows_v.at[c % NB], gsems[c % NB])
    for c in range(CT):
        b = c % NB
        gcopies[c].wait()
        wcopies[c] = pltpu.async_copy(rows_v.at[b],
                                      xg_hbm.at[dest2_v.at[c]], wsems[b])
        if c + NB < CT:
            wcopies[c].wait()
            gcopies[c + NB] = pltpu.async_copy(
                x_hbm.at[pl.ds(lo + (c + NB) * L, L)], rows_v.at[b], gsems[b])
    for c in range(max(CT - NB, 0), CT):
        if wcopies[c] is not None:
            wcopies[c].wait()


def _sc_gather(x, dest):
    mesh = plsc.VectorSubcoreMesh(core_axis_name="c", subcore_axis_name="s")
    f = functools.partial(
        pl.kernel,
        mesh=mesh,
        compiler_params=pltpu.CompilerParams(needs_layout_passes=False),
        out_type=jax.ShapeDtypeStruct((T_PAD, D2), jnp.int32),
        scratch_types=[
            pltpu.VMEM((TW,), jnp.int32),
            pltpu.VMEM((CT, L), jnp.int32),
            pltpu.VMEM((NB, L, D2), jnp.int32),
            pltpu.SemaphoreType.DMA,
            pltpu.SemaphoreType.DMA,
            pltpu.SemaphoreType.DMA,
            pltpu.SemaphoreType.DMA,
            pltpu.SemaphoreType.DMA,
            pltpu.SemaphoreType.DMA,
        ],
    )(_sc_gather_body)
    return f(x, dest)


def _expert_body(eot_ref, xg_ref, W1_ref, b1_ref, W2_ref, b2_ref,
                 lng_ref, lnb_ref, alpha_ref, out_ref):
    e = eot_ref[pl.program_id(0)]
    xi = xg_ref[...]
    f_lo = jax.lax.bitcast_convert_type(xi << 16, jnp.float32)
    f_hi = jax.lax.bitcast_convert_type((xi >> 16) << 16, jnp.float32)
    x = jnp.concatenate([f_lo, f_hi], axis=1)
    h = jnp.dot(x, W1_ref[e], preferred_element_type=jnp.float32) + b1_ref[pl.ds(e, 1)]
    h = 0.5 * h * (1.0 + lax.erf(h * 0.7071067811865476))
    y = jnp.dot(h, W2_ref[e], preferred_element_type=jnp.float32) + b2_ref[pl.ds(e, 1)]
    mu = jnp.mean(y, axis=-1, keepdims=True)
    yc = y - mu
    var = jnp.mean(yc * yc, axis=-1, keepdims=True)
    y_ln = yc * lax.rsqrt(var + 1e-5) * lng_ref[pl.ds(e, 1)] + lnb_ref[pl.ds(e, 1)]
    out_ref[...] = x + alpha_ref[0] * y_ln


def _expert_mlp(eot, xg, W1, b1, W2, b2, ln_g, ln_b, alpha_v):
    grid_spec = pltpu.PrefetchScalarGridSpec(
        num_scalar_prefetch=1,
        grid=(G,),
        in_specs=[
            pl.BlockSpec((TT, D2), lambda g, eot: (g, 0)),
            pl.BlockSpec((E, D, F), lambda g, eot: (0, 0, 0)),
            pl.BlockSpec((E, F), lambda g, eot: (0, 0)),
            pl.BlockSpec((E, F, D), lambda g, eot: (0, 0, 0)),
            pl.BlockSpec((E, D), lambda g, eot: (0, 0)),
            pl.BlockSpec((E, D), lambda g, eot: (0, 0)),
            pl.BlockSpec((E, D), lambda g, eot: (0, 0)),
            pl.BlockSpec(memory_space=pltpu.SMEM),
        ],
        out_specs=pl.BlockSpec((TT, D), lambda g, eot: (g, 0)),
    )
    return pl.pallas_call(
        _expert_body,
        grid_spec=grid_spec,
        out_shape=jax.ShapeDtypeStruct((T_PAD, D), jnp.float32),
    )(eot, xg, W1, b1, W2, b2, ln_g, ln_b, alpha_v)




def _sc_unperm_body(yg_hbm, dest_hbm, out_hbm,
                    dest_v, dest2_v, rows_v,
                    gsem0, gsem1, gsem2, wsem0, wsem1, wsem2):
    wid = lax.axis_index("c") * NS + lax.axis_index("s")
    lo = wid * TW
    gsems = [gsem0, gsem1, gsem2]
    wsems = [wsem0, wsem1, wsem2]

    pltpu.sync_copy(dest_hbm.at[pl.ds(lo, TW)], dest_v)
    for c in range(CT):
        dest2_v[c, :] = dest_v[pl.ds(c * L, L)]

    gcopies = [None] * CT
    wcopies = [None] * CT
    for c in range(NB):
        gcopies[c] = pltpu.async_copy(yg_hbm.at[dest2_v.at[c]],
                                      rows_v.at[c % NB], gsems[c % NB])
    for c in range(CT):
        b = c % NB
        gcopies[c].wait()
        wcopies[c] = pltpu.async_copy(rows_v.at[b],
                                      out_hbm.at[pl.ds(lo + c * L, L)], wsems[b])
        if c + NB < CT:
            wcopies[c].wait()
            gcopies[c + NB] = pltpu.async_copy(
                yg_hbm.at[dest2_v.at[c + NB]], rows_v.at[b], gsems[b])
    for c in range(max(CT - NB, 0), CT):
        if wcopies[c] is not None:
            wcopies[c].wait()


def _sc_unperm(yg, dest):
    mesh = plsc.VectorSubcoreMesh(core_axis_name="c", subcore_axis_name="s")
    f = functools.partial(
        pl.kernel,
        mesh=mesh,
        compiler_params=pltpu.CompilerParams(needs_layout_passes=False),
        out_type=jax.ShapeDtypeStruct((T, D), jnp.float32),
        scratch_types=[
            pltpu.VMEM((TW,), jnp.int32),
            pltpu.VMEM((CT, L), jnp.int32),
            pltpu.VMEM((NB, L, D), jnp.float32),
            pltpu.SemaphoreType.DMA,
            pltpu.SemaphoreType.DMA,
            pltpu.SemaphoreType.DMA,
            pltpu.SemaphoreType.DMA,
            pltpu.SemaphoreType.DMA,
            pltpu.SemaphoreType.DMA,
        ],
    )(_sc_unperm_body)
    return f(yg, dest)


def kernel(hidden_states, W1, b1, W2, b2, ln_g, ln_b, centroids, alpha):
    x = hidden_states
    dest2, eot2, xb = _route(x, centroids)
    dest = jnp.reshape(dest2, (T,))
    eot = jnp.reshape(eot2, (G,))
    xg = _sc_gather(xb, dest)
    alpha_v = jnp.reshape(alpha, (1,))
    yg = _expert_mlp(eot, xg, W1, b1, W2, b2, ln_g, ln_b, alpha_v)
    return _sc_unperm(yg, dest)

# --- scband reference (transcript-rebuilt; emitter-appended) ---
"""Pipeline reference for scband-unified-mind-system-15333033247437 (READ-ONLY COPY).

The authoritative reference and input builder live on the scoring server;
editing this copy changes nothing except your own understanding.
"""

import jax, jax.numpy as jnp
import numpy as np

T = 2048      # tokens (batch 1 x seq 2048)
D = 2048      # hidden_dim
E = 8         # number of spawned experts
F = 128       # expert bottleneck width (initial_dim grown by expand_expert)


def setup_inputs(seed: int = 0) -> dict:
    key = jax.random.key(seed)
    ks = jax.random.split(key, 8)
    hidden_states = jax.random.normal(ks[0], (T, D), dtype=jnp.float32)
    # Expert params: nn.Sequential(Linear(D,F), GELU, Linear(F,D), LayerNorm(D)) per expert, stacked over E
    W1 = jax.random.normal(ks[1], (E, D, F), dtype=jnp.float32) * 0.02
    b1 = jnp.zeros((E, F), dtype=jnp.float32)
    W2 = jax.random.normal(ks[2], (E, F, D), dtype=jnp.float32) * 0.02
    b2 = jnp.zeros((E, D), dtype=jnp.float32)
    ln_g = jnp.ones((E, D), dtype=jnp.float32)
    ln_b = jnp.zeros((E, D), dtype=jnp.float32)
    # expert_centroids built from H_base embeddings during spawn_expert
    centroids = jax.random.normal(ks[3], (E, D), dtype=jnp.float32)
    # alpha_residual parameter
    alpha = jnp.asarray(0.1, dtype=jnp.float32)
    return {"hidden_states": hidden_states, "W1": W1, "b1": b1, "W2": W2,
            "b2": b2, "ln_g": ln_g, "ln_b": ln_b, "centroids": centroids, "alpha": alpha}


def reference(hidden_states, W1, b1, W2, b2, ln_g, ln_b, centroids, alpha):
    x = hidden_states
    # Routing: cosine similarity of each token hidden state vs expert centroids (check_satiety style), top-1
    xn = x / (jnp.linalg.norm(x, axis=-1, keepdims=True) + 1e-8)
    cn = centroids / (jnp.linalg.norm(centroids, axis=-1, keepdims=True) + 1e-8)
    sims = xn @ cn.T                      # [T, E]
    idx = jnp.argmax(sims, axis=-1)       # [T]
    onehot = jax.nn.one_hot(idx, E, dtype=x.dtype)  # [T, E]
    # Expert MLPs (dense compute over all experts, selected by one-hot dispatch)
    h = jnp.einsum('td,edf->tef', x, W1) + b1[None, :, :]
    h = jax.nn.gelu(h, approximate=False)  # torch nn.GELU default = exact erf
    y = jnp.einsum('tef,efd->ted', h, W2) + b2[None, :, :]
    # LayerNorm(D) per expert, eps=1e-5 (torch default)
    mu = jnp.mean(y, axis=-1, keepdims=True)
    var = jnp.var(y, axis=-1, keepdims=True)
    y_ln = (y - mu) / jnp.sqrt(var + 1e-5) * ln_g[None, :, :] + ln_b[None, :, :]
    # Select routed expert output per token
    expert_out = jnp.einsum('te,ted->td', onehot, y_ln)
    # Residual injection: modified_hidden = hidden_states + alpha_residual * expert_out
    modified_hidden = x + alpha * expert_out
    return modified_hidden

if __name__ == "__main__":
    import jax
    _d = setup_inputs()
    print(jax.jit(kernel)(*tuple(_d.values())))

</pallas_src>

<mosaic_0001>
#map = affine_map<(d0, d1) -> (0, 0)>
#map1 = affine_map<(d0, d1) -> (0)>
module attributes {stable_mosaic.version = 14 : i64} {
  func.func @_sc_gather_body(%arg0: i32, %arg1: i32, %arg2: memref<2048x1024xi32, #tpu.memory_space<hbm>>, %arg3: memref<2048xi32, #tpu.memory_space<hbm>>, %arg4: memref<3072x1024xi32, #tpu.memory_space<hbm>>, %arg5: memref<64xi32, #tpu.memory_space<vmem>>, %arg6: memref<4x16xi32, #tpu.memory_space<vmem>>, %arg7: memref<3x16x1024xi32, #tpu.memory_space<vmem>>, %arg8: memref<!tpu.dma_semaphore, #tpu.memory_space<semaphore_mem>>, %arg9: memref<!tpu.dma_semaphore, #tpu.memory_space<semaphore_mem>>, %arg10: memref<!tpu.dma_semaphore, #tpu.memory_space<semaphore_mem>>, %arg11: memref<!tpu.dma_semaphore, #tpu.memory_space<semaphore_mem>>, %arg12: memref<!tpu.dma_semaphore, #tpu.memory_space<semaphore_mem>>, %arg13: memref<!tpu.dma_semaphore, #tpu.memory_space<semaphore_mem>>) attributes {dimension_semantics = [#tpu.dimension_semantics<core_parallel>, #tpu.dimension_semantics<subcore_parallel>], iteration_bounds = array<i64: 2, 16>, scalar_prefetch = 0 : i64, scratch_operands = 9 : i64, tpu.core_type = #tpu.core_type<sc_vector_subcore>, window_params = [{transform_indices = #map}, {transform_indices = #map1}, {transform_indices = #map}]} {
    %mul3A = arith.constant 16 : i32
    %mul3A_0 = arith.muli %arg0, %mul3A : i32
    %add3A = arith.addi %mul3A_0, %arg1 : i32
    %mul3A_1 = arith.constant 64 : i32
    %mul3A_2 = arith.muli %add3A, %mul3A_1 : i32
    "tpu.region"() ({
      %run_scoped3A = tpu.sem_alloc : memref<!tpu.dma_semaphore, #tpu.memory_space<semaphore_mem>>
      %dma_start3A_231 = tpu.memref_slice %arg3[%mul3A_2] : memref<2048xi32, #tpu.memory_space<hbm>> -> memref<64xi32, #tpu.memory_space<hbm>>
      %dma_start3A_232 = tpu.memref_slice %arg3[%mul3A_2] : memref<2048xi32, #tpu.memory_space<hbm>> -> memref<64xi32, #tpu.memory_space<hbm>>
      tpu.enqueue_dma source(%dma_start3A_232 : memref<64xi32, #tpu.memory_space<hbm>>) target(%arg5 : memref<64xi32, #tpu.memory_space<vmem>>) target_semaphore(%run_scoped3A : memref<!tpu.dma_semaphore, #tpu.memory_space<semaphore_mem>>)
      %dma_wait3A_233 = tpu.memref_slice %arg3[%mul3A_2] : memref<2048xi32, #tpu.memory_space<hbm>> -> memref<64xi32, #tpu.memory_space<hbm>>
      %dma_wait3A_234 = tpu.memref_slice %arg3[%mul3A_2] : memref<2048xi32, #tpu.memory_space<hbm>> -> memref<64xi32, #tpu.memory_space<hbm>>
      tpu.wait_dma2 semaphore(%run_scoped3A : memref<!tpu.dma_semaphore, #tpu.memory_space<semaphore_mem>>) src(%dma_wait3A_234 : memref<64xi32, #tpu.memory_space<hbm>>) dst(%arg5 : memref<64xi32, #tpu.memory_space<vmem>>)
      tpu.yield
    }) : () -> ()
    %get3A = arith.constant 0 : index
    %get3A_3 = tpu.vector_load %arg5[%get3A] {strides = array<i32>} : memref<64xi32, #tpu.memory_space<vmem>>, vector<16xi32>,
    %swap3A = arith.constant 0 : i32
    %swap3A_4 = arith.index_cast %swap3A : i32 to index
    %swap3A_5 = arith.constant 0 : index
    %swap3A_6 = tpu.vector_load %arg6[%swap3A_4, %swap3A_5] {strides = array<i32>} : memref<4x16xi32, #tpu.memory_space<vmem>>, vector<16xi32>,
    tpu.vector_store %arg6[%swap3A_4, %swap3A_5], %get3A_3 {strides = array<i32>} : memref<4x16xi32, #tpu.memory_space<vmem>>, vector<16xi32>,
    %get3A_7 = arith.constant 16 : index
    %get3A_8 = tpu.vector_load %arg5[%get3A_7] {strides = array<i32>} : memref<64xi32, #tpu.memory_space<vmem>>, vector<16xi32>,
    %swap3A_9 = arith.constant 1 : i32
    %swap3A_10 = arith.index_cast %swap3A_9 : i32 to index
    %swap3A_11 = arith.constant 0 : index
    %swap3A_12 = tpu.vector_load %arg6[%swap3A_10, %swap3A_11] {strides = array<i32>} : memref<4x16xi32, #tpu.memory_space<vmem>>, vector<16xi32>,
    tpu.vector_store %arg6[%swap3A_10, %swap3A_11], %get3A_8 {strides = array<i32>} : memref<4x16xi32, #tpu.memory_space<vmem>>, vector<16xi32>,
    %get3A_13 = arith.constant 32 : index
    %get3A_14 = tpu.vector_load %arg5[%get3A_13] {strides = array<i32>} : memref<64xi32, #tpu.memory_space<vmem>>, vector<16xi32>,
    %swap3A_15 = arith.constant 2 : i32
    %swap3A_16 = arith.index_cast %swap3A_15 : i32 to index
    %swap3A_17 = arith.constant 0 : index
    %swap3A_18 = tpu.vector_load %arg6[%swap3A_16, %swap3A_17] {strides = array<i32>} : memref<4x16xi32, #tpu.memory_space<vmem>>, vector<16xi32>,
    tpu.vector_store %arg6[%swap3A_16, %swap3A_17], %get3A_14 {strides = array<i32>} : memref<4x16xi32, #tpu.memory_space<vmem>>, vector<16xi32>,
    %get3A_19 = arith.constant 48 : index
    %get3A_20 = tpu.vector_load %arg5[%get3A_19] {strides = array<i32>} : memref<64xi32, #tpu.memory_space<vmem>>, vector<16xi32>,
    %swap3A_21 = arith.constant 3 : i32
    %swap3A_22 = arith.index_cast %swap3A_21 : i32 to index
    %swap3A_23 = arith.constant 0 : index
    %swap3A_24 = tpu.vector_load %arg6[%swap3A_22, %swap3A_23] {strides = array<i32>} : memref<4x16xi32, #tpu.memory_space<vmem>>, vector<16xi32>,
    tpu.vector_store %arg6[%swap3A_22, %swap3A_23], %get3A_20 {strides = array<i32>} : memref<4x16xi32, #tpu.memory_space<vmem>>, vector<16xi32>,
    %add3A_25 = arith.constant 0 : i32
    %add3A_26 = arith.addi %mul3A_2, %add3A_25 : i32
    %dma_start3A = arith.constant 0 : i32
    %dma_start3A_27 = arith.constant 0 : i32
    %dma_start3A_28 = arith.constant 0 : i32
    %dma_start3A_29 = tpu.memref_slice %arg7[%dma_start3A, %dma_start3A_27, %dma_start3A_28] : memref<3x16x1024xi32, #tpu.memory_space<vmem>> -> memref<1x16x1024xi32, #tpu.memory_space<vmem>>
    %dma_start3A_30 = tpu.memref_squeeze %dma_start3A_29 : memref<1x16x1024xi32, #tpu.memory_space<vmem>> -> memref<16x1024xi32, #tpu.memory_space<vmem>>
    %dma_start3A_31 = arith.constant 0 : i32
    %dma_start3A_32 = tpu.memref_slice %arg2[%add3A_26, %dma_start3A_31] : memref<2048x1024xi32, #tpu.memory_space<hbm>> -> memref<16x1024xi32, #tpu.memory_space<hbm>>
    %dma_start3A_33 = arith.constant 0 : i32
    %dma_start3A_34 = arith.constant 0 : i32
    %dma_start3A_35 = tpu.memref_slice %arg7[%dma_start3A, %dma_start3A_33, %dma_start3A_34] : memref<3x16x1024xi32, #tpu.memory_space<vmem>> -> memref<1x16x1024xi32, #tpu.memory_space<vmem>>
    %dma_start3A_36 = tpu.memref_squeeze %dma_start3A_35 : memref<1x16x1024xi32, #tpu.memory_space<vmem>> -> memref<16x1024xi32, #tpu.memory_space<vmem>>
    %dma_start3A_37 = arith.constant 0 : i32
    %dma_start3A_38 = tpu.memref_slice %arg2[%add3A_26, %dma_start3A_37] : memref<2048x1024xi32, #tpu.memory_space<hbm>> -> memref<16x1024xi32, #tpu.memory_space<hbm>>
    tpu.enqueue_dma source(%dma_start3A_38 : memref<16x1024xi32, #tpu.memory_space<hbm>>) target(%dma_start3A_36 : memref<16x1024xi32, #tpu.memory_space<vmem>>) target_semaphore(%arg8 : memref<!tpu.dma_semaphore, #tpu.memory_space<semaphore_mem>>)
    %add3A_39 = arith.constant 16 : i32
    %add3A_40 = arith.addi %mul3A_2, %add3A_39 : i32
    %dma_start3A_41 = arith.constant 1 : i32
    %dma_start3A_42 = arith.constant 0 : i32
    %dma_start3A_43 = arith.constant 0 : i32
    %dma_start3A_44 = tpu.memref_slice %arg7[%dma_start3A_41, %dma_start3A_42, %dma_start3A_43] : memref<3x16x1024xi32, #tpu.memory_space<vmem>> -> memref<1x16x1024xi32, #tpu.memory_space<vmem>>
    %dma_start3A_45 = tpu.memref_squeeze %dma_start3A_44 : memref<1x16x1024xi32, #tpu.memory_space<vmem>> -> memref<16x1024xi32, #tpu.memory_space<vmem>>
    %dma_start3A_46 = arith.constant 0 : i32
    %dma_start3A_47 = tpu.memref_slice %arg2[%add3A_40, %dma_start3A_46] : memref<2048x1024xi32, #tpu.memory_space<hbm>> -> memref<16x1024xi32, #tpu.memory_space<hbm>>
    %dma_start3A_48 = arith.constant 0 : i32
    %dma_start3A_49 = arith.constant 0 : i32
    %dma_start3A_50 = tpu.memref_slice %arg7[%dma_start3A_41, %dma_start3A_48, %dma_start3A_49] : memref<3x16x1024xi32, #tpu.memory_space<vmem>> -> memref<1x16x1024xi32, #tpu.memory_space<vmem>>
    %dma_start3A_51 = tpu.memref_squeeze %dma_start3A_50 : memref<1x16x1024xi32, #tpu.memory_space<vmem>> -> memref<16x1024xi32, #tpu.memory_space<vmem>>
    %dma_start3A_52 = arith.constant 0 : i32
    %dma_start3A_53 = tpu.memref_slice %arg2[%add3A_40, %dma_start3A_52] : memref<2048x1024xi32, #tpu.memory_space<hbm>> -> memref<16x1024xi32, #tpu.memory_space<hbm>>
    tpu.enqueue_dma source(%dma_start3A_53 : memref<16x1024xi32, #tpu.memory_space<hbm>>) target(%dma_start3A_51 : memref<16x1024xi32, #tpu.memory_space<vmem>>) target_semaphore(%arg9 : memref<!tpu.dma_semaphore, #tpu.memory_space<semaphore_mem>>)
    %add3A_54 = arith.constant 32 : i32
    %add3A_55 = arith.addi %mul3A_2, %add3A_54 : i32
    %dma_start3A_56 = arith.constant 2 : i32
    %dma_start3A_57 = arith.constant 0 : i32
    %dma_start3A_58 = arith.constant 0 : i32
    %dma_start3A_59 = tpu.memref_slice %arg7[%dma_start3A_56, %dma_start3A_57, %dma_start3A_58] : memref<3x16x1024xi32, #tpu.memory_space<vmem>> -> memref<1x16x1024xi32, #tpu.memory_space<vmem>>
    %dma_start3A_60 = tpu.memref_squeeze %dma_start3A_59 : memref<1x16x1024xi32, #tpu.memory_space<vmem>> -> memref<16x1024xi32, #tpu.memory_space<vmem>>
    %dma_start3A_61 = arith.constant 0 : i32
    %dma_start3A_62 = tpu.memref_slice %arg2[%add3A_55, %dma_start3A_61] : memref<2048x1024xi32, #tpu.memory_space<hbm>> -> memref<16x1024xi32, #tpu.memory_space<hbm>>
    %dma_start3A_63 = arith.constant 0 : i32
    %dma_start3A_64 = arith.constant 0 : i32
    %dma_start3A_65 = tpu.memref_slice %arg7[%dma_start3A_56, %dma_start3A_63, %dma_start3A_64] : memref<3x16x1024xi32, #tpu.memory_space<vmem>> -> memref<1x16x1024xi32, #tpu.memory_space<vmem>>
    %dma_start3A_66 = tpu.memref_squeeze %dma_start3A_65 : memref<1x16x1024xi32, #tpu.memory_space<vmem>> -> memref<16x1024xi32, #tpu.memory_space<vmem>>
    %dma_start3A_67 = arith.constant 0 : i32
    %dma_start3A_68 = tpu.memref_slice %arg2[%add3A_55, %dma_start3A_67] : memref<2048x1024xi32, #tpu.memory_space<hbm>> -> memref<16x1024xi32, #tpu.memory_space<hbm>>
    tpu.enqueue_dma source(%dma_start3A_68 : memref<16x1024xi32, #tpu.memory_space<hbm>>) target(%dma_start3A_66 : memref<16x1024xi32, #tpu.memory_space<vmem>>) target_semaphore(%arg10 : memref<!tpu.dma_semaphore, #tpu.memory_space<semaphore_mem>>)
    %dma_wait3A = arith.constant 0 : i32
    %dma_wait3A_69 = arith.constant 0 : i32
    %dma_wait3A_70 = arith.constant 0 : i32
    %dma_wait3A_71 = tpu.memref_slice %arg7[%dma_wait3A, %dma_wait3A_69, %dma_wait3A_70] : memref<3x16x1024xi32, #tpu.memory_space<vmem>> -> memref<1x16x1024xi32, #tpu.memory_space<vmem>>
    %dma_wait3A_72 = tpu.memref_squeeze %dma_wait3A_71 : memref<1x16x1024xi32, #tpu.memory_space<vmem>> -> memref<16x1024xi32, #tpu.memory_space<vmem>>
    %dma_wait3A_73 = arith.constant 0 : i32
    %dma_wait3A_74 = tpu.memref_slice %arg2[%add3A_26, %dma_wait3A_73] : memref<2048x1024xi32, #tpu.memory_space<hbm>> -> memref<16x1024xi32, #tpu.memory_space<hbm>>
    %dma_wait3A_75 = arith.constant 0 : i32
    %dma_wait3A_76 = arith.constant 0 : i32
    %dma_wait3A_77 = tpu.memref_slice %arg7[%dma_wait3A, %dma_wait3A_75, %dma_wait3A_76] : memref<3x16x1024xi32, #tpu.memory_space<vmem>> -> memref<1x16x1024xi32, #tpu.memory_space<vmem>>
    %dma_wait3A_78 = tpu.memref_squeeze %dma_wait3A_77 : memref<1x16x1024xi32, #tpu.memory_space<vmem>> -> memref<16x1024xi32, #tpu.memory_space<vmem>>
    %dma_wait3A_79 = arith.constant 0 : i32
    %dma_wait3A_80 = tpu.memref_slice %arg2[%add3A_26, %dma_wait3A_79] : memref<2048x1024xi32, #tpu.memory_space<hbm>> -> memref<16x1024xi32, #tpu.memory_space<hbm>>
    tpu.wait_dma2 semaphore(%arg8 : memref<!tpu.dma_semaphore, #tpu.memory_space<semaphore_mem>>) src(%dma_wait3A_80 : memref<16x1024xi32, #tpu.memory_space<hbm>>) dst(%dma_wait3A_78 : memref<16x1024xi32, #tpu.memory_space<vmem>>)
    %dma_start3A_81 = arith.constant 0 : i32
    %dma_start3A_82 = arith.constant 0 : i32
    %dma_start3A_83 = arith.constant 0 : i32
    %dma_start3A_84 = arith.constant 0 : i32
    %dma_start3A_85 = tpu.memref_slice %arg7[%dma_start3A_81, %dma_start3A_83, %dma_start3A_84] : memref<3x16x1024xi32, #tpu.memory_space<vmem>> -> memref<1x16x1024xi32, #tpu.memory_space<vmem>>
    %dma_start3A_86 = tpu.memref_squeeze %dma_start3A_85 : memref<1x16x1024xi32, #tpu.memory_space<vmem>> -> memref<16x1024xi32, #tpu.memory_space<vmem>>
    %dma_start3A_87 = arith.constant 0 : i32
    %dma_start3A_88 = tpu.memref_slice %arg6[%dma_start3A_82, %dma_start3A_87] : memref<4x16xi32, #tpu.memory_space<vmem>> -> memref<1x16xi32, #tpu.memory_space<vmem>>
    %dma_start3A_89 = tpu.memref_squeeze %dma_start3A_88 : memref<1x16xi32, #tpu.memory_space<vmem>> -> memref<16xi32, #tpu.memory_space<vmem>>
    %dma_start3A_90 = arith.constant 0 : i32
    %dma_start3A_91 = arith.constant 0 : i32
    %dma_start3A_92 = tpu.memref_slice %arg4[%dma_start3A_90, %dma_start3A_91] : memref<3072x1024xi32, #tpu.memory_space<hbm>> -> memref<3072x1024xi32, #tpu.memory_space<hbm>>
    tpu.enqueue_indirect_dma source(%dma_start3A_86 : memref<16x1024xi32, #tpu.memory_space<vmem>>) target(%dma_start3A_92 : memref<3072x1024xi32, #tpu.memory_space<hbm>>) offsets(%dma_start3A_89 : memref<16xi32, #tpu.memory_space<vmem>>) semaphore(%arg11 : memref<!tpu.dma_semaphore, #tpu.memory_space<semaphore_mem>>)
    %dma_wait3A_93 = arith.constant 0 : i32
    %dma_wait3A_94 = arith.constant 0 : i32
    %dma_wait3A_95 = arith.constant 0 : i32
    %dma_wait3A_96 = arith.constant 0 : i32
    %dma_wait3A_97 = tpu.memref_slice %arg7[%dma_wait3A_93, %dma_wait3A_95, %dma_wait3A_96] : memref<3x16x1024xi32, #tpu.memory_space<vmem>> -> memref<1x16x1024xi32, #tpu.memory_space<vmem>>
    %dma_wait3A_98 = tpu.memref_squeeze %dma_wait3A_97 : memref<1x16x1024xi32, #tpu.memory_space<vmem>> -> memref<16x1024xi32, #tpu.memory_space<vmem>>
    %dma_wait3A_99 = arith.constant 0 : i32
    %dma_wait3A_100 = tpu.memref_slice %arg6[%dma_wait3A_94, %dma_wait3A_99] : memref<4x16xi32, #tpu.memory_space<vmem>> -> memref<1x16xi32, #tpu.memory_space<vmem>>
    %dma_wait3A_101 = tpu.memref_squeeze %dma_wait3A_100 : memref<1x16xi32, #tpu.memory_space<vmem>> -> memref<16xi32, #tpu.memory_space<vmem>>
    %dma_wait3A_102 = arith.constant 0 : i32
    %dma_wait3A_103 = arith.constant 0 : i32
    %dma_wait3A_104 = tpu.memref_slice %arg4[%dma_wait3A_102, %dma_wait3A_103] : memref<3072x1024xi32, #tpu.memory_space<hbm>> -> memref<3072x1024xi32, #tpu.memory_space<hbm>>
    tpu.wait_indirect_dma semaphore(%arg11 : memref<!tpu.dma_semaphore, #tpu.memory_space<semaphore_mem>>) src(%dma_wait3A_98 : memref<16x1024xi32, #tpu.memory_space<vmem>>) dst(%dma_wait3A_104 : memref<3072x1024xi32, #tpu.memory_space<hbm>>)
    %add3A_105 = arith.constant 48 : i32
    %add3A_106 = arith.addi %mul3A_2, %add3A_105 : i32
    %dma_start3A_107 = arith.constant 0 : i32
    %dma_start3A_108 = arith.constant 0 : i32
    %dma_start3A_109 = arith.constant 0 : i32
    %dma_start3A_110 = tpu.memref_slice %arg7[%dma_start3A_107, %dma_start3A_108, %dma_start3A_109] : memref<3x16x1024xi32, #tpu.memory_space<vmem>> -> memref<1x16x1024xi32, #tpu.memory_space<vmem>>
    %dma_start3A_111 = tpu.memref_squeeze %dma_start3A_110 : memref<1x16x1024xi32, #tpu.memory_space<vmem>> -> memref<16x1024xi32, #tpu.memory_space<vmem>>
    %dma_start3A_112 = arith.constant 0 : i32
    %dma_start3A_113 = tpu.memref_slice %arg2[%add3A_106, %dma_start3A_112] : memref<2048x1024xi32, #tpu.memory_space<hbm>> -> memref<16x1024xi32, #tpu.memory_space<hbm>>
    %dma_start3A_114 = arith.constant 0 : i32
    %dma_start3A_115 = arith.constant 0 : i32
    %dma_start3A_116 = tpu.memref_slice %arg7[%dma_start3A_107, %dma_start3A_114, %dma_start3A_115] : memref<3x16x1024xi32, #tpu.memory_space<vmem>> -> memref<1x16x1024xi32, #tpu.memory_space<vmem>>
    %dma_start3A_117 = tpu.memref_squeeze %dma_start3A_116 : memref<1x16x1024xi32, #tpu.memory_space<vmem>> -> memref<16x1024xi32, #tpu.memory_space<vmem>>
    %dma_start3A_118 = arith.constant 0 : i32
    %dma_start3A_119 = tpu.memref_slice %arg2[%add3A_106, %dma_start3A_118] : memref<2048x1024xi32, #tpu.memory_space<hbm>> -> memref<16x1024xi32, #tpu.memory_space<hbm>>
    tpu.enqueue_dma source(%dma_start3A_119 : memref<16x1024xi32, #tpu.memory_space<hbm>>) target(%dma_start3A_117 : memref<16x1024xi32, #tpu.memory_space<vmem>>) target_semaphore(%arg8 : memref<!tpu.dma_semaphore, #tpu.memory_space<semaphore_mem>>)
    %dma_wait3A_120 = arith.constant 1 : i32
    %dma_wait3A_121 = arith.constant 0 : i32
    %dma_wait3A_122 = arith.constant 0 : i32
    %dma_wait3A_123 = tpu.memref_slice %arg7[%dma_wait3A_120, %dma_wait3A_121, %dma_wait3A_122] : memref<3x16x1024xi32, #tpu.memory_space<vmem>> -> memref<1x16x1024xi32, #tpu.memory_space<vmem>>
    %dma_wait3A_124 = tpu.memref_squeeze %dma_wait3A_123 : memref<1x16x1024xi32, #tpu.memory_space<vmem>> -> memref<16x1024xi32, #tpu.memory_space<vmem>>
    %dma_wait3A_125 = arith.constant 0 : i32
    %dma_wait3A_126 = tpu.memref_slice %arg2[%add3A_40, %dma_wait3A_125] : memref<2048x1024xi32, #tpu.memory_space<hbm>> -> memref<16x1024xi32, #tpu.memory_space<hbm>>
    %dma_wait3A_127 = arith.constant 0 : i32
    %dma_wait3A_128 = arith.constant 0 : i32
    %dma_wait3A_129 = tpu.memref_slice %arg7[%dma_wait3A_120, %dma_wait3A_127, %dma_wait3A_128] : memref<3x16x1024xi32, #tpu.memory_space<vmem>> -> memref<1x16x1024xi32, #tpu.memory_space<vmem>>
    %dma_wait3A_130 = tpu.memref_squeeze %dma_wait3A_129 : memref<1x16x1024xi32, #tpu.memory_space<vmem>> -> memref<16x1024xi32, #tpu.memory_space<vmem>>
    %dma_wait3A_131 = arith.constant 0 : i32
    %dma_wait3A_132 = tpu.memref_slice %arg2[%add3A_40, %dma_wait3A_131] : memref<2048x1024xi32, #tpu.memory_space<hbm>> -> memref<16x1024xi32, #tpu.memory_space<hbm>>
    tpu.wait_dma2 semaphore(%arg9 : memref<!tpu.dma_semaphore, #tpu.memory_space<semaphore_mem>>) src(%dma_wait3A_132 : memref<16x1024xi32, #tpu.memory_space<hbm>>) dst(%dma_wait3A_130 : memref<16x1024xi32, #tpu.memory_space<vmem>>)
    %dma_start3A_133 = arith.constant 1 : i32
    %dma_start3A_134 = arith.constant 1 : i32
    %dma_start3A_135 = arith.constant 0 : i32
    %dma_start3A_136 = arith.constant 0 : i32
    %dma_start3A_137 = tpu.memref_slice %arg7[%dma_start3A_133, %dma_start3A_135, %dma_start3A_136] : memref<3x16x1024xi32, #tpu.memory_space<vmem>> -> memref<1x16x1024xi32, #tpu.memory_space<vmem>>
    %dma_start3A_138 = tpu.memref_squeeze %dma_start3A_137 : memref<1x16x1024xi32, #tpu.memory_space<vmem>> -> memref<16x1024xi32, #tpu.memory_space<vmem>>
    %dma_start3A_139 = arith.constant 0 : i32
    %dma_start3A_140 = tpu.memref_slice %arg6[%dma_start3A_134, %dma_start3A_139] : memref<4x16xi32, #tpu.memory_space<vmem>> -> memref<1x16xi32, #tpu.memory_space<vmem>>
    %dma_start3A_141 = tpu.memref_squeeze %dma_start3A_140 : memref<1x16xi32, #tpu.memory_space<vmem>> -> memref<16xi32, #tpu.memory_space<vmem>>
    %dma_start3A_142 = arith.constant 0 : i32
    %dma_start3A_143 = arith.constant 0 : i32
    %dma_start3A_144 = tpu.memref_slice %arg4[%dma_start3A_142, %dma_start3A_143] : memref<3072x1024xi32, #tpu.memory_space<hbm>> -> memref<3072x1024xi32, #tpu.memory_space<hbm>>
    tpu.enqueue_indirect_dma source(%dma_start3A_138 : memref<16x1024xi32, #tpu.memory_space<vmem>>) target(%dma_start3A_144 : memref<3072x1024xi32, #tpu.memory_space<hbm>>) offsets(%dma_start3A_141 : memref<16xi32, #tpu.memory_space<vmem>>) semaphore(%arg12 : memref<!tpu.dma_semaphore, #tpu.memory_space<semaphore_mem>>)
    %dma_wait3A_145 = arith.constant 2 : i32
    %dma_wait3A_146 = arith.constant 0 : i32
    %dma_wait3A_147 = arith.constant 0 : i32
    %dma_wait3A_148 = tpu.memref_slice %arg7[%dma_wait3A_145, %dma_wait3A_146, %dma_wait3A_147] : memref<3x16x1024xi32, #tpu.memory_space<vmem>> -> memref<1x16x1024xi32, #tpu.memory_space<vmem>>
    %dma_wait3A_149 = tpu.memref_squeeze %dma_wait3A_148 : memref<1x16x1024xi32, #tpu.memory_space<vmem>> -> memref<16x1024xi32, #tpu.memory_space<vmem>>
    %dma_wait3A_150 = arith.constant 0 : i32
    %dma_wait3A_151 = tpu.memref_slice %arg2[%add3A_55, %dma_wait3A_150] : memref<2048x1024xi32, #tpu.memory_space<hbm>> -> memref<16x1024xi32, #tpu.memory_space<hbm>>
    %dma_wait3A_152 = arith.constant 0 : i32
    %dma_wait3A_153 = arith.constant 0 : i32
    %dma_wait3A_154 = tpu.memref_slice %arg7[%dma_wait3A_145, %dma_wait3A_152, %dma_wait3A_153] : memref<3x16x1024xi32, #tpu.memory_space<vmem>> -> memref<1x16x1024xi32, #tpu.memory_space<vmem>>
    %dma_wait3A_155 = tpu.memref_squeeze %dma_wait3A_154 : memref<1x16x1024xi32, #tpu.memory_space<vmem>> -> memref<16x1024xi32, #tpu.memory_space<vmem>>
    %dma_wait3A_156 = arith.constant 0 : i32
    %dma_wait3A_157 = tpu.memref_slice %arg2[%add3A_55, %dma_wait3A_156] : memref<2048x1024xi32, #tpu.memory_space<hbm>> -> memref<16x1024xi32, #tpu.memory_space<hbm>>
    tpu.wait_dma2 semaphore(%arg10 : memref<!tpu.dma_semaphore, #tpu.memory_space<semaphore_mem>>) src(%dma_wait3A_157 : memref<16x1024xi32, #tpu.memory_space<hbm>>) dst(%dma_wait3A_155 : memref<16x1024xi32, #tpu.memory_space<vmem>>)
    %dma_start3A_158 = arith.constant 2 : i32
    %dma_start3A_159 = arith.constant 2 : i32
    %dma_start3A_160 = arith.constant 0 : i32
    %dma_start3A_161 = arith.constant 0 : i32
    %dma_start3A_162 = tpu.memref_slice %arg7[%dma_start3A_158, %dma_start3A_160, %dma_start3A_161] : memref<3x16x1024xi32, #tpu.memory_space<vmem>> -> memref<1x16x1024xi32, #tpu.memory_space<vmem>>
    %dma_start3A_163 = tpu.memref_squeeze %dma_start3A_162 : memref<1x16x1024xi32, #tpu.memory_space<vmem>> -> memref<16x1024xi32, #tpu.memory_space<vmem>>
    %dma_start3A_164 = arith.constant 0 : i32
    %dma_start3A_165 = tpu.memref_slice %arg6[%dma_start3A_159, %dma_start3A_164] : memref<4x16xi32, #tpu.memory_space<vmem>> -> memref<1x16xi32, #tpu.memory_space<vmem>>
    %dma_start3A_166 = tpu.memref_squeeze %dma_start3A_165 : memref<1x16xi32, #tpu.memory_space<vmem>> -> memref<16xi32, #tpu.memory_space<vmem>>
    %dma_start3A_167 = arith.constant 0 : i32
    %dma_start3A_168 = arith.constant 0 : i32
    %dma_start3A_169 = tpu.memref_slice %arg4[%dma_start3A_167, %dma_start3A_168] : memref<3072x1024xi32, #tpu.memory_space<hbm>> -> memref<3072x1024xi32, #tpu.memory_space<hbm>>
    tpu.enqueue_indirect_dma source(%dma_start3A_163 : memref<16x1024xi32, #tpu.memory_space<vmem>>) target(%dma_start3A_169 : memref<3072x1024xi32, #tpu.memory_space<hbm>>) offsets(%dma_start3A_166 : memref<16xi32, #tpu.memory_space<vmem>>) semaphore(%arg13 : memref<!tpu.dma_semaphore, #tpu.memory_space<semaphore_mem>>)
    %dma_wait3A_170 = arith.constant 0 : i32
    %dma_wait3A_171 = arith.constant 0 : i32
    %dma_wait3A_172 = arith.constant 0 : i32
    %dma_wait3A_173 = tpu.memref_slice %arg7[%dma_wait3A_170, %dma_wait3A_171, %dma_wait3A_172] : memref<3x16x1024xi32, #tpu.memory_space<vmem>> -> memref<1x16x1024xi32, #tpu.memory_space<vmem>>
    %dma_wait3A_174 = tpu.memref_squeeze %dma_wait3A_173 : memref<1x16x1024xi32, #tpu.memory_space<vmem>> -> memref<16x1024xi32, #tpu.memory_space<vmem>>
    %dma_wait3A_175 = arith.constant 0 : i32
    %dma_wait3A_176 = tpu.memref_slice %arg2[%add3A_106, %dma_wait3A_175] : memref<2048x1024xi32, #tpu.memory_space<hbm>> -> memref<16x1024xi32, #tpu.memory_space<hbm>>
    %dma_wait3A_177 = arith.constant 0 : i32
    %dma_wait3A_178 = arith.constant 0 : i32
    %dma_wait3A_179 = tpu.memref_slice %arg7[%dma_wait3A_170, %dma_wait3A_177, %dma_wait3A_178] : memref<3x16x1024xi32, #tpu.memory_space<vmem>> -> memref<1x16x1024xi32, #tpu.memory_space<vmem>>
    %dma_wait3A_180 = tpu.memref_squeeze %dma_wait3A_179 : memref<1x16x1024xi32, #tpu.memory_space<vmem>> -> memref<16x1024xi32, #tpu.memory_space<vmem>>
    %dma_wait3A_181 = arith.constant 0 : i32
    %dma_wait3A_182 = tpu.memref_slice %arg2[%add3A_106, %dma_wait3A_181] : memref<2048x1024xi32, #tpu.memory_space<hbm>> -> memref<16x1024xi32, #tpu.memory_space<hbm>>
    tpu.wait_dma2 semaphore(%arg8 : memref<!tpu.dma_semaphore, #tpu.memory_space<semaphore_mem>>) src(%dma_wait3A_182 : memref<16x1024xi32, #tpu.memory_space<hbm>>) dst(%dma_wait3A_180 : memref<16x1024xi32, #tpu.memory_space<vmem>>)
    %dma_start3A_183 = arith.constant 0 : i32
    %dma_start3A_184 = arith.constant 3 : i32
    %dma_start3A_185 = arith.constant 0 : i32
    %dma_start3A_186 = arith.constant 0 : i32
    %dma_start3A_187 = tpu.memref_slice %arg7[%dma_start3A_183, %dma_start3A_185, %dma_start3A_186] : memref<3x16x1024xi32, #tpu.memory_space<vmem>> -> memref<1x16x1024xi32, #tpu.memory_space<vmem>>
    %dma_start3A_188 = tpu.memref_squeeze %dma_start3A_187 : memref<1x16x1024xi32, #tpu.memory_space<vmem>> -> memref<16x1024xi32, #tpu.memory_space<vmem>>
    %dma_start3A_189 = arith.constant 0 : i32
    %dma_start3A_190 = tpu.memref_slice %arg6[%dma_start3A_184, %dma_start3A_189] : memref<4x16xi32, #tpu.memory_space<vmem>> -> memref<1x16xi32, #tpu.memory_space<vmem>>
    %dma_start3A_191 = tpu.memref_squeeze %dma_start3A_190 : memref<1x16xi32, #tpu.memory_space<vmem>> -> memref<16xi32, #tpu.memory_space<vmem>>
    %dma_start3A_192 = arith.constant 0 : i32
    %dma_start3A_193 = arith.constant 0 : i32
    %dma_start3A_194 = tpu.memref_slice %arg4[%dma_start3A_192, %dma_start3A_193] : memref<3072x1024xi32, #tpu.memory_space<hbm>> -> memref<3072x1024xi32, #tpu.memory_space<hbm>>
    tpu.enqueue_indirect_dma source(%dma_start3A_188 : memref<16x1024xi32, #tpu.memory_space<vmem>>) target(%dma_start3A_194 : memref<3072x1024xi32, #tpu.memory_space<hbm>>) offsets(%dma_start3A_191 : memref<16xi32, #tpu.memory_space<vmem>>) semaphore(%arg11 : memref<!tpu.dma_semaphore, #tpu.memory_space<semaphore_mem>>)
    %dma_wait3A_195 = arith.constant 1 : i32
    %dma_wait3A_196 = arith.constant 1 : i32
    %dma_wait3A_197 = arith.constant 0 : i32
    %dma_wait3A_198 = arith.constant 0 : i32
    %dma_wait3A_199 = tpu.memref_slice %arg7[%dma_wait3A_195, %dma_wait3A_197, %dma_wait3A_198] : memref<3x16x1024xi32, #tpu.memory_space<vmem>> -> memref<1x16x1024xi32, #tpu.memory_space<vmem>>
    %dma_wait3A_200 = tpu.memref_squeeze %dma_wait3A_199 : memref<1x16x1024xi32, #tpu.memory_space<vmem>> -> memref<16x1024xi32, #tpu.memory_space<vmem>>
    %dma_wait3A_201 = arith.constant 0 : i32
    %dma_wait3A_202 = tpu.memref_slice %arg6[%dma_wait3A_196, %dma_wait3A_201] : memref<4x16xi32, #tpu.memory_space<vmem>> -> memref<1x16xi32, #tpu.memory_space<vmem>>
    %dma_wait3A_203 = tpu.memref_squeeze %dma_wait3A_202 : memref<1x16xi32, #tpu.memory_space<vmem>> -> memref<16xi32, #tpu.memory_space<vmem>>
    %dma_wait3A_204 = arith.constant 0 : i32
    %dma_wait3A_205 = arith.constant 0 : i32
    %dma_wait3A_206 = tpu.memref_slice %arg4[%dma_wait3A_204, %dma_wait3A_205] : memref<3072x1024xi32, #tpu.memory_space<hbm>> -> memref<3072x1024xi32, #tpu.memory_space<hbm>>
    tpu.wait_indirect_dma semaphore(%arg12 : memref<!tpu.dma_semaphore, #tpu.memory_space<semaphore_mem>>) src(%dma_wait3A_200 : memref<16x1024xi32, #tpu.memory_space<vmem>>) dst(%dma_wait3A_206 : memref<3072x1024xi32, #tpu.memory_space<hbm>>)
    %dma_wait3A_207 = arith.constant 2 : i32
    %dma_wait3A_208 = arith.constant 2 : i32
    %dma_wait3A_209 = arith.constant 0 : i32
    %dma_wait3A_210 = arith.constant 0 : i32
    %dma_wait3A_211 = tpu.memref_slice %arg7[%dma_wait3A_207, %dma_wait3A_209, %dma_wait3A_210] : memref<3x16x1024xi32, #tpu.memory_space<vmem>> -> memref<1x16x1024xi32, #tpu.memory_space<vmem>>
    %dma_wait3A_212 = tpu.memref_squeeze %dma_wait3A_211 : memref<1x16x1024xi32, #tpu.memory_space<vmem>> -> memref<16x1024xi32, #tpu.memory_space<vmem>>
    %dma_wait3A_213 = arith.constant 0 : i32
    %dma_wait3A_214 = tpu.memref_slice %arg6[%dma_wait3A_208, %dma_wait3A_213] : memref<4x16xi32, #tpu.memory_space<vmem>> -> memref<1x16xi32, #tpu.memory_space<vmem>>
    %dma_wait3A_215 = tpu.memref_squeeze %dma_wait3A_214 : memref<1x16xi32, #tpu.memory_space<vmem>> -> memref<16xi32, #tpu.memory_space<vmem>>
    %dma_wait3A_216 = arith.constant 0 : i32
    %dma_wait3A_217 = arith.constant 0 : i32
    %dma_wait3A_218 = tpu.memref_slice %arg4[%dma_wait3A_216, %dma_wait3A_217] : memref<3072x1024xi32, #tpu.memory_space<hbm>> -> memref<3072x1024xi32, #tpu.memory_space<hbm>>
    tpu.wait_indirect_dma semaphore(%arg13 : memref<!tpu.dma_semaphore, #tpu.memory_space<semaphore_mem>>) src(%dma_wait3A_212 : memref<16x1024xi32, #tpu.memory_space<vmem>>) dst(%dma_wait3A_218 : memref<3072x1024xi32, #tpu.memory_space<hbm>>)
    %dma_wait3A_219 = arith.constant 0 : i32
    %dma_wait3A_220 = arith.constant 3 : i32
    %dma_wait3A_221 = arith.constant 0 : i32
    %dma_wait3A_222 = arith.constant 0 : i32
    %dma_wait3A_223 = tpu.memref_slice %arg7[%dma_wait3A_219, %dma_wait3A_221, %dma_wait3A_222] : memref<3x16x1024xi32, #tpu.memory_space<vmem>> -> memref<1x16x1024xi32, #tpu.memory_space<vmem>>
    %dma_wait3A_224 = tpu.memref_squeeze %dma_wait3A_223 : memref<1x16x1024xi32, #tpu.memory_space<vmem>> -> memref<16x1024xi32, #tpu.memory_space<vmem>>
    %dma_wait3A_225 = arith.constant 0 : i32
    %dma_wait3A_226 = tpu.memref_slice %arg6[%dma_wait3A_220, %dma_wait3A_225] : memref<4x16xi32, #tpu.memory_space<vmem>> -> memref<1x16xi32, #tpu.memory_space<vmem>>
    %dma_wait3A_227 = tpu.memref_squeeze %dma_wait3A_226 : memref<1x16xi32, #tpu.memory_space<vmem>> -> memref<16xi32, #tpu.memory_space<vmem>>
    %dma_wait3A_228 = arith.constant 0 : i32
    %dma_wait3A_229 = arith.constant 0 : i32
    %dma_wait3A_230 = tpu.memref_slice %arg4[%dma_wait3A_228, %dma_wait3A_229] : memref<3072x1024xi32, #tpu.memory_space<hbm>> -> memref<3072x1024xi32, #tpu.memory_space<hbm>>
    tpu.wait_indirect_dma semaphore(%arg11 : memref<!tpu.dma_semaphore, #tpu.memory_space<semaphore_mem>>) src(%dma_wait3A_224 : memref<16x1024xi32, #tpu.memory_space<vmem>>) dst(%dma_wait3A_230 : memref<3072x1024xi32, #tpu.memory_space<hbm>>)
    return
  }
}

#map = affine_map<(d0, d1) -> (0, 0)>
#map1 = affine_map<(d0, d1) -> (0)>
module attributes {stable_mosaic.version = 14 : i64} {
  func.func @_sc_unperm_body(%arg0: i32, %arg1: i32, %arg2: memref<3072x2048xf32, #tpu.memory_space<hbm>>, %arg3: memref<2048xi32, #tpu.memory_space<hbm>>, %arg4: memref<2048x2048xf32, #tpu.memory_space<hbm>>, %arg5: memref<64xi32, #tpu.memory_space<vmem>>, %arg6: memref<4x16xi32, #tpu.memory_space<vmem>>, %arg7: memref<3x16x2048xf32, #tpu.memory_space<vmem>>, %arg8: memref<!tpu.dma_semaphore, #tpu.memory_space<semaphore_mem>>, %arg9: memref<!tpu.dma_semaphore, #tpu.memory_space<semaphore_mem>>, %arg10: memref<!tpu.dma_semaphore, #tpu.memory_space<semaphore_mem>>, %arg11: memref<!tpu.dma_semaphore, #tpu.memory_space<semaphore_mem>>, %arg12: memref<!tpu.dma_semaphore, #tpu.memory_space<semaphore_mem>>, %arg13: memref<!tpu.dma_semaphore, #tpu.memory_space<semaphore_mem>>) attributes {dimension_semantics = [#tpu.dimension_semantics<core_parallel>, #tpu.dimension_semantics<subcore_parallel>], iteration_bounds = array<i64: 2, 16>, scalar_prefetch = 0 : i64, scratch_operands = 9 : i64, tpu.core_type = #tpu.core_type<sc_vector_subcore>, window_params = [{transform_indices = #map}, {transform_indices = #map1}, {transform_indices = #map}]} {
    %mul3A = arith.constant 16 : i32
    %mul3A_0 = arith.muli %arg0, %mul3A : i32
    %add3A = arith.addi %mul3A_0, %arg1 : i32
    %mul3A_1 = arith.constant 64 : i32
    %mul3A_2 = arith.muli %add3A, %mul3A_1 : i32
    "tpu.region"() ({
      %run_scoped3A = tpu.sem_alloc : memref<!tpu.dma_semaphore, #tpu.memory_space<semaphore_mem>>
      %dma_start3A_231 = tpu.memref_slice %arg3[%mul3A_2] : memref<2048xi32, #tpu.memory_space<hbm>> -> memref<64xi32, #tpu.memory_space<hbm>>
      %dma_start3A_232 = tpu.memref_slice %arg3[%mul3A_2] : memref<2048xi32, #tpu.memory_space<hbm>> -> memref<64xi32, #tpu.memory_space<hbm>>
      tpu.enqueue_dma source(%dma_start3A_232 : memref<64xi32, #tpu.memory_space<hbm>>) target(%arg5 : memref<64xi32, #tpu.memory_space<vmem>>) target_semaphore(%run_scoped3A : memref<!tpu.dma_semaphore, #tpu.memory_space<semaphore_mem>>)
      %dma_wait3A_233 = tpu.memref_slice %arg3[%mul3A_2] : memref<2048xi32, #tpu.memory_space<hbm>> -> memref<64xi32, #tpu.memory_space<hbm>>
      %dma_wait3A_234 = tpu.memref_slice %arg3[%mul3A_2] : memref<2048xi32, #tpu.memory_space<hbm>> -> memref<64xi32, #tpu.memory_space<hbm>>
      tpu.wait_dma2 semaphore(%run_scoped3A : memref<!tpu.dma_semaphore, #tpu.memory_space<semaphore_mem>>) src(%dma_wait3A_234 : memref<64xi32, #tpu.memory_space<hbm>>) dst(%arg5 : memref<64xi32, #tpu.memory_space<vmem>>)
      tpu.yield
    }) : () -> ()
    %get3A = arith.constant 0 : index
    %get3A_3 = tpu.vector_load %arg5[%get3A] {strides = array<i32>} : memref<64xi32, #tpu.memory_space<vmem>>, vector<16xi32>,
    %swap3A = arith.constant 0 : i32
    %swap3A_4 = arith.index_cast %swap3A : i32 to index
    %swap3A_5 = arith.constant 0 : index
    %swap3A_6 = tpu.vector_load %arg6[%swap3A_4, %swap3A_5] {strides = array<i32>} : memref<4x16xi32, #tpu.memory_space<vmem>>, vector<16xi32>,
    tpu.vector_store %arg6[%swap3A_4, %swap3A_5], %get3A_3 {strides = array<i32>} : memref<4x16xi32, #tpu.memory_space<vmem>>, vector<16xi32>,
    %get3A_7 = arith.constant 16 : index
    %get3A_8 = tpu.vector_load %arg5[%get3A_7] {strides = array<i32>} : memref<64xi32, #tpu.memory_space<vmem>>, vector<16xi32>,
    %swap3A_9 = arith.constant 1 : i32
    %swap3A_10 = arith.index_cast %swap3A_9 : i32 to index
    %swap3A_11 = arith.constant 0 : index
    %swap3A_12 = tpu.vector_load %arg6[%swap3A_10, %swap3A_11] {strides = array<i32>} : memref<4x16xi32, #tpu.memory_space<vmem>>, vector<16xi32>,
    tpu.vector_store %arg6[%swap3A_10, %swap3A_11], %get3A_8 {strides = array<i32>} : memref<4x16xi32, #tpu.memory_space<vmem>>, vector<16xi32>,
    %get3A_13 = arith.constant 32 : index
    %get3A_14 = tpu.vector_load %arg5[%get3A_13] {strides = array<i32>} : memref<64xi32, #tpu.memory_space<vmem>>, vector<16xi32>,
    %swap3A_15 = arith.constant 2 : i32
    %swap3A_16 = arith.index_cast %swap3A_15 : i32 to index
    %swap3A_17 = arith.constant 0 : index
    %swap3A_18 = tpu.vector_load %arg6[%swap3A_16, %swap3A_17] {strides = array<i32>} : memref<4x16xi32, #tpu.memory_space<vmem>>, vector<16xi32>,
    tpu.vector_store %arg6[%swap3A_16, %swap3A_17], %get3A_14 {strides = array<i32>} : memref<4x16xi32, #tpu.memory_space<vmem>>, vector<16xi32>,
    %get3A_19 = arith.constant 48 : index
    %get3A_20 = tpu.vector_load %arg5[%get3A_19] {strides = array<i32>} : memref<64xi32, #tpu.memory_space<vmem>>, vector<16xi32>,
    %swap3A_21 = arith.constant 3 : i32
    %swap3A_22 = arith.index_cast %swap3A_21 : i32 to index
    %swap3A_23 = arith.constant 0 : index
    %swap3A_24 = tpu.vector_load %arg6[%swap3A_22, %swap3A_23] {strides = array<i32>} : memref<4x16xi32, #tpu.memory_space<vmem>>, vector<16xi32>,
    tpu.vector_store %arg6[%swap3A_22, %swap3A_23], %get3A_20 {strides = array<i32>} : memref<4x16xi32, #tpu.memory_space<vmem>>, vector<16xi32>,
    %dma_start3A = arith.constant 0 : i32
    %dma_start3A_25 = arith.constant 0 : i32
    %dma_start3A_26 = arith.constant 0 : i32
    %dma_start3A_27 = arith.constant 0 : i32
    %dma_start3A_28 = tpu.memref_slice %arg7[%dma_start3A_25, %dma_start3A_26, %dma_start3A_27] : memref<3x16x2048xf32, #tpu.memory_space<vmem>> -> memref<1x16x2048xf32, #tpu.memory_space<vmem>>
    %dma_start3A_29 = tpu.memref_squeeze %dma_start3A_28 : memref<1x16x2048xf32, #tpu.memory_space<vmem>> -> memref<16x2048xf32, #tpu.memory_space<vmem>>
    %dma_start3A_30 = arith.constant 0 : i32
    %dma_start3A_31 = tpu.memref_slice %arg6[%dma_start3A, %dma_start3A_30] : memref<4x16xi32, #tpu.memory_space<vmem>> -> memref<1x16xi32, #tpu.memory_space<vmem>>
    %dma_start3A_32 = tpu.memref_squeeze %dma_start3A_31 : memref<1x16xi32, #tpu.memory_space<vmem>> -> memref<16xi32, #tpu.memory_space<vmem>>
    %dma_start3A_33 = arith.constant 0 : i32
    %dma_start3A_34 = arith.constant 0 : i32
    %dma_start3A_35 = tpu.memref_slice %arg2[%dma_start3A_33, %dma_start3A_34] : memref<3072x2048xf32, #tpu.memory_space<hbm>> -> memref<3072x2048xf32, #tpu.memory_space<hbm>>
    tpu.enqueue_indirect_dma source(%dma_start3A_35 : memref<3072x2048xf32, #tpu.memory_space<hbm>>) target(%dma_start3A_29 : memref<16x2048xf32, #tpu.memory_space<vmem>>) offsets(%dma_start3A_32 : memref<16xi32, #tpu.memory_space<vmem>>) semaphore(%arg8 : memref<!tpu.dma_semaphore, #tpu.memory_space<semaphore_mem>>)
    %dma_start3A_36 = arith.constant 1 : i32
    %dma_start3A_37 = arith.constant 1 : i32
    %dma_start3A_38 = arith.constant 0 : i32
    %dma_start3A_39 = arith.constant 0 : i32
    %dma_start3A_40 = tpu.memref_slice %arg7[%dma_start3A_37, %dma_start3A_38, %dma_start3A_39] : memref<3x16x2048xf32, #tpu.memory_space<vmem>> -> memref<1x16x2048xf32, #tpu.memory_space<vmem>>
    %dma_start3A_41 = tpu.memref_squeeze %dma_start3A_40 : memref<1x16x2048xf32, #tpu.memory_space<vmem>> -> memref<16x2048xf32, #tpu.memory_space<vmem>>
    %dma_start3A_42 = arith.constant 0 : i32
    %dma_start3A_43 = tpu.memref_slice %arg6[%dma_start3A_36, %dma_start3A_42] : memref<4x16xi32, #tpu.memory_space<vmem>> -> memref<1x16xi32, #tpu.memory_space<vmem>>
    %dma_start3A_44 = tpu.memref_squeeze %dma_start3A_43 : memref<1x16xi32, #tpu.memory_space<vmem>> -> memref<16xi32, #tpu.memory_space<vmem>>
    %dma_start3A_45 = arith.constant 0 : i32
    %dma_start3A_46 = arith.constant 0 : i32
    %dma_start3A_47 = tpu.memref_slice %arg2[%dma_start3A_45, %dma_start3A_46] : memref<3072x2048xf32, #tpu.memory_space<hbm>> -> memref<3072x2048xf32, #tpu.memory_space<hbm>>
    tpu.enqueue_indirect_dma source(%dma_start3A_47 : memref<3072x2048xf32, #tpu.memory_space<hbm>>) target(%dma_start3A_41 : memref<16x2048xf32, #tpu.memory_space<vmem>>) offsets(%dma_start3A_44 : memref<16xi32, #tpu.memory_space<vmem>>) semaphore(%arg9 : memref<!tpu.dma_semaphore, #tpu.memory_space<semaphore_mem>>)
    %dma_start3A_48 = arith.constant 2 : i32
    %dma_start3A_49 = arith.constant 2 : i32
    %dma_start3A_50 = arith.constant 0 : i32
    %dma_start3A_51 = arith.constant 0 : i32
    %dma_start3A_52 = tpu.memref_slice %arg7[%dma_start3A_49, %dma_start3A_50, %dma_start3A_51] : memref<3x16x2048xf32, #tpu.memory_space<vmem>> -> memref<1x16x2048xf32, #tpu.memory_space<vmem>>
    %dma_start3A_53 = tpu.memref_squeeze %dma_start3A_52 : memref<1x16x2048xf32, #tpu.memory_space<vmem>> -> memref<16x2048xf32, #tpu.memory_space<vmem>>
    %dma_start3A_54 = arith.constant 0 : i32
    %dma_start3A_55 = tpu.memref_slice %arg6[%dma_start3A_48, %dma_start3A_54] : memref<4x16xi32, #tpu.memory_space<vmem>> -> memref<1x16xi32, #tpu.memory_space<vmem>>
    %dma_start3A_56 = tpu.memref_squeeze %dma_start3A_55 : memref<1x16xi32, #tpu.memory_space<vmem>> -> memref<16xi32, #tpu.memory_space<vmem>>
    %dma_start3A_57 = arith.constant 0 : i32
    %dma_start3A_58 = arith.constant 0 : i32
    %dma_start3A_59 = tpu.memref_slice %arg2[%dma_start3A_57, %dma_start3A_58] : memref<3072x2048xf32, #tpu.memory_space<hbm>> -> memref<3072x2048xf32, #tpu.memory_space<hbm>>
    tpu.enqueue_indirect_dma source(%dma_start3A_59 : memref<3072x2048xf32, #tpu.memory_space<hbm>>) target(%dma_start3A_53 : memref<16x2048xf32, #tpu.memory_space<vmem>>) offsets(%dma_start3A_56 : memref<16xi32, #tpu.memory_space<vmem>>) semaphore(%arg10 : memref<!tpu.dma_semaphore, #tpu.memory_space<semaphore_mem>>)
    %dma_wait3A = arith.constant 0 : i32
    %dma_wait3A_60 = arith.constant 0 : i32
    %dma_wait3A_61 = arith.constant 0 : i32
    %dma_wait3A_62 = arith.constant 0 : i32
    %dma_wait3A_63 = tpu.memref_slice %arg7[%dma_wait3A_60, %dma_wait3A_61, %dma_wait3A_62] : memref<3x16x2048xf32, #tpu.memory_space<vmem>> -> memref<1x16x2048xf32, #tpu.memory_space<vmem>>
    %dma_wait3A_64 = tpu.memref_squeeze %dma_wait3A_63 : memref<1x16x2048xf32, #tpu.memory_space<vmem>> -> memref<16x2048xf32, #tpu.memory_space<vmem>>
    %dma_wait3A_65 = arith.constant 0 : i32
    %dma_wait3A_66 = tpu.memref_slice %arg6[%dma_wait3A, %dma_wait3A_65] : memref<4x16xi32, #tpu.memory_space<vmem>> -> memref<1x16xi32, #tpu.memory_space<vmem>>
    %dma_wait3A_67 = tpu.memref_squeeze %dma_wait3A_66 : memref<1x16xi32, #tpu.memory_space<vmem>> -> memref<16xi32, #tpu.memory_space<vmem>>
    %dma_wait3A_68 = arith.constant 0 : i32
    %dma_wait3A_69 = arith.constant 0 : i32
    %dma_wait3A_70 = tpu.memref_slice %arg2[%dma_wait3A_68, %dma_wait3A_69] : memref<3072x2048xf32, #tpu.memory_space<hbm>> -> memref<3072x2048xf32, #tpu.memory_space<hbm>>
    tpu.wait_indirect_dma semaphore(%arg8 : memref<!tpu.dma_semaphore, #tpu.memory_space<semaphore_mem>>) src(%dma_wait3A_70 : memref<3072x2048xf32, #tpu.memory_space<hbm>>) dst(%dma_wait3A_64 : memref<16x2048xf32, #tpu.memory_space<vmem>>)
    %add3A_71 = arith.constant 0 : i32
    %add3A_72 = arith.addi %mul3A_2, %add3A_71 : i32
    %dma_start3A_73 = arith.constant 0 : i32
    %dma_start3A_74 = arith.constant 0 : i32
    %dma_start3A_75 = arith.constant 0 : i32
    %dma_start3A_76 = tpu.memref_slice %arg7[%dma_start3A_73, %dma_start3A_74, %dma_start3A_75] : memref<3x16x2048xf32, #tpu.memory_space<vmem>> -> memref<1x16x2048xf32, #tpu.memory_space<vmem>>
    %dma_start3A_77 = tpu.memref_squeeze %dma_start3A_76 : memref<1x16x2048xf32, #tpu.memory_space<vmem>> -> memref<16x2048xf32, #tpu.memory_space<vmem>>
    %dma_start3A_78 = arith.constant 0 : i32
    %dma_start3A_79 = tpu.memref_slice %arg4[%add3A_72, %dma_start3A_78] : memref<2048x2048xf32, #tpu.memory_space<hbm>> -> memref<16x2048xf32, #tpu.memory_space<hbm>>
    %dma_start3A_80 = arith.constant 0 : i32
    %dma_start3A_81 = tpu.memref_slice %arg4[%add3A_72, %dma_start3A_80] : memref<2048x2048xf32, #tpu.memory_space<hbm>> -> memref<16x2048xf32, #tpu.memory_space<hbm>>
    %dma_start3A_82 = arith.constant 0 : i32
    %dma_start3A_83 = arith.constant 0 : i32
    %dma_start3A_84 = tpu.memref_slice %arg7[%dma_start3A_73, %dma_start3A_82, %dma_start3A_83] : memref<3x16x2048xf32, #tpu.memory_space<vmem>> -> memref<1x16x2048xf32, #tpu.memory_space<vmem>>
    %dma_start3A_85 = tpu.memref_squeeze %dma_start3A_84 : memref<1x16x2048xf32, #tpu.memory_space<vmem>> -> memref<16x2048xf32, #tpu.memory_space<vmem>>
    tpu.enqueue_dma source(%dma_start3A_85 : memref<16x2048xf32, #tpu.memory_space<vmem>>) target(%dma_start3A_81 : memref<16x2048xf32, #tpu.memory_space<hbm>>) target_semaphore(%arg11 : memref<!tpu.dma_semaphore, #tpu.memory_space<semaphore_mem>>)
    %dma_wait3A_86 = arith.constant 0 : i32
    %dma_wait3A_87 = arith.constant 0 : i32
    %dma_wait3A_88 = arith.constant 0 : i32
    %dma_wait3A_89 = tpu.memref_slice %arg7[%dma_wait3A_86, %dma_wait3A_87, %dma_wait3A_88] : memref<3x16x2048xf32, #tpu.memory_space<vmem>> -> memref<1x16x2048xf32, #tpu.memory_space<vmem>>
    %dma_wait3A_90 = tpu.memref_squeeze %dma_wait3A_89 : memref<1x16x2048xf32, #tpu.memory_space<vmem>> -> memref<16x2048xf32, #tpu.memory_space<vmem>>
    %dma_wait3A_91 = arith.constant 0 : i32
    %dma_wait3A_92 = tpu.memref_slice %arg4[%add3A_72, %dma_wait3A_91] : memref<2048x2048xf32, #tpu.memory_space<hbm>> -> memref<16x2048xf32, #tpu.memory_space<hbm>>
    %dma_wait3A_93 = arith.constant 0 : i32
    %dma_wait3A_94 = tpu.memref_slice %arg4[%add3A_72, %dma_wait3A_93] : memref<2048x2048xf32, #tpu.memory_space<hbm>> -> memref<16x2048xf32, #tpu.memory_space<hbm>>
    %dma_wait3A_95 = arith.constant 0 : i32
    %dma_wait3A_96 = arith.constant 0 : i32
    %dma_wait3A_97 = tpu.memref_slice %arg7[%dma_wait3A_86, %dma_wait3A_95, %dma_wait3A_96] : memref<3x16x2048xf32, #tpu.memory_space<vmem>> -> memref<1x16x2048xf32, #tpu.memory_space<vmem>>
    %dma_wait3A_98 = tpu.memref_squeeze %dma_wait3A_97 : memref<1x16x2048xf32, #tpu.memory_space<vmem>> -> memref<16x2048xf32, #tpu.memory_space<vmem>>
    tpu.wait_dma2 semaphore(%arg11 : memref<!tpu.dma_semaphore, #tpu.memory_space<semaphore_mem>>) src(%dma_wait3A_98 : memref<16x2048xf32, #tpu.memory_space<vmem>>) dst(%dma_wait3A_94 : memref<16x2048xf32, #tpu.memory_space<hbm>>)
    %dma_start3A_99 = arith.constant 3 : i32
    %dma_start3A_100 = arith.constant 0 : i32
    %dma_start3A_101 = arith.constant 0 : i32
    %dma_start3A_102 = arith.constant 0 : i32
    %dma_start3A_103 = tpu.memref_slice %arg7[%dma_start3A_100, %dma_start3A_101, %dma_start3A_102] : memref<3x16x2048xf32, #tpu.memory_space<vmem>> -> memref<1x16x2048xf32, #tpu.memory_space<vmem>>
    %dma_start3A_104 = tpu.memref_squeeze %dma_start3A_103 : memref<1x16x2048xf32, #tpu.memory_space<vmem>> -> memref<16x2048xf32, #tpu.memory_space<vmem>>
    %dma_start3A_105 = arith.constant 0 : i32
    %dma_start3A_106 = tpu.memref_slice %arg6[%dma_start3A_99, %dma_start3A_105] : memref<4x16xi32, #tpu.memory_space<vmem>> -> memref<1x16xi32, #tpu.memory_space<vmem>>
    %dma_start3A_107 = tpu.memref_squeeze %dma_start3A_106 : memref<1x16xi32, #tpu.memory_space<vmem>> -> memref<16xi32, #tpu.memory_space<vmem>>
    %dma_start3A_108 = arith.constant 0 : i32
    %dma_start3A_109 = arith.constant 0 : i32
    %dma_start3A_110 = tpu.memref_slice %arg2[%dma_start3A_108, %dma_start3A_109] : memref<3072x2048xf32, #tpu.memory_space<hbm>> -> memref<3072x2048xf32, #tpu.memory_space<hbm>>
    tpu.enqueue_indirect_dma source(%dma_start3A_110 : memref<3072x2048xf32, #tpu.memory_space<hbm>>) target(%dma_start3A_104 : memref<16x2048xf32, #tpu.memory_space<vmem>>) offsets(%dma_start3A_107 : memref<16xi32, #tpu.memory_space<vmem>>) semaphore(%arg8 : memref<!tpu.dma_semaphore, #tpu.memory_space<semaphore_mem>>)
    %dma_wait3A_111 = arith.constant 1 : i32
    %dma_wait3A_112 = arith.constant 1 : i32
    %dma_wait3A_113 = arith.constant 0 : i32
    %dma_wait3A_114 = arith.constant 0 : i32
    %dma_wait3A_115 = tpu.memref_slice %arg7[%dma_wait3A_112, %dma_wait3A_113, %dma_wait3A_114] : memref<3x16x2048xf32, #tpu.memory_space<vmem>> -> memref<1x16x2048xf32, #tpu.memory_space<vmem>>
    %dma_wait3A_116 = tpu.memref_squeeze %dma_wait3A_115 : memref<1x16x2048xf32, #tpu.memory_space<vmem>> -> memref<16x2048xf32, #tpu.memory_space<vmem>>
    %dma_wait3A_117 = arith.constant 0 : i32
    %dma_wait3A_118 = tpu.memref_slice %arg6[%dma_wait3A_111, %dma_wait3A_117] : memref<4x16xi32, #tpu.memory_space<vmem>> -> memref<1x16xi32, #tpu.memory_space<vmem>>
    %dma_wait3A_119 = tpu.memref_squeeze %dma_wait3A_118 : memref<1x16xi32, #tpu.memory_space<vmem>> -> memref<16xi32, #tpu.memory_space<vmem>>
    %dma_wait3A_120 = arith.constant 0 : i32
    %dma_wait3A_121 = arith.constant 0 : i32
    %dma_wait3A_122 = tpu.memref_slice %arg2[%dma_wait3A_120, %dma_wait3A_121] : memref<3072x2048xf32, #tpu.memory_space<hbm>> -> memref<3072x2048xf32, #tpu.memory_space<hbm>>
    tpu.wait_indirect_dma semaphore(%arg9 : memref<!tpu.dma_semaphore, #tpu.memory_space<semaphore_mem>>) src(%dma_wait3A_122 : memref<3072x2048xf32, #tpu.memory_space<hbm>>) dst(%dma_wait3A_116 : memref<16x2048xf32, #tpu.memory_space<vmem>>)
    %add3A_123 = arith.constant 16 : i32
    %add3A_124 = arith.addi %mul3A_2, %add3A_123 : i32
    %dma_start3A_125 = arith.constant 1 : i32
    %dma_start3A_126 = arith.constant 0 : i32
    %dma_start3A_127 = arith.constant 0 : i32
    %dma_start3A_128 = tpu.memref_slice %arg7[%dma_start3A_125, %dma_start3A_126, %dma_start3A_127] : memref<3x16x2048xf32, #tpu.memory_space<vmem>> -> memref<1x16x2048xf32, #tpu.memory_space<vmem>>
    %dma_start3A_129 = tpu.memref_squeeze %dma_start3A_128 : memref<1x16x2048xf32, #tpu.memory_space<vmem>> -> memref<16x2048xf32, #tpu.memory_space<vmem>>
    %dma_start3A_130 = arith.constant 0 : i32
    %dma_start3A_131 = tpu.memref_slice %arg4[%add3A_124, %dma_start3A_130] : memref<2048x2048xf32, #tpu.memory_space<hbm>> -> memref<16x2048xf32, #tpu.memory_space<hbm>>
    %dma_start3A_132 = arith.constant 0 : i32
    %dma_start3A_133 = tpu.memref_slice %arg4[%add3A_124, %dma_start3A_132] : memref<2048x2048xf32, #tpu.memory_space<hbm>> -> memref<16x2048xf32, #tpu.memory_space<hbm>>
    %dma_start3A_134 = arith.constant 0 : i32
    %dma_start3A_135 = arith.constant 0 : i32
    %dma_start3A_136 = tpu.memref_slice %arg7[%dma_start3A_125, %dma_start3A_134, %dma_start3A_135] : memref<3x16x2048xf32, #tpu.memory_space<vmem>> -> memref<1x16x2048xf32, #tpu.memory_space<vmem>>
    %dma_start3A_137 = tpu.memref_squeeze %dma_start3A_136 : memref<1x16x2048xf32, #tpu.memory_space<vmem>> -> memref<16x2048xf32, #tpu.memory_space<vmem>>
    tpu.enqueue_dma source(%dma_start3A_137 : memref<16x2048xf32, #tpu.memory_space<vmem>>) target(%dma_start3A_133 : memref<16x2048xf32, #tpu.memory_space<hbm>>) target_semaphore(%arg12 : memref<!tpu.dma_semaphore, #tpu.memory_space<semaphore_mem>>)
    %dma_wait3A_138 = arith.constant 2 : i32
    %dma_wait3A_139 = arith.constant 2 : i32
    %dma_wait3A_140 = arith.constant 0 : i32
    %dma_wait3A_141 = arith.constant 0 : i32
    %dma_wait3A_142 = tpu.memref_slice %arg7[%dma_wait3A_139, %dma_wait3A_140, %dma_wait3A_141] : memref<3x16x2048xf32, #tpu.memory_space<vmem>> -> memref<1x16x2048xf32, #tpu.memory_space<vmem>>
    %dma_wait3A_143 = tpu.memref_squeeze %dma_wait3A_142 : memref<1x16x2048xf32, #tpu.memory_space<vmem>> -> memref<16x2048xf32, #tpu.memory_space<vmem>>
    %dma_wait3A_144 = arith.constant 0 : i32
    %dma_wait3A_145 = tpu.memref_slice %arg6[%dma_wait3A_138, %dma_wait3A_144] : memref<4x16xi32, #tpu.memory_space<vmem>> -> memref<1x16xi32, #tpu.memory_space<vmem>>
    %dma_wait3A_146 = tpu.memref_squeeze %dma_wait3A_145 : memref<1x16xi32, #tpu.memory_space<vmem>> -> memref<16xi32, #tpu.memory_space<vmem>>
    %dma_wait3A_147 = arith.constant 0 : i32
    %dma_wait3A_148 = arith.constant 0 : i32
    %dma_wait3A_149 = tpu.memref_slice %arg2[%dma_wait3A_147, %dma_wait3A_148] : memref<3072x2048xf32, #tpu.memory_space<hbm>> -> memref<3072x2048xf32, #tpu.memory_space<hbm>>
    tpu.wait_indirect_dma semaphore(%arg10 : memref<!tpu.dma_semaphore, #tpu.memory_space<semaphore_mem>>) src(%dma_wait3A_149 : memref<3072x2048xf32, #tpu.memory_space<hbm>>) dst(%dma_wait3A_143 : memref<16x2048xf32, #tpu.memory_space<vmem>>)
    %add3A_150 = arith.constant 32 : i32
    %add3A_151 = arith.addi %mul3A_2, %add3A_150 : i32
    %dma_start3A_152 = arith.constant 2 : i32
    %dma_start3A_153 = arith.constant 0 : i32
    %dma_start3A_154 = arith.constant 0 : i32
    %dma_start3A_155 = tpu.memref_slice %arg7[%dma_start3A_152, %dma_start3A_153, %dma_start3A_154] : memref<3x16x2048xf32, #tpu.memory_space<vmem>> -> memref<1x16x2048xf32, #tpu.memory_space<vmem>>
    %dma_start3A_156 = tpu.memref_squeeze %dma_start3A_155 : memref<1x16x2048xf32, #tpu.memory_space<vmem>> -> memref<16x2048xf32, #tpu.memory_space<vmem>>
    %dma_start3A_157 = arith.constant 0 : i32
    %dma_start3A_158 = tpu.memref_slice %arg4[%add3A_151, %dma_start3A_157] : memref<2048x2048xf32, #tpu.memory_space<hbm>> -> memref<16x2048xf32, #tpu.memory_space<hbm>>
    %dma_start3A_159 = arith.constant 0 : i32
    %dma_start3A_160 = tpu.memref_slice %arg4[%add3A_151, %dma_start3A_159] : memref<2048x2048xf32, #tpu.memory_space<hbm>> -> memref<16x2048xf32, #tpu.memory_space<hbm>>
    %dma_start3A_161 = arith.constant 0 : i32
    %dma_start3A_162 = arith.constant 0 : i32
    %dma_start3A_163 = tpu.memref_slice %arg7[%dma_start3A_152, %dma_start3A_161, %dma_start3A_162] : memref<3x16x2048xf32, #tpu.memory_space<vmem>> -> memref<1x16x2048xf32, #tpu.memory_space<vmem>>
    %dma_start3A_164 = tpu.memref_squeeze %dma_start3A_163 : memref<1x16x2048xf32, #tpu.memory_space<vmem>> -> memref<16x2048xf32, #tpu.memory_space<vmem>>
    tpu.enqueue_dma source(%dma_start3A_164 : memref<16x2048xf32, #tpu.memory_space<vmem>>) target(%dma_start3A_160 : memref<16x2048xf32, #tpu.memory_space<hbm>>) target_semaphore(%arg13 : memref<!tpu.dma_semaphore, #tpu.memory_space<semaphore_mem>>)
    %dma_wait3A_165 = arith.constant 3 : i32
    %dma_wait3A_166 = arith.constant 0 : i32
    %dma_wait3A_167 = arith.constant 0 : i32
    %dma_wait3A_168 = arith.constant 0 : i32
    %dma_wait3A_169 = tpu.memref_slice %arg7[%dma_wait3A_166, %dma_wait3A_167, %dma_wait3A_168] : memref<3x16x2048xf32, #tpu.memory_space<vmem>> -> memref<1x16x2048xf32, #tpu.memory_space<vmem>>
    %dma_wait3A_170 = tpu.memref_squeeze %dma_wait3A_169 : memref<1x16x2048xf32, #tpu.memory_space<vmem>> -> memref<16x2048xf32, #tpu.memory_space<vmem>>
    %dma_wait3A_171 = arith.constant 0 : i32
    %dma_wait3A_172 = tpu.memref_slice %arg6[%dma_wait3A_165, %dma_wait3A_171] : memref<4x16xi32, #tpu.memory_space<vmem>> -> memref<1x16xi32, #tpu.memory_space<vmem>>
    %dma_wait3A_173 = tpu.memref_squeeze %dma_wait3A_172 : memref<1x16xi32, #tpu.memory_space<vmem>> -> memref<16xi32, #tpu.memory_space<vmem>>
    %dma_wait3A_174 = arith.constant 0 : i32
    %dma_wait3A_175 = arith.constant 0 : i32
    %dma_wait3A_176 = tpu.memref_slice %arg2[%dma_wait3A_174, %dma_wait3A_175] : memref<3072x2048xf32, #tpu.memory_space<hbm>> -> memref<3072x2048xf32, #tpu.memory_space<hbm>>
    tpu.wait_indirect_dma semaphore(%arg8 : memref<!tpu.dma_semaphore, #tpu.memory_space<semaphore_mem>>) src(%dma_wait3A_176 : memref<3072x2048xf32, #tpu.memory_space<hbm>>) dst(%dma_wait3A_170 : memref<16x2048xf32, #tpu.memory_space<vmem>>)
    %add3A_177 = arith.constant 48 : i32
    %add3A_178 = arith.addi %mul3A_2, %add3A_177 : i32
    %dma_start3A_179 = arith.constant 0 : i32
    %dma_start3A_180 = arith.constant 0 : i32
    %dma_start3A_181 = arith.constant 0 : i32
    %dma_start3A_182 = tpu.memref_slice %arg7[%dma_start3A_179, %dma_start3A_180, %dma_start3A_181] : memref<3x16x2048xf32, #tpu.memory_space<vmem>> -> memref<1x16x2048xf32, #tpu.memory_space<vmem>>
    %dma_start3A_183 = tpu.memref_squeeze %dma_start3A_182 : memref<1x16x2048xf32, #tpu.memory_space<vmem>> -> memref<16x2048xf32, #tpu.memory_space<vmem>>
    %dma_start3A_184 = arith.constant 0 : i32
    %dma_start3A_185 = tpu.memref_slice %arg4[%add3A_178, %dma_start3A_184] : memref<2048x2048xf32, #tpu.memory_space<hbm>> -> memref<16x2048xf32, #tpu.memory_space<hbm>>
    %dma_start3A_186 = arith.constant 0 : i32
    %dma_start3A_187 = tpu.memref_slice %arg4[%add3A_178, %dma_start3A_186] : memref<2048x2048xf32, #tpu.memory_space<hbm>> -> memref<16x2048xf32, #tpu.memory_space<hbm>>
    %dma_start3A_188 = arith.constant 0 : i32
    %dma_start3A_189 = arith.constant 0 : i32
    %dma_start3A_190 = tpu.memref_slice %arg7[%dma_start3A_179, %dma_start3A_188, %dma_start3A_189] : memref<3x16x2048xf32, #tpu.memory_space<vmem>> -> memref<1x16x2048xf32, #tpu.memory_space<vmem>>
    %dma_start3A_191 = tpu.memref_squeeze %dma_start3A_190 : memref<1x16x2048xf32, #tpu.memory_space<vmem>> -> memref<16x2048xf32, #tpu.memory_space<vmem>>
    tpu.enqueue_dma source(%dma_start3A_191 : memref<16x2048xf32, #tpu.memory_space<vmem>>) target(%dma_start3A_187 : memref<16x2048xf32, #tpu.memory_space<hbm>>) target_semaphore(%arg11 : memref<!tpu.dma_semaphore, #tpu.memory_space<semaphore_mem>>)
    %dma_wait3A_192 = arith.constant 1 : i32
    %dma_wait3A_193 = arith.constant 0 : i32
    %dma_wait3A_194 = arith.constant 0 : i32
    %dma_wait3A_195 = tpu.memref_slice %arg7[%dma_wait3A_192, %dma_wait3A_193, %dma_wait3A_194] : memref<3x16x2048xf32, #tpu.memory_space<vmem>> -> memref<1x16x2048xf32, #tpu.memory_space<vmem>>
    %dma_wait3A_196 = tpu.memref_squeeze %dma_wait3A_195 : memref<1x16x2048xf32, #tpu.memory_space<vmem>> -> memref<16x2048xf32, #tpu.memory_space<vmem>>
    %dma_wait3A_197 = arith.constant 0 : i32
    %dma_wait3A_198 = tpu.memref_slice %arg4[%add3A_124, %dma_wait3A_197] : memref<2048x2048xf32, #tpu.memory_space<hbm>> -> memref<16x2048xf32, #tpu.memory_space<hbm>>
    %dma_wait3A_199 = arith.constant 0 : i32
    %dma_wait3A_200 = tpu.memref_slice %arg4[%add3A_124, %dma_wait3A_199] : memref<2048x2048xf32, #tpu.memory_space<hbm>> -> memref<16x2048xf32, #tpu.memory_space<hbm>>
    %dma_wait3A_201 = arith.constant 0 : i32
    %dma_wait3A_202 = arith.constant 0 : i32
    %dma_wait3A_203 = tpu.memref_slice %arg7[%dma_wait3A_192, %dma_wait3A_201, %dma_wait3A_202] : memref<3x16x2048xf32, #tpu.memory_space<vmem>> -> memref<1x16x2048xf32, #tpu.memory_space<vmem>>
    %dma_wait3A_204 = tpu.memref_squeeze %dma_wait3A_203 : memref<1x16x2048xf32, #tpu.memory_space<vmem>> -> memref<16x2048xf32, #tpu.memory_space<vmem>>
    tpu.wait_dma2 semaphore(%arg12 : memref<!tpu.dma_semaphore, #tpu.memory_space<semaphore_mem>>) src(%dma_wait3A_204 : memref<16x2048xf32, #tpu.memory_space<vmem>>) dst(%dma_wait3A_200 : memref<16x2048xf32, #tpu.memory_space<hbm>>)
    %dma_wait3A_205 = arith.constant 2 : i32
    %dma_wait3A_206 = arith.constant 0 : i32
    %dma_wait3A_207 = arith.constant 0 : i32
    %dma_wait3A_208 = tpu.memref_slice %arg7[%dma_wait3A_205, %dma_wait3A_206, %dma_wait3A_207] : memref<3x16x2048xf32, #tpu.memory_space<vmem>> -> memref<1x16x2048xf32, #tpu.memory_space<vmem>>
    %dma_wait3A_209 = tpu.memref_squeeze %dma_wait3A_208 : memref<1x16x2048xf32, #tpu.memory_space<vmem>> -> memref<16x2048xf32, #tpu.memory_space<vmem>>
    %dma_wait3A_210 = arith.constant 0 : i32
    %dma_wait3A_211 = tpu.memref_slice %arg4[%add3A_151, %dma_wait3A_210] : memref<2048x2048xf32, #tpu.memory_space<hbm>> -> memref<16x2048xf32, #tpu.memory_space<hbm>>
    %dma_wait3A_212 = arith.constant 0 : i32
    %dma_wait3A_213 = tpu.memref_slice %arg4[%add3A_151, %dma_wait3A_212] : memref<2048x2048xf32, #tpu.memory_space<hbm>> -> memref<16x2048xf32, #tpu.memory_space<hbm>>
    %dma_wait3A_214 = arith.constant 0 : i32
    %dma_wait3A_215 = arith.constant 0 : i32
    %dma_wait3A_216 = tpu.memref_slice %arg7[%dma_wait3A_205, %dma_wait3A_214, %dma_wait3A_215] : memref<3x16x2048xf32, #tpu.memory_space<vmem>> -> memref<1x16x2048xf32, #tpu.memory_space<vmem>>
    %dma_wait3A_217 = tpu.memref_squeeze %dma_wait3A_216 : memref<1x16x2048xf32, #tpu.memory_space<vmem>> -> memref<16x2048xf32, #tpu.memory_space<vmem>>
    tpu.wait_dma2 semaphore(%arg13 : memref<!tpu.dma_semaphore, #tpu.memory_space<semaphore_mem>>) src(%dma_wait3A_217 : memref<16x2048xf32, #tpu.memory_space<vmem>>) dst(%dma_wait3A_213 : memref<16x2048xf32, #tpu.memory_space<hbm>>)
    %dma_wait3A_218 = arith.constant 0 : i32
    %dma_wait3A_219 = arith.constant 0 : i32
    %dma_wait3A_220 = arith.constant 0 : i32
    %dma_wait3A_221 = tpu.memref_slice %arg7[%dma_wait3A_218, %dma_wait3A_219, %dma_wait3A_220] : memref<3x16x2048xf32, #tpu.memory_space<vmem>> -> memref<1x16x2048xf32, #tpu.memory_space<vmem>>
    %dma_wait3A_222 = tpu.memref_squeeze %dma_wait3A_221 : memref<1x16x2048xf32, #tpu.memory_space<vmem>> -> memref<16x2048xf32, #tpu.memory_space<vmem>>
    %dma_wait3A_223 = arith.constant 0 : i32
    %dma_wait3A_224 = tpu.memref_slice %arg4[%add3A_178, %dma_wait3A_223] : memref<2048x2048xf32, #tpu.memory_space<hbm>> -> memref<16x2048xf32, #tpu.memory_space<hbm>>
    %dma_wait3A_225 = arith.constant 0 : i32
    %dma_wait3A_226 = tpu.memref_slice %arg4[%add3A_178, %dma_wait3A_225] : memref<2048x2048xf32, #tpu.memory_space<hbm>> -> memref<16x2048xf32, #tpu.memory_space<hbm>>
    %dma_wait3A_227 = arith.constant 0 : i32
    %dma_wait3A_228 = arith.constant 0 : i32
    %dma_wait3A_229 = tpu.memref_slice %arg7[%dma_wait3A_218, %dma_wait3A_227, %dma_wait3A_228] : memref<3x16x2048xf32, #tpu.memory_space<vmem>> -> memref<1x16x2048xf32, #tpu.memory_space<vmem>>
    %dma_wait3A_230 = tpu.memref_squeeze %dma_wait3A_229 : memref<1x16x2048xf32, #tpu.memory_space<vmem>> -> memref<16x2048xf32, #tpu.memory_space<vmem>>
    tpu.wait_dma2 semaphore(%arg11 : memref<!tpu.dma_semaphore, #tpu.memory_space<semaphore_mem>>) src(%dma_wait3A_230 : memref<16x2048xf32, #tpu.memory_space<vmem>>) dst(%dma_wait3A_226 : memref<16x2048xf32, #tpu.memory_space<hbm>>)
    return
  }
}

module attributes {stable_mosaic.version = 14 : i64} {
  func.func @_router_body(%arg0: i32, %arg1: memref<2048x2048xf32, #tpu.memory_space<vmem>>, %arg2: memref<8x2048xf32, #tpu.memory_space<vmem>>, %arg3: memref<2048x1xi32, #tpu.memory_space<vmem>>, %arg4: memref<24x1xi32, #tpu.memory_space<vmem>>, %arg5: memref<2048x1024xi32, #tpu.memory_space<vmem>>) attributes {dimension_semantics = [#tpu.dimension_semantics<arbitrary>], iteration_bounds = array<i64: 1>, scalar_prefetch = 0 : i64, scratch_operands = 0 : i64, tpu.core_type = #tpu.core_type<tc>, window_params = [{pipeline_mode = #tpu.pipeline_mode<synchronous>, transform_indices = @transform_0, window_bounds = array<i64: 2048, 2048>}, {pipeline_mode = #tpu.pipeline_mode<synchronous>, transform_indices = @transform_1, window_bounds = array<i64: 8, 2048>}, {pipeline_mode = #tpu.pipeline_mode<synchronous>, transform_indices = @transform_2, window_bounds = array<i64: 2048, 1>}, {pipeline_mode = #tpu.pipeline_mode<synchronous>, transform_indices = @transform_3, window_bounds = array<i64: 24, 1>}, {pipeline_mode = #tpu.pipeline_mode<synchronous>, transform_indices = @transform_4, window_bounds = array<i64: 2048, 1024>}]} {
    %get3A = arith.constant 0 : index
    %get3A_0 = arith.constant 0 : index
    %get3A_1 = vector.load %arg2[%get3A, %get3A_0] : memref<8x2048xf32, #tpu.memory_space<vmem>>, vector<8x2048xf32>
    %mul3A = arith.mulf %get3A_1, %get3A_1 : vector<8x2048xf32>
    %reduce_sum3A = arith.constant dense<0.000000e+00> : vector<8xf32>
    %reduce_sum3A_2 = vector.multi_reduction <add>, %mul3A, %reduce_sum3A [1] : vector<8x2048xf32> to vector<8xf32>
    %broadcast_in_dim3A = vector.shape_cast %reduce_sum3A_2 : vector<8xf32> to vector<8x1xf32>
    %sqrt3A = math.sqrt %broadcast_in_dim3A : vector<8x1xf32>
    %add3A = arith.constant 9.99999993E-9 : f32
    %add3A_3 = vector.broadcast %add3A : f32 to vector<8x1xf32>
    %add3A_4 = arith.addf %sqrt3A, %add3A_3 : vector<8x1xf32>
    %div3A = vector.broadcast %add3A_4 : vector<8x1xf32> to vector<8x2048xf32>
    %div3A_5 = arith.divf %get3A_1, %div3A : vector<8x2048xf32>
    %transpose3A = tpu.transpose %div3A_5, [1, 0] : vector<8x2048xf32> -> vector<2048x8xf32>
    %iota3A = tpu.iota {dimensions = array<i32: 0>} : vector<128x128xi32>
    %iota3A_6 = tpu.iota {dimensions = array<i32: 1>} : vector<128x128xi32>
    %ge3A = arith.cmpi sge, %iota3A, %iota3A_6 : vector<128x128xi32>
    %jit3A = arith.constant 1.000000e+00 : f32
    %jit3A_7 = arith.constant 0.000000e+00 : f32
    %broadcast_in_dim3A_8 = vector.broadcast %jit3A : f32 to vector<128x128xf32>
    %broadcast_in_dim3A_9 = vector.broadcast %jit3A_7 : f32 to vector<128x128xf32>
    %select_n3A = arith.select %ge3A, %broadcast_in_dim3A_8, %broadcast_in_dim3A_9 : vector<128x128xi1>, vector<128x128xf32>
    %get3A_10 = arith.constant 0 : index
    %get3A_11 = arith.constant 0 : index
    %get3A_12 = vector.load %arg1[%get3A_10, %get3A_11] : memref<2048x2048xf32, #tpu.memory_space<vmem>>, vector<128x2048xf32>
    %bitcast_convert_type3A = tpu.bitcast %get3A_12 : vector<128x2048xf32> -> vector<128x2048xi32>
    %slice3A = vector.extract_strided_slice %bitcast_convert_type3A {offsets = [0, 0], sizes = [128, 1024], strides = [1, 1]} : vector<128x2048xi32> to vector<128x1024xi32>
    %slice3A_13 = vector.extract_strided_slice %bitcast_convert_type3A {offsets = [0, 1024], sizes = [128, 1024], strides = [1, 1]} : vector<128x2048xi32> to vector<128x1024xi32>
    %add3A_14 = arith.constant 32767 : i32
    %add3A_15 = vector.broadcast %add3A_14 : i32 to vector<128x1024xi32>
    %add3A_16 = arith.addi %slice3A, %add3A_15 : vector<128x1024xi32>
    %shift_right_arithmetic3A = arith.constant 16 : i32
    %shift_right_arithmetic3A_17 = vector.broadcast %shift_right_arithmetic3A : i32 to vector<128x1024xi32>
    %shift_right_arithmetic3A_18 = arith.shrsi %slice3A, %shift_right_arithmetic3A_17 : vector<128x1024xi32>
    %and3A = arith.constant 1 : i32
    %and3A_19 = vector.broadcast %and3A : i32 to vector<128x1024xi32>
    %and3A_20 = arith.andi %shift_right_arithmetic3A_18, %and3A_19 : vector<128x1024xi32>
    %add3A_21 = arith.addi %add3A_16, %and3A_20 : vector<128x1024xi32>
    %shift_right_arithmetic3A_22 = arith.constant 16 : i32
    %shift_right_arithmetic3A_23 = vector.broadcast %shift_right_arithmetic3A_22 : i32 to vector<128x1024xi32>
    %shift_right_arithmetic3A_24 = arith.shrsi %add3A_21, %shift_right_arithmetic3A_23 : vector<128x1024xi32>
    %add3A_25 = arith.constant 32767 : i32
    %add3A_26 = vector.broadcast %add3A_25 : i32 to vector<128x1024xi32>
    %add3A_27 = arith.addi %slice3A_13, %add3A_26 : vector<128x1024xi32>
    %shift_right_arithmetic3A_28 = arith.constant 16 : i32
    %shift_right_arithmetic3A_29 = vector.broadcast %shift_right_arithmetic3A_28 : i32 to vector<128x1024xi32>
    %shift_right_arithmetic3A_30 = arith.shrsi %slice3A_13, %shift_right_arithmetic3A_29 : vector<128x1024xi32>
    %and3A_31 = arith.constant 1 : i32
    %and3A_32 = vector.broadcast %and3A_31 : i32 to vector<128x1024xi32>
    %and3A_33 = arith.andi %shift_right_arithmetic3A_30, %and3A_32 : vector<128x1024xi32>
    %add3A_34 = arith.addi %add3A_27, %and3A_33 : vector<128x1024xi32>
    %shift_right_arithmetic3A_35 = arith.constant 16 : i32
    %shift_right_arithmetic3A_36 = vector.broadcast %shift_right_arithmetic3A_35 : i32 to vector<128x1024xi32>
    %shift_right_arithmetic3A_37 = arith.shrsi %add3A_34, %shift_right_arithmetic3A_36 : vector<128x1024xi32>
    %shift_left3A = arith.constant 16 : i32
    %shift_left3A_38 = vector.broadcast %shift_left3A : i32 to vector<128x1024xi32>
    %shift_left3A_39 = arith.shli %shift_right_arithmetic3A_37, %shift_left3A_38 : vector<128x1024xi32>
    %and3A_40 = arith.constant 65535 : i32
    %and3A_41 = vector.broadcast %and3A_40 : i32 to vector<128x1024xi32>
    %and3A_42 = arith.andi %shift_right_arithmetic3A_24, %and3A_41 : vector<128x1024xi32>
    %or3A = arith.ori %shift_left3A_39, %and3A_42 : vector<128x1024xi32>
    %swap3A = arith.constant 0 : index
    %swap3A_43 = arith.constant 0 : index
    %swap3A_44 = vector.load %arg5[%swap3A, %swap3A_43] : memref<2048x1024xi32, #tpu.memory_space<vmem>>, vector<128x1024xi32>
    tpu.vector_store %arg5[%swap3A, %swap3A_43], %or3A {strides = array<i32>} : memref<2048x1024xi32, #tpu.memory_space<vmem>>, vector<128x1024xi32>,
    %mul3A_45 = arith.mulf %get3A_12, %get3A_12 : vector<128x2048xf32>
    %reduce_sum3A_46 = arith.constant dense<0.000000e+00> : vector<128xf32>
    %reduce_sum3A_47 = vector.multi_reduction <add>, %mul3A_45, %reduce_sum3A_46 [1] : vector<128x2048xf32> to vector<128xf32>
    %broadcast_in_dim3A_48 = vector.shape_cast %reduce_sum3A_47 : vector<128xf32> to vector<128x1xf32>
    %sqrt3A_49 = math.sqrt %broadcast_in_dim3A_48 : vector<128x1xf32>
    %add3A_50 = arith.constant 9.99999993E-9 : f32
    %add3A_51 = vector.broadcast %add3A_50 : f32 to vector<128x1xf32>
    %add3A_52 = arith.addf %sqrt3A_49, %add3A_51 : vector<128x1xf32>
    %div3A_53 = vector.broadcast %add3A_52 : vector<128x1xf32> to vector<128x2048xf32>
    %div3A_54 = arith.divf %get3A_12, %div3A_53 : vector<128x2048xf32>
    %dot_general3A = arith.constant dense<0.000000e+00> : vector<128x8xf32>
    %dot_general3A_55 = tpu.matmul %div3A_54, %transpose3A, %dot_general3A {dimension_numbers = #tpu.dot_dimension_numbers<[1], [0], [0], [1], [0, 0, 1, 1], [], []>, transpose_lhs_hint = false} : vector<128x2048xf32>, vector<2048x8xf32>, vector<128x8xf32> -> vector<128x8xf32>
    %reduce_max3A = arith.constant dense<0xFF800000> : vector<128xf32>
    %reduce_max3A_56 = vector.multi_reduction <maximumf>, %dot_general3A_55, %reduce_max3A [1] : vector<128x8xf32> to vector<128xf32>
    %broadcast_in_dim3A_57 = vector.shape_cast %reduce_max3A_56 : vector<128xf32> to vector<128x1xf32>
    %iota3A_58 = tpu.iota {dimensions = array<i32: 1>} : vector<128x8xi32>
    %ge3A_59 = vector.broadcast %broadcast_in_dim3A_57 : vector<128x1xf32> to vector<128x8xf32>
    %ge3A_60 = arith.cmpf oge, %dot_general3A_55, %ge3A_59 : vector<128x8xf32>
    %jit3A_61 = arith.constant 8 : i32
    %broadcast_in_dim3A_62 = vector.broadcast %jit3A_61 : i32 to vector<128x8xi32>
    %select_n3A_63 = arith.select %ge3A_60, %iota3A_58, %broadcast_in_dim3A_62 : vector<128x8xi1>, vector<128x8xi32>
    %reduce_min3A = arith.constant dense<2147483647> : vector<128xi32>
    %reduce_min3A_64 = vector.multi_reduction <minsi>, %select_n3A_63, %reduce_min3A [1] : vector<128x8xi32> to vector<128xi32>
    %broadcast_in_dim3A_65 = vector.shape_cast %reduce_min3A_64 : vector<128xi32> to vector<128x1xi32>
    %eq3A = vector.broadcast %broadcast_in_dim3A_65 : vector<128x1xi32> to vector<128x8xi32>
    %eq3A_66 = arith.cmpi eq, %iota3A_58, %eq3A : vector<128x8xi32>
    %jit3A_67 = arith.constant 1.000000e+00 : f32
    %jit3A_68 = arith.constant 0.000000e+00 : f32
    %broadcast_in_dim3A_69 = vector.broadcast %jit3A_67 : f32 to vector<128x8xf32>
    %broadcast_in_dim3A_70 = vector.broadcast %jit3A_68 : f32 to vector<128x8xf32>
    %select_n3A_71 = arith.select %eq3A_66, %broadcast_in_dim3A_69, %broadcast_in_dim3A_70 : vector<128x8xi1>, vector<128x8xf32>
    %dot_general3A_72 = arith.constant dense<0.000000e+00> : vector<128x8xf32>
    %dot_general3A_73 = tpu.matmul %select_n3A, %select_n3A_71, %dot_general3A_72 {dimension_numbers = #tpu.dot_dimension_numbers<[1], [0], [0], [1], [0, 0, 1, 1], [], []>, transpose_lhs_hint = false} : vector<128x128xf32>, vector<128x8xf32>, vector<128x8xf32> -> vector<128x8xf32>
    %slice3A_74 = vector.extract_strided_slice %dot_general3A_73 {offsets = [127, 0], sizes = [1, 8], strides = [1, 1]} : vector<128x8xf32> to vector<1x8xf32>
    %get3A_75 = arith.constant 128 : index
    %get3A_76 = arith.constant 0 : index
    %get3A_77 = vector.load %arg1[%get3A_75, %get3A_76] : memref<2048x2048xf32, #tpu.memory_space<vmem>>, vector<128x2048xf32>
    %bitcast_convert_type3A_78 = tpu.bitcast %get3A_77 : vector<128x2048xf32> -> vector<128x2048xi32>
    %slice3A_79 = vector.extract_strided_slice %bitcast_convert_type3A_78 {offsets = [0, 0], sizes = [128, 1024], strides = [1, 1]} : vector<128x2048xi32> to vector<128x1024xi32>
    %slice3A_80 = vector.extract_strided_slice %bitcast_convert_type3A_78 {offsets = [0, 1024], sizes = [128, 1024], strides = [1, 1]} : vector<128x2048xi32> to vector<128x1024xi32>
    %add3A_81 = arith.constant 32767 : i32
    %add3A_82 = vector.broadcast %add3A_81 : i32 to vector<128x1024xi32>
    %add3A_83 = arith.addi %slice3A_79, %add3A_82 : vector<128x1024xi32>
    %shift_right_arithmetic3A_84 = arith.constant 16 : i32
    %shift_right_arithmetic3A_85 = vector.broadcast %shift_right_arithmetic3A_84 : i32 to vector<128x1024xi32>
    %shift_right_arithmetic3A_86 = arith.shrsi %slice3A_79, %shift_right_arithmetic3A_85 : vector<128x1024xi32>
    %and3A_87 = arith.constant 1 : i32
    %and3A_88 = vector.broadcast %and3A_87 : i32 to vector<128x1024xi32>
    %and3A_89 = arith.andi %shift_right_arithmetic3A_86, %and3A_88 : vector<128x1024xi32>
    %add3A_90 = arith.addi %add3A_83, %and3A_89 : vector<128x1024xi32>
    %shift_right_arithmetic3A_91 = arith.constant 16 : i32
    %shift_right_arithmetic3A_92 = vector.broadcast %shift_right_arithmetic3A_91 : i32 to vector<128x1024xi32>
    %shift_right_arithmetic3A_93 = arith.shrsi %add3A_90, %shift_right_arithmetic3A_92 : vector<128x1024xi32>
    %add3A_94 = arith.constant 32767 : i32
    %add3A_95 = vector.broadcast %add3A_94 : i32 to vector<128x1024xi32>
    %add3A_96 = arith.addi %slice3A_80, %add3A_95 : vector<128x1024xi32>
    %shift_right_arithmetic3A_97 = arith.constant 16 : i32
    %shift_right_arithmetic3A_98 = vector.broadcast %shift_right_arithmetic3A_97 : i32 to vector<128x1024xi32>
    %shift_right_arithmetic3A_99 = arith.shrsi %slice3A_80, %shift_right_arithmetic3A_98 : vector<128x1024xi32>
    %and3A_100 = arith.constant 1 : i32
    %and3A_101 = vector.broadcast %and3A_100 : i32 to vector<128x1024xi32>
    %and3A_102 = arith.andi %shift_right_arithmetic3A_99, %and3A_101 : vector<128x1024xi32>
    %add3A_103 = arith.addi %add3A_96, %and3A_102 : vector<128x1024xi32>
    %shift_right_arithmetic3A_104 = arith.constant 16 : i32
    %shift_right_arithmetic3A_105 = vector.broadcast %shift_right_arithmetic3A_104 : i32 to vector<128x1024xi32>
    %shift_right_arithmetic3A_106 = arith.shrsi %add3A_103, %shift_right_arithmetic3A_105 : vector<128x1024xi32>
    %shift_left3A_107 = arith.constant 16 : i32
    %shift_left3A_108 = vector.broadcast %shift_left3A_107 : i32 to vector<128x1024xi32>
    %shift_left3A_109 = arith.shli %shift_right_arithmetic3A_106, %shift_left3A_108 : vector<128x1024xi32>
    %and3A_110 = arith.constant 65535 : i32
    %and3A_111 = vector.broadcast %and3A_110 : i32 to vector<128x1024xi32>
    %and3A_112 = arith.andi %shift_right_arithmetic3A_93, %and3A_111 : vector<128x1024xi32>
    %or3A_113 = arith.ori %shift_left3A_109, %and3A_112 : vector<128x1024xi32>
    %swap3A_114 = arith.constant 128 : index
    %swap3A_115 = arith.constant 0 : index
    %swap3A_116 = vector.load %arg5[%swap3A_114, %swap3A_115] : memref<2048x1024xi32, #tpu.memory_space<vmem>>, vector<128x1024xi32>
    tpu.vector_store %arg5[%swap3A_114, %swap3A_115], %or3A_113 {strides = array<i32>} : memref<2048x1024xi32, #tpu.memory_space<vmem>>, vector<128x1024xi32>,
    %mul3A_117 = arith.mulf %get3A_77, %get3A_77 : vector<128x2048xf32>
    %reduce_sum3A_118 = arith.constant dense<0.000000e+00> : vector<128xf32>
    %reduce_sum3A_119 = vector.multi_reduction <add>, %mul3A_117, %reduce_sum3A_118 [1] : vector<128x2048xf32> to vector<128xf32>
    %broadcast_in_dim3A_120 = vector.shape_cast %reduce_sum3A_119 : vector<128xf32> to vector<128x1xf32>
    %sqrt3A_121 = math.sqrt %broadcast_in_dim3A_120 : vector<128x1xf32>
    %add3A_122 = arith.constant 9.99999993E-9 : f32
    %add3A_123 = vector.broadcast %add3A_122 : f32 to vector<128x1xf32>
    %add3A_124 = arith.addf %sqrt3A_121, %add3A_123 : vector<128x1xf32>
    %div3A_125 = vector.broadcast %add3A_124 : vector<128x1xf32> to vector<128x2048xf32>
    %div3A_126 = arith.divf %get3A_77, %div3A_125 : vector<128x2048xf32>
    %dot_general3A_127 = arith.constant dense<0.000000e+00> : vector<128x8xf32>
    %dot_general3A_128 = tpu.matmul %div3A_126, %transpose3A, %dot_general3A_127 {dimension_numbers = #tpu.dot_dimension_numbers<[1], [0], [0], [1], [0, 0, 1, 1], [], []>, transpose_lhs_hint = false} : vector<128x2048xf32>, vector<2048x8xf32>, vector<128x8xf32> -> vector<128x8xf32>
    %reduce_max3A_129 = arith.constant dense<0xFF800000> : vector<128xf32>
    %reduce_max3A_130 = vector.multi_reduction <maximumf>, %dot_general3A_128, %reduce_max3A_129 [1] : vector<128x8xf32> to vector<128xf32>
    %broadcast_in_dim3A_131 = vector.shape_cast %reduce_max3A_130 : vector<128xf32> to vector<128x1xf32>
    %iota3A_132 = tpu.iota {dimensions = array<i32: 1>} : vector<128x8xi32>
    %ge3A_133 = vector.broadcast %broadcast_in_dim3A_131 : vector<128x1xf32> to vector<128x8xf32>
    %ge3A_134 = arith.cmpf oge, %dot_general3A_128, %ge3A_133 : vector<128x8xf32>
    %jit3A_135 = arith.constant 8 : i32
    %broadcast_in_dim3A_136 = vector.broadcast %jit3A_135 : i32 to vector<128x8xi32>
    %select_n3A_137 = arith.select %ge3A_134, %iota3A_132, %broadcast_in_dim3A_136 : vector<128x8xi1>, vector<128x8xi32>
    %reduce_min3A_138 = arith.constant dense<2147483647> : vector<128xi32>
    %reduce_min3A_139 = vector.multi_reduction <minsi>, %select_n3A_137, %reduce_min3A_138 [1] : vector<128x8xi32> to vector<128xi32>
    %broadcast_in_dim3A_140 = vector.shape_cast %reduce_min3A_139 : vector<128xi32> to vector<128x1xi32>
    %eq3A_141 = vector.broadcast %broadcast_in_dim3A_140 : vector<128x1xi32> to vector<128x8xi32>
    %eq3A_142 = arith.cmpi eq, %iota3A_132, %eq3A_141 : vector<128x8xi32>
    %jit3A_143 = arith.constant 1.000000e+00 : f32
    %jit3A_144 = arith.constant 0.000000e+00 : f32
    %broadcast_in_dim3A_145 = vector.broadcast %jit3A_143 : f32 to vector<128x8xf32>
    %broadcast_in_dim3A_146 = vector.broadcast %jit3A_144 : f32 to vector<128x8xf32>
    %select_n3A_147 = arith.select %eq3A_142, %broadcast_in_dim3A_145, %broadcast_in_dim3A_146 : vector<128x8xi1>, vector<128x8xf32>
    %dot_general3A_148 = arith.constant dense<0.000000e+00> : vector<128x8xf32>
    %dot_general3A_149 = tpu.matmul %select_n3A, %select_n3A_147, %dot_general3A_148 {dimension_numbers = #tpu.dot_dimension_numbers<[1], [0], [0], [1], [0, 0, 1, 1], [], []>, transpose_lhs_hint = false} : vector<128x128xf32>, vector<128x8xf32>, vector<128x8xf32> -> vector<128x8xf32>
    %slice3A_150 = vector.extract_strided_slice %dot_general3A_149 {offsets = [127, 0], sizes = [1, 8], strides = [1, 1]} : vector<128x8xf32> to vector<1x8xf32>
    %get3A_151 = arith.constant 256 : index
    %get3A_152 = arith.constant 0 : index
    %get3A_153 = vector.load %arg1[%get3A_151, %get3A_152] : memref<2048x2048xf32, #tpu.memory_space<vmem>>, vector<128x2048xf32>
    %bitcast_convert_type3A_154 = tpu.bitcast %get3A_153 : vector<128x2048xf32> -> vector<128x2048xi32>
    %slice3A_155 = vector.extract_strided_slice %bitcast_convert_type3A_154 {offsets = [0, 0], sizes = [128, 1024], strides = [1, 1]} : vector<128x2048xi32> to vector<128x1024xi32>
    %slice3A_156 = vector.extract_strided_slice %bitcast_convert_type3A_154 {offsets = [0, 1024], sizes = [128, 1024], strides = [1, 1]} : vector<128x2048xi32> to vector<128x1024xi32>
    %add3A_157 = arith.constant 32767 : i32
    %add3A_158 = vector.broadcast %add3A_157 : i32 to vector<128x1024xi32>
    %add3A_159 = arith.addi %slice3A_155, %add3A_158 : vector<128x1024xi32>
    %shift_right_arithmetic3A_160 = arith.constant 16 : i32
    %shift_right_arithmetic3A_161 = vector.broadcast %shift_right_arithmetic3A_160 : i32 to vector<128x1024xi32>
    %shift_right_arithmetic3A_162 = arith.shrsi %slice3A_155, %shift_right_arithmetic3A_161 : vector<128x1024xi32>
    %and3A_163 = arith.constant 1 : i32
    %and3A_164 = vector.broadcast %and3A_163 : i32 to vector<128x1024xi32>
    %and3A_165 = arith.andi %shift_right_arithmetic3A_162, %and3A_164 : vector<128x1024xi32>
    %add3A_166 = arith.addi %add3A_159, %and3A_165 : vector<128x1024xi32>
    %shift_right_arithmetic3A_167 = arith.constant 16 : i32
    %shift_right_arithmetic3A_168 = vector.broadcast %shift_right_arithmetic3A_167 : i32 to vector<128x1024xi32>
    %shift_right_arithmetic3A_169 = arith.shrsi %add3A_166, %shift_right_arithmetic3A_168 : vector<128x1024xi32>
    %add3A_170 = arith.constant 32767 : i32
    %add3A_171 = vector.broadcast %add3A_170 : i32 to vector<128x1024xi32>
    %add3A_172 = arith.addi %slice3A_156, %add3A_171 : vector<128x1024xi32>
    %shift_right_arithmetic3A_173 = arith.constant 16 : i32
    %shift_right_arithmetic3A_174 = vector.broadcast %shift_right_arithmetic3A_173 : i32 to vector<128x1024xi32>
    %shift_right_arithmetic3A_175 = arith.shrsi %slice3A_156, %shift_right_arithmetic3A_174 : vector<128x1024xi32>
    %and3A_176 = arith.constant 1 : i32
    %and3A_177 = vector.broadcast %and3A_176 : i32 to vector<128x1024xi32>
    %and3A_178 = arith.andi %shift_right_arithmetic3A_175, %and3A_177 : vector<128x1024xi32>
    %add3A_179 = arith.addi %add3A_172, %and3A_178 : vector<128x1024xi32>
    %shift_right_arithmetic3A_180 = arith.constant 16 : i32
    %shift_right_arithmetic3A_181 = vector.broadcast %shift_right_arithmetic3A_180 : i32 to vector<128x1024xi32>
    %shift_right_arithmetic3A_182 = arith.shrsi %add3A_179, %shift_right_arithmetic3A_181 : vector<128x1024xi32>
    %shift_left3A_183 = arith.constant 16 : i32
    %shift_left3A_184 = vector.broadcast %shift_left3A_183 : i32 to vector<128x1024xi32>
    %shift_left3A_185 = arith.shli %shift_right_arithmetic3A_182, %shift_left3A_184 : vector<128x1024xi32>
    %and3A_186 = arith.constant 65535 : i32
    %and3A_187 = vector.broadcast %and3A_186 : i32 to vector<128x1024xi32>
    %and3A_188 = arith.andi %shift_right_arithmetic3A_169, %and3A_187 : vector<128x1024xi32>
    %or3A_189 = arith.ori %shift_left3A_185, %and3A_188 : vector<128x1024xi32>
    %swap3A_190 = arith.constant 256 : index
    %swap3A_191 = arith.constant 0 : index
    %swap3A_192 = vector.load %arg5[%swap3A_190, %swap3A_191] : memref<2048x1024xi32, #tpu.memory_space<vmem>>, vector<128x1024xi32>
    tpu.vector_store %arg5[%swap3A_190, %swap3A_191], %or3A_189 {strides = array<i32>} : memref<2048x1024xi32, #tpu.memory_space<vmem>>, vector<128x1024xi32>,
    %mul3A_193 = arith.mulf %get3A_153, %get3A_153 : vector<128x2048xf32>
    %reduce_sum3A_194 = arith.constant dense<0.000000e+00> : vector<128xf32>
    %reduce_sum3A_195 = vector.multi_reduction <add>, %mul3A_193, %reduce_sum3A_194 [1] : vector<128x2048xf32> to vector<128xf32>
    %broadcast_in_dim3A_196 = vector.shape_cast %reduce_sum3A_195 : vector<128xf32> to vector<128x1xf32>
    %sqrt3A_197 = math.sqrt %broadcast_in_dim3A_196 : vector<128x1xf32>
    %add3A_198 = arith.constant 9.99999993E-9 : f32
    %add3A_199 = vector.broadcast %add3A_198 : f32 to vector<128x1xf32>
    %add3A_200 = arith.addf %sqrt3A_197, %add3A_199 : vector<128x1xf32>
    %div3A_201 = vector.broadcast %add3A_200 : vector<128x1xf32> to vector<128x2048xf32>
    %div3A_202 = arith.divf %get3A_153, %div3A_201 : vector<128x2048xf32>
    %dot_general3A_203 = arith.constant dense<0.000000e+00> : vector<128x8xf32>
    %dot_general3A_204 = tpu.matmul %div3A_202, %transpose3A, %dot_general3A_203 {dimension_numbers = #tpu.dot_dimension_numbers<[1], [0], [0], [1], [0, 0, 1, 1], [], []>, transpose_lhs_hint = false} : vector<128x2048xf32>, vector<2048x8xf32>, vector<128x8xf32> -> vector<128x8xf32>
    %reduce_max3A_205 = arith.constant dense<0xFF800000> : vector<128xf32>
    %reduce_max3A_206 = vector.multi_reduction <maximumf>, %dot_general3A_204, %reduce_max3A_205 [1] : vector<128x8xf32> to vector<128xf32>
    %broadcast_in_dim3A_207 = vector.shape_cast %reduce_max3A_206 : vector<128xf32> to vector<128x1xf32>
    %iota3A_208 = tpu.iota {dimensions = array<i32: 1>} : vector<128x8xi32>
    %ge3A_209 = vector.broadcast %broadcast_in_dim3A_207 : vector<128x1xf32> to vector<128x8xf32>
    %ge3A_210 = arith.cmpf oge, %dot_general3A_204, %ge3A_209 : vector<128x8xf32>
    %jit3A_211 = arith.constant 8 : i32
    %broadcast_in_dim3A_212 = vector.broadcast %jit3A_211 : i32 to vector<128x8xi32>
    %select_n3A_213 = arith.select %ge3A_210, %iota3A_208, %broadcast_in_dim3A_212 : vector<128x8xi1>, vector<128x8xi32>
    %reduce_min3A_214 = arith.constant dense<2147483647> : vector<128xi32>
    %reduce_min3A_215 = vector.multi_reduction <minsi>, %select_n3A_213, %reduce_min3A_214 [1] : vector<128x8xi32> to vector<128xi32>
    %broadcast_in_dim3A_216 = vector.shape_cast %reduce_min3A_215 : vector<128xi32> to vector<128x1xi32>
    %eq3A_217 = vector.broadcast %broadcast_in_dim3A_216 : vector<128x1xi32> to vector<128x8xi32>
    %eq3A_218 = arith.cmpi eq, %iota3A_208, %eq3A_217 : vector<128x8xi32>
    %jit3A_219 = arith.constant 1.000000e+00 : f32
    %jit3A_220 = arith.constant 0.000000e+00 : f32
    %broadcast_in_dim3A_221 = vector.broadcast %jit3A_219 : f32 to vector<128x8xf32>
    %broadcast_in_dim3A_222 = vector.broadcast %jit3A_220 : f32 to vector<128x8xf32>
    %select_n3A_223 = arith.select %eq3A_218, %broadcast_in_dim3A_221, %broadcast_in_dim3A_222 : vector<128x8xi1>, vector<128x8xf32>
    %dot_general3A_224 = arith.constant dense<0.000000e+00> : vector<128x8xf32>
    %dot_general3A_225 = tpu.matmul %select_n3A, %select_n3A_223, %dot_general3A_224 {dimension_numbers = #tpu.dot_dimension_numbers<[1], [0], [0], [1], [0, 0, 1, 1], [], []>, transpose_lhs_hint = false} : vector<128x128xf32>, vector<128x8xf32>, vector<128x8xf32> -> vector<128x8xf32>
    %slice3A_226 = vector.extract_strided_slice %dot_general3A_225 {offsets = [127, 0], sizes = [1, 8], strides = [1, 1]} : vector<128x8xf32> to vector<1x8xf32>
    %get3A_227 = arith.constant 384 : index
    %get3A_228 = arith.constant 0 : index
    %get3A_229 = vector.load %arg1[%get3A_227, %get3A_228] : memref<2048x2048xf32, #tpu.memory_space<vmem>>, vector<128x2048xf32>
    %bitcast_convert_type3A_230 = tpu.bitcast %get3A_229 : vector<128x2048xf32> -> vector<128x2048xi32>
    %slice3A_231 = vector.extract_strided_slice %bitcast_convert_type3A_230 {offsets = [0, 0], sizes = [128, 1024], strides = [1, 1]} : vector<128x2048xi32> to vector<128x1024xi32>
    %slice3A_232 = vector.extract_strided_slice %bitcast_convert_type3A_230 {offsets = [0, 1024], sizes = [128, 1024], strides = [1, 1]} : vector<128x2048xi32> to vector<128x1024xi32>
    %add3A_233 = arith.constant 32767 : i32
    %add3A_234 = vector.broadcast %add3A_233 : i32 to vector<128x1024xi32>
    %add3A_235 = arith.addi %slice3A_231, %add3A_234 : vector<128x1024xi32>
    %shift_right_arithmetic3A_236 = arith.constant 16 : i32
    %shift_right_arithmetic3A_237 = vector.broadcast %shift_right_arithmetic3A_236 : i32 to vector<128x1024xi32>
    %shift_right_arithmetic3A_238 = arith.shrsi %slice3A_231, %shift_right_arithmetic3A_237 : vector<128x1024xi32>
    %and3A_239 = arith.constant 1 : i32
    %and3A_240 = vector.broadcast %and3A_239 : i32 to vector<128x1024xi32>
    %and3A_241 = arith.andi %shift_right_arithmetic3A_238, %and3A_240 : vector<128x1024xi32>
    %add3A_242 = arith.addi %add3A_235, %and3A_241 : vector<128x1024xi32>
    %shift_right_arithmetic3A_243 = arith.constant 16 : i32
    %shift_right_arithmetic3A_244 = vector.broadcast %shift_right_arithmetic3A_243 : i32 to vector<128x1024xi32>
    %shift_right_arithmetic3A_245 = arith.shrsi %add3A_242, %shift_right_arithmetic3A_244 : vector<128x1024xi32>
    %add3A_246 = arith.constant 32767 : i32
    %add3A_247 = vector.broadcast %add3A_246 : i32 to vector<128x1024xi32>
    %add3A_248 = arith.addi %slice3A_232, %add3A_247 : vector<128x1024xi32>
    %shift_right_arithmetic3A_249 = arith.constant 16 : i32
    %shift_right_arithmetic3A_250 = vector.broadcast %shift_right_arithmetic3A_249 : i32 to vector<128x1024xi32>
    %shift_right_arithmetic3A_251 = arith.shrsi %slice3A_232, %shift_right_arithmetic3A_250 : vector<128x1024xi32>
    %and3A_252 = arith.constant 1 : i32
    %and3A_253 = vector.broadcast %and3A_252 : i32 to vector<128x1024xi32>
    %and3A_254 = arith.andi %shift_right_arithmetic3A_251, %and3A_253 : vector<128x1024xi32>
    %add3A_255 = arith.addi %add3A_248, %and3A_254 : vector<128x1024xi32>
    %shift_right_arithmetic3A_256 = arith.constant 16 : i32
    %shift_right_arithmetic3A_257 = vector.broadcast %shift_right_arithmetic3A_256 : i32 to vector<128x1024xi32>
    %shift_right_arithmetic3A_258 = arith.shrsi %add3A_255, %shift_right_arithmetic3A_257 : vector<128x1024xi32>
    %shift_left3A_259 = arith.constant 16 : i32
    %shift_left3A_260 = vector.broadcast %shift_left3A_259 : i32 to vector<128x1024xi32>
    %shift_left3A_261 = arith.shli %shift_right_arithmetic3A_258, %shift_left3A_260 : vector<128x1024xi32>
    %and3A_262 = arith.constant 65535 : i32
    %and3A_263 = vector.broadcast %and3A_262 : i32 to vector<128x1024xi32>
    %and3A_264 = arith.andi %shift_right_arithmetic3A_245, %and3A_263 : vector<128x1024xi32>
    %or3A_265 = arith.ori %shift_left3A_261, %and3A_264 : vector<128x1024xi32>
    %swap3A_266 = arith.constant 384 : index
    %swap3A_267 = arith.constant 0 : index
    %swap3A_268 = vector.load %arg5[%swap3A_266, %swap3A_267] : memref<2048x1024xi32, #tpu.memory_space<vmem>>, vector<128x1024xi32>
    tpu.vector_store %arg5[%swap3A_266, %swap3A_267], %or3A_265 {strides = array<i32>} : memref<2048x1024xi32, #tpu.memory_space<vmem>>, vector<128x1024xi32>,
    %mul3A_269 = arith.mulf %get3A_229, %get3A_229 : vector<128x2048xf32>
    %reduce_sum3A_270 = arith.constant dense<0.000000e+00> : vector<128xf32>
    %reduce_sum3A_271 = vector.multi_reduction <add>, %mul3A_269, %reduce_sum3A_270 [1] : vector<128x2048xf32> to vector<128xf32>
    %broadcast_in_dim3A_272 = vector.shape_cast %reduce_sum3A_271 : vector<128xf32> to vector<128x1xf32>
    %sqrt3A_273 = math.sqrt %broadcast_in_dim3A_272 : vector<128x1xf32>
    %add3A_274 = arith.constant 9.99999993E-9 : f32
    %add3A_275 = vector.broadcast %add3A_274 : f32 to vector<128x1xf32>
    %add3A_276 = arith.addf %sqrt3A_273, %add3A_275 : vector<128x1xf32>
    %div3A_277 = vector.broadcast %add3A_276 : vector<128x1xf32> to vector<128x2048xf32>
    %div3A_278 = arith.divf %get3A_229, %div3A_277 : vector<128x2048xf32>
    %dot_general3A_279 = arith.constant dense<0.000000e+00> : vector<128x8xf32>
    %dot_general3A_280 = tpu.matmul %div3A_278, %transpose3A, %dot_general3A_279 {dimension_numbers = #tpu.dot_dimension_numbers<[1], [0], [0], [1], [0, 0, 1, 1], [], []>, transpose_lhs_hint = false} : vector<128x2048xf32>, vector<2048x8xf32>, vector<128x8xf32> -> vector<128x8xf32>
    %reduce_max3A_281 = arith.constant dense<0xFF800000> : vector<128xf32>
    %reduce_max3A_282 = vector.multi_reduction <maximumf>, %dot_general3A_280, %reduce_max3A_281 [1] : vector<128x8xf32> to vector<128xf32>
    %broadcast_in_dim3A_283 = vector.shape_cast %reduce_max3A_282 : vector<128xf32> to vector<128x1xf32>
    %iota3A_284 = tpu.iota {dimensions = array<i32: 1>} : vector<128x8xi32>
    %ge3A_285 = vector.broadcast %broadcast_in_dim3A_283 : vector<128x1xf32> to vector<128x8xf32>
    %ge3A_286 = arith.cmpf oge, %dot_general3A_280, %ge3A_285 : vector<128x8xf32>
    %jit3A_287 = arith.constant 8 : i32
    %broadcast_in_dim3A_288 = vector.broadcast %jit3A_287 : i32 to vector<128x8xi32>
    %select_n3A_289 = arith.select %ge3A_286, %iota3A_284, %broadcast_in_dim3A_288 : vector<128x8xi1>, vector<128x8xi32>
    %reduce_min3A_290 = arith.constant dense<2147483647> : vector<128xi32>
    %reduce_min3A_291 = vector.multi_reduction <minsi>, %select_n3A_289, %reduce_min3A_290 [1] : vector<128x8xi32> to vector<128xi32>
    %broadcast_in_dim3A_292 = vector.shape_cast %reduce_min3A_291 : vector<128xi32> to vector<128x1xi32>
    %eq3A_293 = vector.broadcast %broadcast_in_dim3A_292 : vector<128x1xi32> to vector<128x8xi32>
    %eq3A_294 = arith.cmpi eq, %iota3A_284, %eq3A_293 : vector<128x8xi32>
    %jit3A_295 = arith.constant 1.000000e+00 : f32
    %jit3A_296 = arith.constant 0.000000e+00 : f32
    %broadcast_in_dim3A_297 = vector.broadcast %jit3A_295 : f32 to vector<128x8xf32>
    %broadcast_in_dim3A_298 = vector.broadcast %jit3A_296 : f32 to vector<128x8xf32>
    %select_n3A_299 = arith.select %eq3A_294, %broadcast_in_dim3A_297, %broadcast_in_dim3A_298 : vector<128x8xi1>, vector<128x8xf32>
    %dot_general3A_300 = arith.constant dense<0.000000e+00> : vector<128x8xf32>
    %dot_general3A_301 = tpu.matmul %select_n3A, %select_n3A_299, %dot_general3A_300 {dimension_numbers = #tpu.dot_dimension_numbers<[1], [0], [0], [1], [0, 0, 1, 1], [], []>, transpose_lhs_hint = false} : vector<128x128xf32>, vector<128x8xf32>, vector<128x8xf32> -> vector<128x8xf32>
    %slice3A_302 = vector.extract_strided_slice %dot_general3A_301 {offsets = [127, 0], sizes = [1, 8], strides = [1, 1]} : vector<128x8xf32> to vector<1x8xf32>
    %get3A_303 = arith.constant 512 : index
    %get3A_304 = arith.constant 0 : index
    %get3A_305 = vector.load %arg1[%get3A_303, %get3A_304] : memref<2048x2048xf32, #tpu.memory_space<vmem>>, vector<128x2048xf32>
    %bitcast_convert_type3A_306 = tpu.bitcast %get3A_305 : vector<128x2048xf32> -> vector<128x2048xi32>
    %slice3A_307 = vector.extract_strided_slice %bitcast_convert_type3A_306 {offsets = [0, 0], sizes = [128, 1024], strides = [1, 1]} : vector<128x2048xi32> to vector<128x1024xi32>
    %slice3A_308 = vector.extract_strided_slice %bitcast_convert_type3A_306 {offsets = [0, 1024], sizes = [128, 1024], strides = [1, 1]} : vector<128x2048xi32> to vector<128x1024xi32>
    %add3A_309 = arith.constant 32767 : i32
    %add3A_310 = vector.broadcast %add3A_309 : i32 to vector<128x1024xi32>
    %add3A_311 = arith.addi %slice3A_307, %add3A_310 : vector<128x1024xi32>
    %shift_right_arithmetic3A_312 = arith.constant 16 : i32
    %shift_right_arithmetic3A_313 = vector.broadcast %shift_right_arithmetic3A_312 : i32 to vector<128x1024xi32>
    %shift_right_arithmetic3A_314 = arith.shrsi %slice3A_307, %shift_right_arithmetic3A_313 : vector<128x1024xi32>
    %and3A_315 = arith.constant 1 : i32
    %and3A_316 = vector.broadcast %and3A_315 : i32 to vector<128x1024xi32>
    %and3A_317 = arith.andi %shift_right_arithmetic3A_314, %and3A_316 : vector<128x1024xi32>
    %add3A_318 = arith.addi %add3A_311, %and3A_317 : vector<128x1024xi32>
    %shift_right_arithmetic3A_319 = arith.constant 16 : i32
    %shift_right_arithmetic3A_320 = vector.broadcast %shift_right_arithmetic3A_319 : i32 to vector<128x1024xi32>
    %shift_right_arithmetic3A_321 = arith.shrsi %add3A_318, %shift_right_arithmetic3A_320 : vector<128x1024xi32>
    %add3A_322 = arith.constant 32767 : i32
    %add3A_323 = vector.broadcast %add3A_322 : i32 to vector<128x1024xi32>
    %add3A_324 = arith.addi %slice3A_308, %add3A_323 : vector<128x1024xi32>
    %shift_right_arithmetic3A_325 = arith.constant 16 : i32
    %shift_right_arithmetic3A_326 = vector.broadcast %shift_right_arithmetic3A_325 : i32 to vector<128x1024xi32>
    %shift_right_arithmetic3A_327 = arith.shrsi %slice3A_308, %shift_right_arithmetic3A_326 : vector<128x1024xi32>
    %and3A_328 = arith.constant 1 : i32
    %and3A_329 = vector.broadcast %and3A_328 : i32 to vector<128x1024xi32>
    %and3A_330 = arith.andi %shift_right_arithmetic3A_327, %and3A_329 : vector<128x1024xi32>
    %add3A_331 = arith.addi %add3A_324, %and3A_330 : vector<128x1024xi32>
    %shift_right_arithmetic3A_332 = arith.constant 16 : i32
    %shift_right_arithmetic3A_333 = vector.broadcast %shift_right_arithmetic3A_332 : i32 to vector<128x1024xi32>
    %shift_right_arithmetic3A_334 = arith.shrsi %add3A_331, %shift_right_arithmetic3A_333 : vector<128x1024xi32>
    %shift_left3A_335 = arith.constant 16 : i32
    %shift_left3A_336 = vector.broadcast %shift_left3A_335 : i32 to vector<128x1024xi32>
    %shift_left3A_337 = arith.shli %shift_right_arithmetic3A_334, %shift_left3A_336 : vector<128x1024xi32>
    %and3A_338 = arith.constant 65535 : i32
    %and3A_339 = vector.broadcast %and3A_338 : i32 to vector<128x1024xi32>
    %and3A_340 = arith.andi %shift_right_arithmetic3A_321, %and3A_339 : vector<128x1024xi32>
    %or3A_341 = arith.ori %shift_left3A_337, %and3A_340 : vector<128x1024xi32>
    %swap3A_342 = arith.constant 512 : index
    %swap3A_343 = arith.constant 0 : index
    %swap3A_344 = vector.load %arg5[%swap3A_342, %swap3A_343] : memref<2048x1024xi32, #tpu.memory_space<vmem>>, vector<128x1024xi32>
    tpu.vector_store %arg5[%swap3A_342, %swap3A_343], %or3A_341 {strides = array<i32>} : memref<2048x1024xi32, #tpu.memory_space<vmem>>, vector<128x1024xi32>,
    %mul3A_345 = arith.mulf %get3A_305, %get3A_305 : vector<128x2048xf32>
    %reduce_sum3A_346 = arith.constant dense<0.000000e+00> : vector<128xf32>
    %reduce_sum3A_347 = vector.multi_reduction <add>, %mul3A_345, %reduce_sum3A_346 [1] : vector<128x2048xf32> to vector<128xf32>
    %broadcast_in_dim3A_348 = vector.shape_cast %reduce_sum3A_347 : vector<128xf32> to vector<128x1xf32>
    %sqrt3A_349 = math.sqrt %broadcast_in_dim3A_348 : vector<128x1xf32>
    %add3A_350 = arith.constant 9.99999993E-9 : f32
    %add3A_351 = vector.broadcast %add3A_350 : f32 to vector<128x1xf32>
    %add3A_352 = arith.addf %sqrt3A_349, %add3A_351 : vector<128x1xf32>
    %div3A_353 = vector.broadcast %add3A_352 : vector<128x1xf32> to vector<128x2048xf32>
    %div3A_354 = arith.divf %get3A_305, %div3A_353 : vector<128x2048xf32>
    %dot_general3A_355 = arith.constant dense<0.000000e+00> : vector<128x8xf32>
    %dot_general3A_356 = tpu.matmul %div3A_354, %transpose3A, %dot_general3A_355 {dimension_numbers = #tpu.dot_dimension_numbers<[1], [0], [0], [1], [0, 0, 1, 1], [], []>, transpose_lhs_hint = false} : vector<128x2048xf32>, vector<2048x8xf32>, vector<128x8xf32> -> vector<128x8xf32>
    %reduce_max3A_357 = arith.constant dense<0xFF800000> : vector<128xf32>
    %reduce_max3A_358 = vector.multi_reduction <maximumf>, %dot_general3A_356, %reduce_max3A_357 [1] : vector<128x8xf32> to vector<128xf32>
    %broadcast_in_dim3A_359 = vector.shape_cast %reduce_max3A_358 : vector<128xf32> to vector<128x1xf32>
    %iota3A_360 = tpu.iota {dimensions = array<i32: 1>} : vector<128x8xi32>
    %ge3A_361 = vector.broadcast %broadcast_in_dim3A_359 : vector<128x1xf32> to vector<128x8xf32>
    %ge3A_362 = arith.cmpf oge, %dot_general3A_356, %ge3A_361 : vector<128x8xf32>
    %jit3A_363 = arith.constant 8 : i32
    %broadcast_in_dim3A_364 = vector.broadcast %jit3A_363 : i32 to vector<128x8xi32>
    %select_n3A_365 = arith.select %ge3A_362, %iota3A_360, %broadcast_in_dim3A_364 : vector<128x8xi1>, vector<128x8xi32>
    %reduce_min3A_366 = arith.constant dense<2147483647> : vector<128xi32>
    %reduce_min3A_367 = vector.multi_reduction <minsi>, %select_n3A_365, %reduce_min3A_366 [1] : vector<128x8xi32> to vector<128xi32>
    %broadcast_in_dim3A_368 = vector.shape_cast %reduce_min3A_367 : vector<128xi32> to vector<128x1xi32>
    %eq3A_369 = vector.broadcast %broadcast_in_dim3A_368 : vector<128x1xi32> to vector<128x8xi32>
    %eq3A_370 = arith.cmpi eq, %iota3A_360, %eq3A_369 : vector<128x8xi32>
    %jit3A_371 = arith.constant 1.000000e+00 : f32
    %jit3A_372 = arith.constant 0.000000e+00 : f32
    %broadcast_in_dim3A_373 = vector.broadcast %jit3A_371 : f32 to vector<128x8xf32>
    %broadcast_in_dim3A_374 = vector.broadcast %jit3A_372 : f32 to vector<128x8xf32>
    %select_n3A_375 = arith.select %eq3A_370, %broadcast_in_dim3A_373, %broadcast_in_dim3A_374 : vector<128x8xi1>, vector<128x8xf32>
    %dot_general3A_376 = arith.constant dense<0.000000e+00> : vector<128x8xf32>
    %dot_general3A_377 = tpu.matmul %select_n3A, %select_n3A_375, %dot_general3A_376 {dimension_numbers = #tpu.dot_dimension_numbers<[1], [0], [0], [1], [0, 0, 1, 1], [], []>, transpose_lhs_hint = false} : vector<128x128xf32>, vector<128x8xf32>, vector<128x8xf32> -> vector<128x8xf32>
    %slice3A_378 = vector.extract_strided_slice %dot_general3A_377 {offsets = [127, 0], sizes = [1, 8], strides = [1, 1]} : vector<128x8xf32> to vector<1x8xf32>
    %get3A_379 = arith.constant 640 : index
    %get3A_380 = arith.constant 0 : index
    %get3A_381 = vector.load %arg1[%get3A_379, %get3A_380] : memref<2048x2048xf32, #tpu.memory_space<vmem>>, vector<128x2048xf32>
    %bitcast_convert_type3A_382 = tpu.bitcast %get3A_381 : vector<128x2048xf32> -> vector<128x2048xi32>
    %slice3A_383 = vector.extract_strided_slice %bitcast_convert_type3A_382 {offsets = [0, 0], sizes = [128, 1024], strides = [1, 1]} : vector<128x2048xi32> to vector<128x1024xi32>
    %slice3A_384 = vector.extract_strided_slice %bitcast_convert_type3A_382 {offsets = [0, 1024], sizes = [128, 1024], strides = [1, 1]} : vector<128x2048xi32> to vector<128x1024xi32>
    %add3A_385 = arith.constant 32767 : i32
    %add3A_386 = vector.broadcast %add3A_385 : i32 to vector<128x1024xi32>
    %add3A_387 = arith.addi %slice3A_383, %add3A_386 : vector<128x1024xi32>
    %shift_right_arithmetic3A_388 = arith.constant 16 : i32
    %shift_right_arithmetic3A_389 = vector.broadcast %shift_right_arithmetic3A_388 : i32 to vector<128x1024xi32>
    %shift_right_arithmetic3A_390 = arith.shrsi %slice3A_383, %shift_right_arithmetic3A_389 : vector<128x1024xi32>
    %and3A_391 = arith.constant 1 : i32
    %and3A_392 = vector.broadcast %and3A_391 : i32 to vector<128x1024xi32>
    %and3A_393 = arith.andi %shift_right_arithmetic3A_390, %and3A_392 : vector<128x1024xi32>
    %add3A_394 = arith.addi %add3A_387, %and3A_393 : vector<128x1024xi32>
    %shift_right_arithmetic3A_395 = arith.constant 16 : i32
    %shift_right_arithmetic3A_396 = vector.broadcast %shift_right_arithmetic3A_395 : i32 to vector<128x1024xi32>
    %shift_right_arithmetic3A_397 = arith.shrsi %add3A_394, %shift_right_arithmetic3A_396 : vector<128x1024xi32>
    %add3A_398 = arith.constant 32767 : i32
    %add3A_399 = vector.broadcast %add3A_398 : i32 to vector<128x1024xi32>
    %add3A_400 = arith.addi %slice3A_384, %add3A_399 : vector<128x1024xi32>
    %shift_right_arithmetic3A_401 = arith.constant 16 : i32
    %shift_right_arithmetic3A_402 = vector.broadcast %shift_right_arithmetic3A_401 : i32 to vector<128x1024xi32>
    %shift_right_arithmetic3A_403 = arith.shrsi %slice3A_384, %shift_right_arithmetic3A_402 : vector<128x1024xi32>
    %and3A_404 = arith.constant 1 : i32
    %and3A_405 = vector.broadcast %and3A_404 : i32 to vector<128x1024xi32>
    %and3A_406 = arith.andi %shift_right_arithmetic3A_403, %and3A_405 : vector<128x1024xi32>
    %add3A_407 = arith.addi %add3A_400, %and3A_406 : vector<128x1024xi32>
    %shift_right_arithmetic3A_408 = arith.constant 16 : i32
    %shift_right_arithmetic3A_409 = vector.broadcast %shift_right_arithmetic3A_408 : i32 to vector<128x1024xi32>
    %shift_right_arithmetic3A_410 = arith.shrsi %add3A_407, %shift_right_arithmetic3A_409 : vector<128x1024xi32>
    %shift_left3A_411 = arith.constant 16 : i32
    %shift_left3A_412 = vector.broadcast %shift_left3A_411 : i32 to vector<128x1024xi32>
    %shift_left3A_413 = arith.shli %shift_right_arithmetic3A_410, %shift_left3A_412 : vector<128x1024xi32>
    %and3A_414 = arith.constant 65535 : i32
    %and3A_415 = vector.broadcast %and3A_414 : i32 to vector<128x1024xi32>
    %and3A_416 = arith.andi %shift_right_arithmetic3A_397, %and3A_415 : vector<128x1024xi32>
    %or3A_417 = arith.ori %shift_left3A_413, %and3A_416 : vector<128x1024xi32>
    %swap3A_418 = arith.constant 640 : index
    %swap3A_419 = arith.constant 0 : index
    %swap3A_420 = vector.load %arg5[%swap3A_418, %swap3A_419] : memref<2048x1024xi32, #tpu.memory_space<vmem>>, vector<128x1024xi32>
    tpu.vector_store %arg5[%swap3A_418, %swap3A_419], %or3A_417 {strides = array<i32>} : memref<2048x1024xi32, #tpu.memory_space<vmem>>, vector<128x1024xi32>,
    %mul3A_421 = arith.mulf %get3A_381, %get3A_381 : vector<128x2048xf32>
    %reduce_sum3A_422 = arith.constant dense<0.000000e+00> : vector<128xf32>
    %reduce_sum3A_423 = vector.multi_reduction <add>, %mul3A_421, %reduce_sum3A_422 [1] : vector<128x2048xf32> to vector<128xf32>
    %broadcast_in_dim3A_424 = vector.shape_cast %reduce_sum3A_423 : vector<128xf32> to vector<128x1xf32>
    %sqrt3A_425 = math.sqrt %broadcast_in_dim3A_424 : vector<128x1xf32>
    %add3A_426 = arith.constant 9.99999993E-9 : f32
    %add3A_427 = vector.broadcast %add3A_426 : f32 to vector<128x1xf32>
    %add3A_428 = arith.addf %sqrt3A_425, %add3A_427 : vector<128x1xf32>
    %div3A_429 = vector.broadcast %add3A_428 : vector<128x1xf32> to vector<128x2048xf32>
    %div3A_430 = arith.divf %get3A_381, %div3A_429 : vector<128x2048xf32>
    %dot_general3A_431 = arith.constant dense<0.000000e+00> : vector<128x8xf32>
    %dot_general3A_432 = tpu.matmul %div3A_430, %transpose3A, %dot_general3A_431 {dimension_numbers = #tpu.dot_dimension_numbers<[1], [0], [0], [1], [0, 0, 1, 1], [], []>, transpose_lhs_hint = false} : vector<128x2048xf32>, vector<2048x8xf32>, vector<128x8xf32> -> vector<128x8xf32>
    %reduce_max3A_433 = arith.constant dense<0xFF800000> : vector<128xf32>
    %reduce_max3A_434 = vector.multi_reduction <maximumf>, %dot_general3A_432, %reduce_max3A_433 [1] : vector<128x8xf32> to vector<128xf32>
    %broadcast_in_dim3A_435 = vector.shape_cast %reduce_max3A_434 : vector<128xf32> to vector<128x1xf32>
    %iota3A_436 = tpu.iota {dimensions = array<i32: 1>} : vector<128x8xi32>
    %ge3A_437 = vector.broadcast %broadcast_in_dim3A_435 : vector<128x1xf32> to vector<128x8xf32>
    %ge3A_438 = arith.cmpf oge, %dot_general3A_432, %ge3A_437 : vector<128x8xf32>
    %jit3A_439 = arith.constant 8 : i32
    %broadcast_in_dim3A_440 = vector.broadcast %jit3A_439 : i32 to vector<128x8xi32>
    %select_n3A_441 = arith.select %ge3A_438, %iota3A_436, %broadcast_in_dim3A_440 : vector<128x8xi1>, vector<128x8xi32>
    %reduce_min3A_442 = arith.constant dense<2147483647> : vector<128xi32>
    %reduce_min3A_443 = vector.multi_reduction <minsi>, %select_n3A_441, %reduce_min3A_442 [1] : vector<128x8xi32> to vector<128xi32>
    %broadcast_in_dim3A_444 = vector.shape_cast %reduce_min3A_443 : vector<128xi32> to vector<128x1xi32>
    %eq3A_445 = vector.broadcast %broadcast_in_dim3A_444 : vector<128x1xi32> to vector<128x8xi32>
    %eq3A_446 = arith.cmpi eq, %iota3A_436, %eq3A_445 : vector<128x8xi32>
    %jit3A_447 = arith.constant 1.000000e+00 : f32
    %jit3A_448 = arith.constant 0.000000e+00 : f32
    %broadcast_in_dim3A_449 = vector.broadcast %jit3A_447 : f32 to vector<128x8xf32>
    %broadcast_in_dim3A_450 = vector.broadcast %jit3A_448 : f32 to vector<128x8xf32>
    %select_n3A_451 = arith.select %eq3A_446, %broadcast_in_dim3A_449, %broadcast_in_dim3A_450 : vector<128x8xi1>, vector<128x8xf32>
    %dot_general3A_452 = arith.constant dense<0.000000e+00> : vector<128x8xf32>
    %dot_general3A_453 = tpu.matmul %select_n3A, %select_n3A_451, %dot_general3A_452 {dimension_numbers = #tpu.dot_dimension_numbers<[1], [0], [0], [1], [0, 0, 1, 1], [], []>, transpose_lhs_hint = false} : vector<128x128xf32>, vector<128x8xf32>, vector<128x8xf32> -> vector<128x8xf32>
    %slice3A_454 = vector.extract_strided_slice %dot_general3A_453 {offsets = [127, 0], sizes = [1, 8], strides = [1, 1]} : vector<128x8xf32> to vector<1x8xf32>
    %get3A_455 = arith.constant 768 : index
    %get3A_456 = arith.constant 0 : index
    %get3A_457 = vector.load %arg1[%get3A_455, %get3A_456] : memref<2048x2048xf32, #tpu.memory_space<vmem>>, vector<128x2048xf32>
    %bitcast_convert_type3A_458 = tpu.bitcast %get3A_457 : vector<128x2048xf32> -> vector<128x2048xi32>
    %slice3A_459 = vector.extract_strided_slice %bitcast_convert_type3A_458 {offsets = [0, 0], sizes = [128, 1024], strides = [1, 1]} : vector<128x2048xi32> to vector<128x1024xi32>
    %slice3A_460 = vector.extract_strided_slice %bitcast_convert_type3A_458 {offsets = [0, 1024], sizes = [128, 1024], strides = [1, 1]} : vector<128x2048xi32> to vector<128x1024xi32>
    %add3A_461 = arith.constant 32767 : i32
    %add3A_462 = vector.broadcast %add3A_461 : i32 to vector<128x1024xi32>
    %add3A_463 = arith.addi %slice3A_459, %add3A_462 : vector<128x1024xi32>
    %shift_right_arithmetic3A_464 = arith.constant 16 : i32
    %shift_right_arithmetic3A_465 = vector.broadcast %shift_right_arithmetic3A_464 : i32 to vector<128x1024xi32>
    %shift_right_arithmetic3A_466 = arith.shrsi %slice3A_459, %shift_right_arithmetic3A_465 : vector<128x1024xi32>
    %and3A_467 = arith.constant 1 : i32
    %and3A_468 = vector.broadcast %and3A_467 : i32 to vector<128x1024xi32>
    %and3A_469 = arith.andi %shift_right_arithmetic3A_466, %and3A_468 : vector<128x1024xi32>
    %add3A_470 = arith.addi %add3A_463, %and3A_469 : vector<128x1024xi32>
    %shift_right_arithmetic3A_471 = arith.constant 16 : i32
    %shift_right_arithmetic3A_472 = vector.broadcast %shift_right_arithmetic3A_471 : i32 to vector<128x1024xi32>
    %shift_right_arithmetic3A_473 = arith.shrsi %add3A_470, %shift_right_arithmetic3A_472 : vector<128x1024xi32>
    %add3A_474 = arith.constant 32767 : i32
    %add3A_475 = vector.broadcast %add3A_474 : i32 to vector<128x1024xi32>
    %add3A_476 = arith.addi %slice3A_460, %add3A_475 : vector<128x1024xi32>
    %shift_right_arithmetic3A_477 = arith.constant 16 : i32
    %shift_right_arithmetic3A_478 = vector.broadcast %shift_right_arithmetic3A_477 : i32 to vector<128x1024xi32>
    %shift_right_arithmetic3A_479 = arith.shrsi %slice3A_460, %shift_right_arithmetic3A_478 : vector<128x1024xi32>
    %and3A_480 = arith.constant 1 : i32
    %and3A_481 = vector.broadcast %and3A_480 : i32 to vector<128x1024xi32>
    %and3A_482 = arith.andi %shift_right_arithmetic3A_479, %and3A_481 : vector<128x1024xi32>
    %add3A_483 = arith.addi %add3A_476, %and3A_482 : vector<128x1024xi32>
    %shift_right_arithmetic3A_484 = arith.constant 16 : i32
    %shift_right_arithmetic3A_485 = vector.broadcast %shift_right_arithmetic3A_484 : i32 to vector<128x1024xi32>
    %shift_right_arithmetic3A_486 = arith.shrsi %add3A_483, %shift_right_arithmetic3A_485 : vector<128x1024xi32>
    %shift_left3A_487 = arith.constant 16 : i32
    %shift_left3A_488 = vector.broadcast %shift_left3A_487 : i32 to vector<128x1024xi32>
    %shift_left3A_489 = arith.shli %shift_right_arithmetic3A_486, %shift_left3A_488 : vector<128x1024xi32>
    %and3A_490 = arith.constant 65535 : i32
    %and3A_491 = vector.broadcast %and3A_490 : i32 to vector<128x1024xi32>
    %and3A_492 = arith.andi %shift_right_arithmetic3A_473, %and3A_491 : vector<128x1024xi32>
    %or3A_493 = arith.ori %shift_left3A_489, %and3A_492 : vector<128x1024xi32>
    %swap3A_494 = arith.constant 768 : index
    %swap3A_495 = arith.constant 0 : index
    %swap3A_496 = vector.load %arg5[%swap3A_494, %swap3A_495] : memref<2048x1024xi32, #tpu.memory_space<vmem>>, vector<128x1024xi32>
    tpu.vector_store %arg5[%swap3A_494, %swap3A_495], %or3A_493 {strides = array<i32>} : memref<2048x1024xi32, #tpu.memory_space<vmem>>, vector<128x1024xi32>,
    %mul3A_497 = arith.mulf %get3A_457, %get3A_457 : vector<128x2048xf32>
    %reduce_sum3A_498 = arith.constant dense<0.000000e+00> : vector<128xf32>
    %reduce_sum3A_499 = vector.multi_reduction <add>, %mul3A_497, %reduce_sum3A_498 [1] : vector<128x2048xf32> to vector<128xf32>
    %broadcast_in_dim3A_500 = vector.shape_cast %reduce_sum3A_499 : vector<128xf32> to vector<128x1xf32>
    %sqrt3A_501 = math.sqrt %broadcast_in_dim3A_500 : vector<128x1xf32>
    %add3A_502 = arith.constant 9.99999993E-9 : f32
    %add3A_503 = vector.broadcast %add3A_502 : f32 to vector<128x1xf32>
    %add3A_504 = arith.addf %sqrt3A_501, %add3A_503 : vector<128x1xf32>
    %div3A_505 = vector.broadcast %add3A_504 : vector<128x1xf32> to vector<128x2048xf32>
    %div3A_506 = arith.divf %get3A_457, %div3A_505 : vector<128x2048xf32>
    %dot_general3A_507 = arith.constant dense<0.000000e+00> : vector<128x8xf32>
    %dot_general3A_508 = tpu.matmul %div3A_506, %transpose3A, %dot_general3A_507 {dimension_numbers = #tpu.dot_dimension_numbers<[1], [0], [0], [1], [0, 0, 1, 1], [], []>, transpose_lhs_hint = false} : vector<128x2048xf32>, vector<2048x8xf32>, vector<128x8xf32> -> vector<128x8xf32>
    %reduce_max3A_509 = arith.constant dense<0xFF800000> : vector<128xf32>
    %reduce_max3A_510 = vector.multi_reduction <maximumf>, %dot_general3A_508, %reduce_max3A_509 [1] : vector<128x8xf32> to vector<128xf32>
    %broadcast_in_dim3A_511 = vector.shape_cast %reduce_max3A_510 : vector<128xf32> to vector<128x1xf32>
    %iota3A_512 = tpu.iota {dimensions = array<i32: 1>} : vector<128x8xi32>
    %ge3A_513 = vector.broadcast %broadcast_in_dim3A_511 : vector<128x1xf32> to vector<128x8xf32>
    %ge3A_514 = arith.cmpf oge, %dot_general3A_508, %ge3A_513 : vector<128x8xf32>
    %jit3A_515 = arith.constant 8 : i32
    %broadcast_in_dim3A_516 = vector.broadcast %jit3A_515 : i32 to vector<128x8xi32>
    %select_n3A_517 = arith.select %ge3A_514, %iota3A_512, %broadcast_in_dim3A_516 : vector<128x8xi1>, vector<128x8xi32>
    %reduce_min3A_518 = arith.constant dense<2147483647> : vector<128xi32>
    %reduce_min3A_519 = vector.multi_reduction <minsi>, %select_n3A_517, %reduce_min3A_518 [1] : vector<128x8xi32> to vector<128xi32>
    %broadcast_in_dim3A_520 = vector.shape_cast %reduce_min3A_519 : vector<128xi32> to vector<128x1xi32>
    %eq3A_521 = vector.broadcast %broadcast_in_dim3A_520 : vector<128x1xi32> to vector<128x8xi32>
    %eq3A_522 = arith.cmpi eq, %iota3A_512, %eq3A_521 : vector<128x8xi32>
    %jit3A_523 = arith.constant 1.000000e+00 : f32
    %jit3A_524 = arith.constant 0.000000e+00 : f32
    %broadcast_in_dim3A_525 = vector.broadcast %jit3A_523 : f32 to vector<128x8xf32>
    %broadcast_in_dim3A_526 = vector.broadcast %jit3A_524 : f32 to vector<128x8xf32>
    %select_n3A_527 = arith.select %eq3A_522, %broadcast_in_dim3A_525, %broadcast_in_dim3A_526 : vector<128x8xi1>, vector<128x8xf32>
    %dot_general3A_528 = arith.constant dense<0.000000e+00> : vector<128x8xf32>
    %dot_general3A_529 = tpu.matmul %select_n3A, %select_n3A_527, %dot_general3A_528 {dimension_numbers = #tpu.dot_dimension_numbers<[1], [0], [0], [1], [0, 0, 1, 1], [], []>, transpose_lhs_hint = false} : vector<128x128xf32>, vector<128x8xf32>, vector<128x8xf32> -> vector<128x8xf32>
    %slice3A_530 = vector.extract_strided_slice %dot_general3A_529 {offsets = [127, 0], sizes = [1, 8], strides = [1, 1]} : vector<128x8xf32> to vector<1x8xf32>
    %get3A_531 = arith.constant 896 : index
    %get3A_532 = arith.constant 0 : index
    %get3A_533 = vector.load %arg1[%get3A_531, %get3A_532] : memref<2048x2048xf32, #tpu.memory_space<vmem>>, vector<128x2048xf32>
    %bitcast_convert_type3A_534 = tpu.bitcast %get3A_533 : vector<128x2048xf32> -> vector<128x2048xi32>
    %slice3A_535 = vector.extract_strided_slice %bitcast_convert_type3A_534 {offsets = [0, 0], sizes = [128, 1024], strides = [1, 1]} : vector<128x2048xi32> to vector<128x1024xi32>
    %slice3A_536 = vector.extract_strided_slice %bitcast_convert_type3A_534 {offsets = [0, 1024], sizes = [128, 1024], strides = [1, 1]} : vector<128x2048xi32> to vector<128x1024xi32>
    %add3A_537 = arith.constant 32767 : i32
    %add3A_538 = vector.broadcast %add3A_537 : i32 to vector<128x1024xi32>
    %add3A_539 = arith.addi %slice3A_535, %add3A_538 : vector<128x1024xi32>
    %shift_right_arithmetic3A_540 = arith.constant 16 : i32
    %shift_right_arithmetic3A_541 = vector.broadcast %shift_right_arithmetic3A_540 : i32 to vector<128x1024xi32>
    %shift_right_arithmetic3A_542 = arith.shrsi %slice3A_535, %shift_right_arithmetic3A_541 : vector<128x1024xi32>
    %and3A_543 = arith.constant 1 : i32
    %and3A_544 = vector.broadcast %and3A_543 : i32 to vector<128x1024xi32>
    %and3A_545 = arith.andi %shift_right_arithmetic3A_542, %and3A_544 : vector<128x1024xi32>
    %add3A_546 = arith.addi %add3A_539, %and3A_545 : vector<128x1024xi32>
    %shift_right_arithmetic3A_547 = arith.constant 16 : i32
    %shift_right_arithmetic3A_548 = vector.broadcast %shift_right_arithmetic3A_547 : i32 to vector<128x1024xi32>
    %shift_right_arithmetic3A_549 = arith.shrsi %add3A_546, %shift_right_arithmetic3A_548 : vector<128x1024xi32>
    %add3A_550 = arith.constant 32767 : i32
    %add3A_551 = vector.broadcast %add3A_550 : i32 to vector<128x1024xi32>
    %add3A_552 = arith.addi %slice3A_536, %add3A_551 : vector<128x1024xi32>
    %shift_right_arithmetic3A_553 = arith.constant 16 : i32
    %shift_right_arithmetic3A_554 = vector.broadcast %shift_right_arithmetic3A_553 : i32 to vector<128x1024xi32>
    %shift_right_arithmetic3A_555 = arith.shrsi %slice3A_536, %shift_right_arithmetic3A_554 : vector<128x1024xi32>
    %and3A_556 = arith.constant 1 : i32
    %and3A_557 = vector.broadcast %and3A_556 : i32 to vector<128x1024xi32>
    %and3A_558 = arith.andi %shift_right_arithmetic3A_555, %and3A_557 : vector<128x1024xi32>
    %add3A_559 = arith.addi %add3A_552, %and3A_558 : vector<128x1024xi32>
    %shift_right_arithmetic3A_560 = arith.constant 16 : i32
    %shift_right_arithmetic3A_561 = vector.broadcast %shift_right_arithmetic3A_560 : i32 to vector<128x1024xi32>
    %shift_right_arithmetic3A_562 = arith.shrsi %add3A_559, %shift_right_arithmetic3A_561 : vector<128x1024xi32>
    %shift_left3A_563 = arith.constant 16 : i32
    %shift_left3A_564 = vector.broadcast %shift_left3A_563 : i32 to vector<128x1024xi32>
    %shift_left3A_565 = arith.shli %shift_right_arithmetic3A_562, %shift_left3A_564 : vector<128x1024xi32>
    %and3A_566 = arith.constant 65535 : i32
    %and3A_567 = vector.broadcast %and3A_566 : i32 to vector<128x1024xi32>
    %and3A_568 = arith.andi %shift_right_arithmetic3A_549, %and3A_567 : vector<128x1024xi32>
    %or3A_569 = arith.ori %shift_left3A_565, %and3A_568 : vector<128x1024xi32>
    %swap3A_570 = arith.constant 896 : index
    %swap3A_571 = arith.constant 0 : index
    %swap3A_572 = vector.load %arg5[%swap3A_570, %swap3A_571] : memref<2048x1024xi32, #tpu.memory_space<vmem>>, vector<128x1024xi32>
    tpu.vector_store %arg5[%swap3A_570, %swap3A_571], %or3A_569 {strides = array<i32>} : memref<2048x1024xi32, #tpu.memory_space<vmem>>, vector<128x1024xi32>,
    %mul3A_573 = arith.mulf %get3A_533, %get3A_533 : vector<128x2048xf32>
    %reduce_sum3A_574 = arith.constant dense<0.000000e+00> : vector<128xf32>
    %reduce_sum3A_575 = vector.multi_reduction <add>, %mul3A_573, %reduce_sum3A_574 [1] : vector<128x2048xf32> to vector<128xf32>
    %broadcast_in_dim3A_576 = vector.shape_cast %reduce_sum3A_575 : vector<128xf32> to vector<128x1xf32>
    %sqrt3A_577 = math.sqrt %broadcast_in_dim3A_576 : vector<128x1xf32>
    %add3A_578 = arith.constant 9.99999993E-9 : f32
    %add3A_579 = vector.broadcast %add3A_578 : f32 to vector<128x1xf32>
    %add3A_580 = arith.addf %sqrt3A_577, %add3A_579 : vector<128x1xf32>
    %div3A_581 = vector.broadcast %add3A_580 : vector<128x1xf32> to vector<128x2048xf32>
    %div3A_582 = arith.divf %get3A_533, %div3A_581 : vector<128x2048xf32>
    %dot_general3A_583 = arith.constant dense<0.000000e+00> : vector<128x8xf32>
    %dot_general3A_584 = tpu.matmul %div3A_582, %transpose3A, %dot_general3A_583 {dimension_numbers = #tpu.dot_dimension_numbers<[1], [0], [0], [1], [0, 0, 1, 1], [], []>, transpose_lhs_hint = false} : vector<128x2048xf32>, vector<2048x8xf32>, vector<128x8xf32> -> vector<128x8xf32>
    %reduce_max3A_585 = arith.constant dense<0xFF800000> : vector<128xf32>
    %reduce_max3A_586 = vector.multi_reduction <maximumf>, %dot_general3A_584, %reduce_max3A_585 [1] : vector<128x8xf32> to vector<128xf32>
    %broadcast_in_dim3A_587 = vector.shape_cast %reduce_max3A_586 : vector<128xf32> to vector<128x1xf32>
    %iota3A_588 = tpu.iota {dimensions = array<i32: 1>} : vector<128x8xi32>
    %ge3A_589 = vector.broadcast %broadcast_in_dim3A_587 : vector<128x1xf32> to vector<128x8xf32>
    %ge3A_590 = arith.cmpf oge, %dot_general3A_584, %ge3A_589 : vector<128x8xf32>
    %jit3A_591 = arith.constant 8 : i32
    %broadcast_in_dim3A_592 = vector.broadcast %jit3A_591 : i32 to vector<128x8xi32>
    %select_n3A_593 = arith.select %ge3A_590, %iota3A_588, %broadcast_in_dim3A_592 : vector<128x8xi1>, vector<128x8xi32>
    %reduce_min3A_594 = arith.constant dense<2147483647> : vector<128xi32>
    %reduce_min3A_595 = vector.multi_reduction <minsi>, %select_n3A_593, %reduce_min3A_594 [1] : vector<128x8xi32> to vector<128xi32>
    %broadcast_in_dim3A_596 = vector.shape_cast %reduce_min3A_595 : vector<128xi32> to vector<128x1xi32>
    %eq3A_597 = vector.broadcast %broadcast_in_dim3A_596 : vector<128x1xi32> to vector<128x8xi32>
    %eq3A_598 = arith.cmpi eq, %iota3A_588, %eq3A_597 : vector<128x8xi32>
    %jit3A_599 = arith.constant 1.000000e+00 : f32
    %jit3A_600 = arith.constant 0.000000e+00 : f32
    %broadcast_in_dim3A_601 = vector.broadcast %jit3A_599 : f32 to vector<128x8xf32>
    %broadcast_in_dim3A_602 = vector.broadcast %jit3A_600 : f32 to vector<128x8xf32>
    %select_n3A_603 = arith.select %eq3A_598, %broadcast_in_dim3A_601, %broadcast_in_dim3A_602 : vector<128x8xi1>, vector<128x8xf32>
    %dot_general3A_604 = arith.constant dense<0.000000e+00> : vector<128x8xf32>
    %dot_general3A_605 = tpu.matmul %select_n3A, %select_n3A_603, %dot_general3A_604 {dimension_numbers = #tpu.dot_dimension_numbers<[1], [0], [0], [1], [0, 0, 1, 1], [], []>, transpose_lhs_hint = false} : vector<128x128xf32>, vector<128x8xf32>, vector<128x8xf32> -> vector<128x8xf32>
    %slice3A_606 = vector.extract_strided_slice %dot_general3A_605 {offsets = [127, 0], sizes = [1, 8], strides = [1, 1]} : vector<128x8xf32> to vector<1x8xf32>
    %get3A_607 = arith.constant 1024 : index
    %get3A_608 = arith.constant 0 : index
    %get3A_609 = vector.load %arg1[%get3A_607, %get3A_608] : memref<2048x2048xf32, #tpu.memory_space<vmem>>, vector<128x2048xf32>
    %bitcast_convert_type3A_610 = tpu.bitcast %get3A_609 : vector<128x2048xf32> -> vector<128x2048xi32>
    %slice3A_611 = vector.extract_strided_slice %bitcast_convert_type3A_610 {offsets = [0, 0], sizes = [128, 1024], strides = [1, 1]} : vector<128x2048xi32> to vector<128x1024xi32>
    %slice3A_612 = vector.extract_strided_slice %bitcast_convert_type3A_610 {offsets = [0, 1024], sizes = [128, 1024], strides = [1, 1]} : vector<128x2048xi32> to vector<128x1024xi32>
    %add3A_613 = arith.constant 32767 : i32
    %add3A_614 = vector.broadcast %add3A_613 : i32 to vector<128x1024xi32>
    %add3A_615 = arith.addi %slice3A_611, %add3A_614 : vector<128x1024xi32>
    %shift_right_arithmetic3A_616 = arith.constant 16 : i32
    %shift_right_arithmetic3A_617 = vector.broadcast %shift_right_arithmetic3A_616 : i32 to vector<128x1024xi32>
    %shift_right_arithmetic3A_618 = arith.shrsi %slice3A_611, %shift_right_arithmetic3A_617 : vector<128x1024xi32>
    %and3A_619 = arith.constant 1 : i32
    %and3A_620 = vector.broadcast %and3A_619 : i32 to vector<128x1024xi32>
    %and3A_621 = arith.andi %shift_right_arithmetic3A_618, %and3A_620 : vector<128x1024xi32>
    %add3A_622 = arith.addi %add3A_615, %and3A_621 : vector<128x1024xi32>
    %shift_right_arithmetic3A_623 = arith.constant 16 : i32
    %shift_right_arithmetic3A_624 = vector.broadcast %shift_right_arithmetic3A_623 : i32 to vector<128x1024xi32>
    %shift_right_arithmetic3A_625 = arith.shrsi %add3A_622, %shift_right_arithmetic3A_624 : vector<128x1024xi32>
    %add3A_626 = arith.constant 32767 : i32
    %add3A_627 = vector.broadcast %add3A_626 : i32 to vector<128x1024xi32>
    %add3A_628 = arith.addi %slice3A_612, %add3A_627 : vector<128x1024xi32>
    %shift_right_arithmetic3A_629 = arith.constant 16 : i32
    %shift_right_arithmetic3A_630 = vector.broadcast %shift_right_arithmetic3A_629 : i32 to vector<128x1024xi32>
    %shift_right_arithmetic3A_631 = arith.shrsi %slice3A_612, %shift_right_arithmetic3A_630 : vector<128x1024xi32>
    %and3A_632 = arith.constant 1 : i32
    %and3A_633 = vector.broadcast %and3A_632 : i32 to vector<128x1024xi32>
    %and3A_634 = arith.andi %shift_right_arithmetic3A_631, %and3A_633 : vector<128x1024xi32>
    %add3A_635 = arith.addi %add3A_628, %and3A_634 : vector<128x1024xi32>
    %shift_right_arithmetic3A_636 = arith.constant 16 : i32
    %shift_right_arithmetic3A_637 = vector.broadcast %shift_right_arithmetic3A_636 : i32 to vector<128x1024xi32>
    %shift_right_arithmetic3A_638 = arith.shrsi %add3A_635, %shift_right_arithmetic3A_637 : vector<128x1024xi32>
    %shift_left3A_639 = arith.constant 16 : i32
    %shift_left3A_640 = vector.broadcast %shift_left3A_639 : i32 to vector<128x1024xi32>
    %shift_left3A_641 = arith.shli %shift_right_arithmetic3A_638, %shift_left3A_640 : vector<128x1024xi32>
    %and3A_642 = arith.constant 65535 : i32
    %and3A_643 = vector.broadcast %and3A_642 : i32 to vector<128x1024xi32>
    %and3A_644 = arith.andi %shift_right_arithmetic3A_625, %and3A_643 : vector<128x1024xi32>
    %or3A_645 = arith.ori %shift_left3A_641, %and3A_644 : vector<128x1024xi32>
    %swap3A_646 = arith.constant 1024 : index
    %swap3A_647 = arith.constant 0 : index
    %swap3A_648 = vector.load %arg5[%swap3A_646, %swap3A_647] : memref<2048x1024xi32, #tpu.memory_space<vmem>>, vector<128x1024xi32>
    tpu.vector_store %arg5[%swap3A_646, %swap3A_647], %or3A_645 {strides = array<i32>} : memref<2048x1024xi32, #tpu.memory_space<vmem>>, vector<128x1024xi32>,
    %mul3A_649 = arith.mulf %get3A_609, %get3A_609 : vector<128x2048xf32>
    %reduce_sum3A_650 = arith.constant dense<0.000000e+00> : vector<128xf32>
    %reduce_sum3A_651 = vector.multi_reduction <add>, %mul3A_649, %reduce_sum3A_650 [1] : vector<128x2048xf32> to vector<128xf32>
    %broadcast_in_dim3A_652 = vector.shape_cast %reduce_sum3A_651 : vector<128xf32> to vector<128x1xf32>
    %sqrt3A_653 = math.sqrt %broadcast_in_dim3A_652 : vector<128x1xf32>
    %add3A_654 = arith.constant 9.99999993E-9 : f32
    %add3A_655 = vector.broadcast %add3A_654 : f32 to vector<128x1xf32>
    %add3A_656 = arith.addf %sqrt3A_653, %add3A_655 : vector<128x1xf32>
    %div3A_657 = vector.broadcast %add3A_656 : vector<128x1xf32> to vector<128x2048xf32>
    %div3A_658 = arith.divf %get3A_609, %div3A_657 : vector<128x2048xf32>
    %dot_general3A_659 = arith.constant dense<0.000000e+00> : vector<128x8xf32>
    %dot_general3A_660 = tpu.matmul %div3A_658, %transpose3A, %dot_general3A_659 {dimension_numbers = #tpu.dot_dimension_numbers<[1], [0], [0], [1], [0, 0, 1, 1], [], []>, transpose_lhs_hint = false} : vector<128x2048xf32>, vector<2048x8xf32>, vector<128x8xf32> -> vector<128x8xf32>
    %reduce_max3A_661 = arith.constant dense<0xFF800000> : vector<128xf32>
    %reduce_max3A_662 = vector.multi_reduction <maximumf>, %dot_general3A_660, %reduce_max3A_661 [1] : vector<128x8xf32> to vector<128xf32>
    %broadcast_in_dim3A_663 = vector.shape_cast %reduce_max3A_662 : vector<128xf32> to vector<128x1xf32>
    %iota3A_664 = tpu.iota {dimensions = array<i32: 1>} : vector<128x8xi32>
    %ge3A_665 = vector.broadcast %broadcast_in_dim3A_663 : vector<128x1xf32> to vector<128x8xf32>
    %ge3A_666 = arith.cmpf oge, %dot_general3A_660, %ge3A_665 : vector<128x8xf32>
    %jit3A_667 = arith.constant 8 : i32
    %broadcast_in_dim3A_668 = vector.broadcast %jit3A_667 : i32 to vector<128x8xi32>
    %select_n3A_669 = arith.select %ge3A_666, %iota3A_664, %broadcast_in_dim3A_668 : vector<128x8xi1>, vector<128x8xi32>
    %reduce_min3A_670 = arith.constant dense<2147483647> : vector<128xi32>
    %reduce_min3A_671 = vector.multi_reduction <minsi>, %select_n3A_669, %reduce_min3A_670 [1] : vector<128x8xi32> to vector<128xi32>
    %broadcast_in_dim3A_672 = vector.shape_cast %reduce_min3A_671 : vector<128xi32> to vector<128x1xi32>
    %eq3A_673 = vector.broadcast %broadcast_in_dim3A_672 : vector<128x1xi32> to vector<128x8xi32>
    %eq3A_674 = arith.cmpi eq, %iota3A_664, %eq3A_673 : vector<128x8xi32>
    %jit3A_675 = arith.constant 1.000000e+00 : f32
    %jit3A_676 = arith.constant 0.000000e+00 : f32
    %broadcast_in_dim3A_677 = vector.broadcast %jit3A_675 : f32 to vector<128x8xf32>
    %broadcast_in_dim3A_678 = vector.broadcast %jit3A_676 : f32 to vector<128x8xf32>
    %select_n3A_679 = arith.select %eq3A_674, %broadcast_in_dim3A_677, %broadcast_in_dim3A_678 : vector<128x8xi1>, vector<128x8xf32>
    %dot_general3A_680 = arith.constant dense<0.000000e+00> : vector<128x8xf32>
    %dot_general3A_681 = tpu.matmul %select_n3A, %select_n3A_679, %dot_general3A_680 {dimension_numbers = #tpu.dot_dimension_numbers<[1], [0], [0], [1], [0, 0, 1, 1], [], []>, transpose_lhs_hint = false} : vector<128x128xf32>, vector<128x8xf32>, vector<128x8xf32> -> vector<128x8xf32>
    %slice3A_682 = vector.extract_strided_slice %dot_general3A_681 {offsets = [127, 0], sizes = [1, 8], strides = [1, 1]} : vector<128x8xf32> to vector<1x8xf32>
    %get3A_683 = arith.constant 1152 : index
    %get3A_684 = arith.constant 0 : index
    %get3A_685 = vector.load %arg1[%get3A_683, %get3A_684] : memref<2048x2048xf32, #tpu.memory_space<vmem>>, vector<128x2048xf32>
    %bitcast_convert_type3A_686 = tpu.bitcast %get3A_685 : vector<128x2048xf32> -> vector<128x2048xi32>
    %slice3A_687 = vector.extract_strided_slice %bitcast_convert_type3A_686 {offsets = [0, 0], sizes = [128, 1024], strides = [1, 1]} : vector<128x2048xi32> to vector<128x1024xi32>
    %slice3A_688 = vector.extract_strided_slice %bitcast_convert_type3A_686 {offsets = [0, 1024], sizes = [128, 1024], strides = [1, 1]} : vector<128x2048xi32> to vector<128x1024xi32>
    %add3A_689 = arith.constant 32767 : i32
    %add3A_690 = vector.broadcast %add3A_689 : i32 to vector<128x1024xi32>
    %add3A_691 = arith.addi %slice3A_687, %add3A_690 : vector<128x1024xi32>
    %shift_right_arithmetic3A_692 = arith.constant 16 : i32
    %shift_right_arithmetic3A_693 = vector.broadcast %shift_right_arithmetic3A_692 : i32 to vector<128x1024xi32>
    %shift_right_arithmetic3A_694 = arith.shrsi %slice3A_687, %shift_right_arithmetic3A_693 : vector<128x1024xi32>
    %and3A_695 = arith.constant 1 : i32
    %and3A_696 = vector.broadcast %and3A_695 : i32 to vector<128x1024xi32>
    %and3A_697 = arith.andi %shift_right_arithmetic3A_694, %and3A_696 : vector<128x1024xi32>
    %add3A_698 = arith.addi %add3A_691, %and3A_697 : vector<128x1024xi32>
    %shift_right_arithmetic3A_699 = arith.constant 16 : i32
    %shift_right_arithmetic3A_700 = vector.broadcast %shift_right_arithmetic3A_699 : i32 to vector<128x1024xi32>
    %shift_right_arithmetic3A_701 = arith.shrsi %add3A_698, %shift_right_arithmetic3A_700 : vector<128x1024xi32>
    %add3A_702 = arith.constant 32767 : i32
    %add3A_703 = vector.broadcast %add3A_702 : i32 to vector<128x1024xi32>
    %add3A_704 = arith.addi %slice3A_688, %add3A_703 : vector<128x1024xi32>
    %shift_right_arithmetic3A_705 = arith.constant 16 : i32
    %shift_right_arithmetic3A_706 = vector.broadcast %shift_right_arithmetic3A_705 : i32 to vector<128x1024xi32>
    %shift_right_arithmetic3A_707 = arith.shrsi %slice3A_688, %shift_right_arithmetic3A_706 : vector<128x1024xi32>
    %and3A_708 = arith.constant 1 : i32
    %and3A_709 = vector.broadcast %and3A_708 : i32 to vector<128x1024xi32>
    %and3A_710 = arith.andi %shift_right_arithmetic3A_707, %and3A_709 : vector<128x1024xi32>
    %add3A_711 = arith.addi %add3A_704, %and3A_710 : vector<128x1024xi32>
    %shift_right_arithmetic3A_712 = arith.constant 16 : i32
    %shift_right_arithmetic3A_713 = vector.broadcast %shift_right_arithmetic3A_712 : i32 to vector<128x1024xi32>
    %shift_right_arithmetic3A_714 = arith.shrsi %add3A_711, %shift_right_arithmetic3A_713 : vector<128x1024xi32>
    %shift_left3A_715 = arith.constant 16 : i32
    %shift_left3A_716 = vector.broadcast %shift_left3A_715 : i32 to vector<128x1024xi32>
    %shift_left3A_717 = arith.shli %shift_right_arithmetic3A_714, %shift_left3A_716 : vector<128x1024xi32>
    %and3A_718 = arith.constant 65535 : i32
    %and3A_719 = vector.broadcast %and3A_718 : i32 to vector<128x1024xi32>
    %and3A_720 = arith.andi %shift_right_arithmetic3A_701, %and3A_719 : vector<128x1024xi32>
    %or3A_721 = arith.ori %shift_left3A_717, %and3A_720 : vector<128x1024xi32>
    %swap3A_722 = arith.constant 1152 : index
    %swap3A_723 = arith.constant 0 : index
    %swap3A_724 = vector.load %arg5[%swap3A_722, %swap3A_723] : memref<2048x1024xi32, #tpu.memory_space<vmem>>, vector<128x1024xi32>
    tpu.vector_store %arg5[%swap3A_722, %swap3A_723], %or3A_721 {strides = array<i32>} : memref<2048x1024xi32, #tpu.memory_space<vmem>>, vector<128x1024xi32>,
    %mul3A_725 = arith.mulf %get3A_685, %get3A_685 : vector<128x2048xf32>
    %reduce_sum3A_726 = arith.constant dense<0.000000e+00> : vector<128xf32>
    %reduce_sum3A_727 = vector.multi_reduction <add>, %mul3A_725, %reduce_sum3A_726 [1] : vector<128x2048xf32> to vector<128xf32>
    %broadcast_in_dim3A_728 = vector.shape_cast %reduce_sum3A_727 : vector<128xf32> to vector<128x1xf32>
    %sqrt3A_729 = math.sqrt %broadcast_in_dim3A_728 : vector<128x1xf32>
    %add3A_730 = arith.constant 9.99999993E-9 : f32
    %add3A_731 = vector.broadcast %add3A_730 : f32 to vector<128x1xf32>
    %add3A_732 = arith.addf %sqrt3A_729, %add3A_731 : vector<128x1xf32>
    %div3A_733 = vector.broadcast %add3A_732 : vector<128x1xf32> to vector<128x2048xf32>
    %div3A_734 = arith.divf %get3A_685, %div3A_733 : vector<128x2048xf32>
    %dot_general3A_735 = arith.constant dense<0.000000e+00> : vector<128x8xf32>
    %dot_general3A_736 = tpu.matmul %div3A_734, %transpose3A, %dot_general3A_735 {dimension_numbers = #tpu.dot_dimension_numbers<[1], [0], [0], [1], [0, 0, 1, 1], [], []>, transpose_lhs_hint = false} : vector<128x2048xf32>, vector<2048x8xf32>, vector<128x8xf32> -> vector<128x8xf32>
    %reduce_max3A_737 = arith.constant dense<0xFF800000> : vector<128xf32>
    %reduce_max3A_738 = vector.multi_reduction <maximumf>, %dot_general3A_736, %reduce_max3A_737 [1] : vector<128x8xf32> to vector<128xf32>
    %broadcast_in_dim3A_739 = vector.shape_cast %reduce_max3A_738 : vector<128xf32> to vector<128x1xf32>
    %iota3A_740 = tpu.iota {dimensions = array<i32: 1>} : vector<128x8xi32>
    %ge3A_741 = vector.broadcast %broadcast_in_dim3A_739 : vector<128x1xf32> to vector<128x8xf32>
    %ge3A_742 = arith.cmpf oge, %dot_general3A_736, %ge3A_741 : vector<128x8xf32>
    %jit3A_743 = arith.constant 8 : i32
    %broadcast_in_dim3A_744 = vector.broadcast %jit3A_743 : i32 to vector<128x8xi32>
    %select_n3A_745 = arith.select %ge3A_742, %iota3A_740, %broadcast_in_dim3A_744 : vector<128x8xi1>, vector<128x8xi32>
    %reduce_min3A_746 = arith.constant dense<2147483647> : vector<128xi32>
    %reduce_min3A_747 = vector.multi_reduction <minsi>, %select_n3A_745, %reduce_min3A_746 [1] : vector<128x8xi32> to vector<128xi32>
    %broadcast_in_dim3A_748 = vector.shape_cast %reduce_min3A_747 : vector<128xi32> to vector<128x1xi32>
    %eq3A_749 = vector.broadcast %broadcast_in_dim3A_748 : vector<128x1xi32> to vector<128x8xi32>
    %eq3A_750 = arith.cmpi eq, %iota3A_740, %eq3A_749 : vector<128x8xi32>
    %jit3A_751 = arith.constant 1.000000e+00 : f32
    %jit3A_752 = arith.constant 0.000000e+00 : f32
    %broadcast_in_dim3A_753 = vector.broadcast %jit3A_751 : f32 to vector<128x8xf32>
    %broadcast_in_dim3A_754 = vector.broadcast %jit3A_752 : f32 to vector<128x8xf32>
    %select_n3A_755 = arith.select %eq3A_750, %broadcast_in_dim3A_753, %broadcast_in_dim3A_754 : vector<128x8xi1>, vector<128x8xf32>
    %dot_general3A_756 = arith.constant dense<0.000000e+00> : vector<128x8xf32>
    %dot_general3A_757 = tpu.matmul %select_n3A, %select_n3A_755, %dot_general3A_756 {dimension_numbers = #tpu.dot_dimension_numbers<[1], [0], [0], [1], [0, 0, 1, 1], [], []>, transpose_lhs_hint = false} : vector<128x128xf32>, vector<128x8xf32>, vector<128x8xf32> -> vector<128x8xf32>
    %slice3A_758 = vector.extract_strided_slice %dot_general3A_757 {offsets = [127, 0], sizes = [1, 8], strides = [1, 1]} : vector<128x8xf32> to vector<1x8xf32>
    %get3A_759 = arith.constant 1280 : index
    %get3A_760 = arith.constant 0 : index
    %get3A_761 = vector.load %arg1[%get3A_759, %get3A_760] : memref<2048x2048xf32, #tpu.memory_space<vmem>>, vector<128x2048xf32>
    %bitcast_convert_type3A_762 = tpu.bitcast %get3A_761 : vector<128x2048xf32> -> vector<128x2048xi32>
    %slice3A_763 = vector.extract_strided_slice %bitcast_convert_type3A_762 {offsets = [0, 0], sizes = [128, 1024], strides = [1, 1]} : vector<128x2048xi32> to vector<128x1024xi32>
    %slice3A_764 = vector.extract_strided_slice %bitcast_convert_type3A_762 {offsets = [0, 1024], sizes = [128, 1024], strides = [1, 1]} : vector<128x2048xi32> to vector<128x1024xi32>
    %add3A_765 = arith.constant 32767 : i32
    %add3A_766 = vector.broadcast %add3A_765 : i32 to vector<128x1024xi32>
    %add3A_767 = arith.addi %slice3A_763, %add3A_766 : vector<128x1024xi32>
    %shift_right_arithmetic3A_768 = arith.constant 16 : i32
    %shift_right_arithmetic3A_769 = vector.broadcast %shift_right_arithmetic3A_768 : i32 to vector<128x1024xi32>
    %shift_right_arithmetic3A_770 = arith.shrsi %slice3A_763, %shift_right_arithmetic3A_769 : vector<128x1024xi32>
    %and3A_771 = arith.constant 1 : i32
    %and3A_772 = vector.broadcast %and3A_771 : i32 to vector<128x1024xi32>
    %and3A_773 = arith.andi %shift_right_arithmetic3A_770, %and3A_772 : vector<128x1024xi32>
    %add3A_774 = arith.addi %add3A_767, %and3A_773 : vector<128x1024xi32>
    %shift_right_arithmetic3A_775 = arith.constant 16 : i32
    %shift_right_arithmetic3A_776 = vector.broadcast %shift_right_arithmetic3A_775 : i32 to vector<128x1024xi32>
    %shift_right_arithmetic3A_777 = arith.shrsi %add3A_774, %shift_right_arithmetic3A_776 : vector<128x1024xi32>
    %add3A_778 = arith.constant 32767 : i32
    %add3A_779 = vector.broadcast %add3A_778 : i32 to vector<128x1024xi32>
    %add3A_780 = arith.addi %slice3A_764, %add3A_779 : vector<128x1024xi32>
    %shift_right_arithmetic3A_781 = arith.constant 16 : i32
    %shift_right_arithmetic3A_782 = vector.broadcast %shift_right_arithmetic3A_781 : i32 to vector<128x1024xi32>
    %shift_right_arithmetic3A_783 = arith.shrsi %slice3A_764, %shift_right_arithmetic3A_782 : vector<128x1024xi32>
    %and3A_784 = arith.constant 1 : i32
    %and3A_785 = vector.broadcast %and3A_784 : i32 to vector<128x1024xi32>
    %and3A_786 = arith.andi %shift_right_arithmetic3A_783, %and3A_785 : vector<128x1024xi32>
    %add3A_787 = arith.addi %add3A_780, %and3A_786 : vector<128x1024xi32>
    %shift_right_arithmetic3A_788 = arith.constant 16 : i32
    %shift_right_arithmetic3A_789 = vector.broadcast %shift_right_arithmetic3A_788 : i32 to vector<128x1024xi32>
    %shift_right_arithmetic3A_790 = arith.shrsi %add3A_787, %shift_right_arithmetic3A_789 : vector<128x1024xi32>
    %shift_left3A_791 = arith.constant 16 : i32
    %shift_left3A_792 = vector.broadcast %shift_left3A_791 : i32 to vector<128x1024xi32>
    %shift_left3A_793 = arith.shli %shift_right_arithmetic3A_790, %shift_left3A_792 : vector<128x1024xi32>
    %and3A_794 = arith.constant 65535 : i32
    %and3A_795 = vector.broadcast %and3A_794 : i32 to vector<128x1024xi32>
    %and3A_796 = arith.andi %shift_right_arithmetic3A_777, %and3A_795 : vector<128x1024xi32>
    %or3A_797 = arith.ori %shift_left3A_793, %and3A_796 : vector<128x1024xi32>
    %swap3A_798 = arith.constant 1280 : index
    %swap3A_799 = arith.constant 0 : index
    %swap3A_800 = vector.load %arg5[%swap3A_798, %swap3A_799] : memref<2048x1024xi32, #tpu.memory_space<vmem>>, vector<128x1024xi32>
    tpu.vector_store %arg5[%swap3A_798, %swap3A_799], %or3A_797 {strides = array<i32>} : memref<2048x1024xi32, #tpu.memory_space<vmem>>, vector<128x1024xi32>,
    %mul3A_801 = arith.mulf %get3A_761, %get3A_761 : vector<128x2048xf32>
    %reduce_sum3A_802 = arith.constant dense<0.000000e+00> : vector<128xf32>
    %reduce_sum3A_803 = vector.multi_reduction <add>, %mul3A_801, %reduce_sum3A_802 [1] : vector<128x2048xf32> to vector<128xf32>
    %broadcast_in_dim3A_804 = vector.shape_cast %reduce_sum3A_803 : vector<128xf32> to vector<128x1xf32>
    %sqrt3A_805 = math.sqrt %broadcast_in_dim3A_804 : vector<128x1xf32>
    %add3A_806 = arith.constant 9.99999993E-9 : f32
    %add3A_807 = vector.broadcast %add3A_806 : f32 to vector<128x1xf32>
    %add3A_808 = arith.addf %sqrt3A_805, %add3A_807 : vector<128x1xf32>
    %div3A_809 = vector.broadcast %add3A_808 : vector<128x1xf32> to vector<128x2048xf32>
    %div3A_810 = arith.divf %get3A_761, %div3A_809 : vector<128x2048xf32>
    %dot_general3A_811 = arith.constant dense<0.000000e+00> : vector<128x8xf32>
    %dot_general3A_812 = tpu.matmul %div3A_810, %transpose3A, %dot_general3A_811 {dimension_numbers = #tpu.dot_dimension_numbers<[1], [0], [0], [1], [0, 0, 1, 1], [], []>, transpose_lhs_hint = false} : vector<128x2048xf32>, vector<2048x8xf32>, vector<128x8xf32> -> vector<128x8xf32>
    %reduce_max3A_813 = arith.constant dense<0xFF800000> : vector<128xf32>
    %reduce_max3A_814 = vector.multi_reduction <maximumf>, %dot_general3A_812, %reduce_max3A_813 [1] : vector<128x8xf32> to vector<128xf32>
    %broadcast_in_dim3A_815 = vector.shape_cast %reduce_max3A_814 : vector<128xf32> to vector<128x1xf32>
    %iota3A_816 = tpu.iota {dimensions = array<i32: 1>} : vector<128x8xi32>
    %ge3A_817 = vector.broadcast %broadcast_in_dim3A_815 : vector<128x1xf32> to vector<128x8xf32>
    %ge3A_818 = arith.cmpf oge, %dot_general3A_812, %ge3A_817 : vector<128x8xf32>
    %jit3A_819 = arith.constant 8 : i32
    %broadcast_in_dim3A_820 = vector.broadcast %jit3A_819 : i32 to vector<128x8xi32>
    %select_n3A_821 = arith.select %ge3A_818, %iota3A_816, %broadcast_in_dim3A_820 : vector<128x8xi1>, vector<128x8xi32>
    %reduce_min3A_822 = arith.constant dense<2147483647> : vector<128xi32>
    %reduce_min3A_823 = vector.multi_reduction <minsi>, %select_n3A_821, %reduce_min3A_822 [1] : vector<128x8xi32> to vector<128xi32>
    %broadcast_in_dim3A_824 = vector.shape_cast %reduce_min3A_823 : vector<128xi32> to vector<128x1xi32>
    %eq3A_825 = vector.broadcast %broadcast_in_dim3A_824 : vector<128x1xi32> to vector<128x8xi32>
    %eq3A_826 = arith.cmpi eq, %iota3A_816, %eq3A_825 : vector<128x8xi32>
    %jit3A_827 = arith.constant 1.000000e+00 : f32
    %jit3A_828 = arith.constant 0.000000e+00 : f32
    %broadcast_in_dim3A_829 = vector.broadcast %jit3A_827 : f32 to vector<128x8xf32>
    %broadcast_in_dim3A_830 = vector.broadcast %jit3A_828 : f32 to vector<128x8xf32>
    %select_n3A_831 = arith.select %eq3A_826, %broadcast_in_dim3A_829, %broadcast_in_dim3A_830 : vector<128x8xi1>, vector<128x8xf32>
    %dot_general3A_832 = arith.constant dense<0.000000e+00> : vector<128x8xf32>
    %dot_general3A_833 = tpu.matmul %select_n3A, %select_n3A_831, %dot_general3A_832 {dimension_numbers = #tpu.dot_dimension_numbers<[1], [0], [0], [1], [0, 0, 1, 1], [], []>, transpose_lhs_hint = false} : vector<128x128xf32>, vector<128x8xf32>, vector<128x8xf32> -> vector<128x8xf32>
    %slice3A_834 = vector.extract_strided_slice %dot_general3A_833 {offsets = [127, 0], sizes = [1, 8], strides = [1, 1]} : vector<128x8xf32> to vector<1x8xf32>
    %get3A_835 = arith.constant 1408 : index
    %get3A_836 = arith.constant 0 : index
    %get3A_837 = vector.load %arg1[%get3A_835, %get3A_836] : memref<2048x2048xf32, #tpu.memory_space<vmem>>, vector<128x2048xf32>
    %bitcast_convert_type3A_838 = tpu.bitcast %get3A_837 : vector<128x2048xf32> -> vector<128x2048xi32>
    %slice3A_839 = vector.extract_strided_slice %bitcast_convert_type3A_838 {offsets = [0, 0], sizes = [128, 1024], strides = [1, 1]} : vector<128x2048xi32> to vector<128x1024xi32>
    %slice3A_840 = vector.extract_strided_slice %bitcast_convert_type3A_838 {offsets = [0, 1024], sizes = [128, 1024], strides = [1, 1]} : vector<128x2048xi32> to vector<128x1024xi32>
    %add3A_841 = arith.constant 32767 : i32
    %add3A_842 = vector.broadcast %add3A_841 : i32 to vector<128x1024xi32>
    %add3A_843 = arith.addi %slice3A_839, %add3A_842 : vector<128x1024xi32>
    %shift_right_arithmetic3A_844 = arith.constant 16 : i32
    %shift_right_arithmetic3A_845 = vector.broadcast %shift_right_arithmetic3A_844 : i32 to vector<128x1024xi32>
    %shift_right_arithmetic3A_846 = arith.shrsi %slice3A_839, %shift_right_arithmetic3A_845 : vector<128x1024xi32>
    %and3A_847 = arith.constant 1 : i32
    %and3A_848 = vector.broadcast %and3A_847 : i32 to vector<128x1024xi32>
    %and3A_849 = arith.andi %shift_right_arithmetic3A_846, %and3A_848 : vector<128x1024xi32>
    %add3A_850 = arith.addi %add3A_843, %and3A_849 : vector<128x1024xi32>
    %shift_right_arithmetic3A_851 = arith.constant 16 : i32
    %shift_right_arithmetic3A_852 = vector.broadcast %shift_right_arithmetic3A_851 : i32 to vector<128x1024xi32>
    %shift_right_arithmetic3A_853 = arith.shrsi %add3A_850, %shift_right_arithmetic3A_852 : vector<128x1024xi32>
    %add3A_854 = arith.constant 32767 : i32
    %add3A_855 = vector.broadcast %add3A_854 : i32 to vector<128x1024xi32>
    %add3A_856 = arith.addi %slice3A_840, %add3A_855 : vector<128x1024xi32>
    %shift_right_arithmetic3A_857 = arith.constant 16 : i32
    %shift_right_arithmetic3A_858 = vector.broadcast %shift_right_arithmetic3A_857 : i32 to vector<128x1024xi32>
    %shift_right_arithmetic3A_859 = arith.shrsi %slice3A_840, %shift_right_arithmetic3A_858 : vector<128x1024xi32>
    %and3A_860 = arith.constant 1 : i32
    %and3A_861 = vector.broadcast %and3A_860 : i32 to vector<128x1024xi32>
    %and3A_862 = arith.andi %shift_right_arithmetic3A_859, %and3A_861 : vector<128x1024xi32>
    %add3A_863 = arith.addi %add3A_856, %and3A_862 : vector<128x1024xi32>
    %shift_right_arithmetic3A_864 = arith.constant 16 : i32
    %shift_right_arithmetic3A_865 = vector.broadcast %shift_right_arithmetic3A_864 : i32 to vector<128x1024xi32>
    %shift_right_arithmetic3A_866 = arith.shrsi %add3A_863, %shift_right_arithmetic3A_865 : vector<128x1024xi32>
    %shift_left3A_867 = arith.constant 16 : i32
    %shift_left3A_868 = vector.broadcast %shift_left3A_867 : i32 to vector<128x1024xi32>
    %shift_left3A_869 = arith.shli %shift_right_arithmetic3A_866, %shift_left3A_868 : vector<128x1024xi32>
    %and3A_870 = arith.constant 65535 : i32
    %and3A_871 = vector.broadcast %and3A_870 : i32 to vector<128x1024xi32>
    %and3A_872 = arith.andi %shift_right_arithmetic3A_853, %and3A_871 : vector<128x1024xi32>
    %or3A_873 = arith.ori %shift_left3A_869, %and3A_872 : vector<128x1024xi32>
    %swap3A_874 = arith.constant 1408 : index
    %swap3A_875 = arith.constant 0 : index
    %swap3A_876 = vector.load %arg5[%swap3A_874, %swap3A_875] : memref<2048x1024xi32, #tpu.memory_space<vmem>>, vector<128x1024xi32>
    tpu.vector_store %arg5[%swap3A_874, %swap3A_875], %or3A_873 {strides = array<i32>} : memref<2048x1024xi32, #tpu.memory_space<vmem>>, vector<128x1024xi32>,
    %mul3A_877 = arith.mulf %get3A_837, %get3A_837 : vector<128x2048xf32>
    %reduce_sum3A_878 = arith.constant dense<0.000000e+00> : vector<128xf32>
    %reduce_sum3A_879 = vector.multi_reduction <add>, %mul3A_877, %reduce_sum3A_878 [1] : vector<128x2048xf32> to vector<128xf32>
    %broadcast_in_dim3A_880 = vector.shape_cast %reduce_sum3A_879 : vector<128xf32> to vector<128x1xf32>
    %sqrt3A_881 = math.sqrt %broadcast_in_dim3A_880 : vector<128x1xf32>
    %add3A_882 = arith.constant 9.99999993E-9 : f32
    %add3A_883 = vector.broadcast %add3A_882 : f32 to vector<128x1xf32>
    %add3A_884 = arith.addf %sqrt3A_881, %add3A_883 : vector<128x1xf32>
    %div3A_885 = vector.broadcast %add3A_884 : vector<128x1xf32> to vector<128x2048xf32>
    %div3A_886 = arith.divf %get3A_837, %div3A_885 : vector<128x2048xf32>
    %dot_general3A_887 = arith.constant dense<0.000000e+00> : vector<128x8xf32>
    %dot_general3A_888 = tpu.matmul %div3A_886, %transpose3A, %dot_general3A_887 {dimension_numbers = #tpu.dot_dimension_numbers<[1], [0], [0], [1], [0, 0, 1, 1], [], []>, transpose_lhs_hint = false} : vector<128x2048xf32>, vector<2048x8xf32>, vector<128x8xf32> -> vector<128x8xf32>
    %reduce_max3A_889 = arith.constant dense<0xFF800000> : vector<128xf32>
    %reduce_max3A_890 = vector.multi_reduction <maximumf>, %dot_general3A_888, %reduce_max3A_889 [1] : vector<128x8xf32> to vector<128xf32>
    %broadcast_in_dim3A_891 = vector.shape_cast %reduce_max3A_890 : vector<128xf32> to vector<128x1xf32>
    %iota3A_892 = tpu.iota {dimensions = array<i32: 1>} : vector<128x8xi32>
    %ge3A_893 = vector.broadcast %broadcast_in_dim3A_891 : vector<128x1xf32> to vector<128x8xf32>
    %ge3A_894 = arith.cmpf oge, %dot_general3A_888, %ge3A_893 : vector<128x8xf32>
    %jit3A_895 = arith.constant 8 : i32
    %broadcast_in_dim3A_896 = vector.broadcast %jit3A_895 : i32 to vector<128x8xi32>
    %select_n3A_897 = arith.select %ge3A_894, %iota3A_892, %broadcast_in_dim3A_896 : vector<128x8xi1>, vector<128x8xi32>
    %reduce_min3A_898 = arith.constant dense<2147483647> : vector<128xi32>
    %reduce_min3A_899 = vector.multi_reduction <minsi>, %select_n3A_897, %reduce_min3A_898 [1] : vector<128x8xi32> to vector<128xi32>
    %broadcast_in_dim3A_900 = vector.shape_cast %reduce_min3A_899 : vector<128xi32> to vector<128x1xi32>
    %eq3A_901 = vector.broadcast %broadcast_in_dim3A_900 : vector<128x1xi32> to vector<128x8xi32>
    %eq3A_902 = arith.cmpi eq, %iota3A_892, %eq3A_901 : vector<128x8xi32>
    %jit3A_903 = arith.constant 1.000000e+00 : f32
    %jit3A_904 = arith.constant 0.000000e+00 : f32
    %broadcast_in_dim3A_905 = vector.broadcast %jit3A_903 : f32 to vector<128x8xf32>
    %broadcast_in_dim3A_906 = vector.broadcast %jit3A_904 : f32 to vector<128x8xf32>
    %select_n3A_907 = arith.select %eq3A_902, %broadcast_in_dim3A_905, %broadcast_in_dim3A_906 : vector<128x8xi1>, vector<128x8xf32>
    %dot_general3A_908 = arith.constant dense<0.000000e+00> : vector<128x8xf32>
    %dot_general3A_909 = tpu.matmul %select_n3A, %select_n3A_907, %dot_general3A_908 {dimension_numbers = #tpu.dot_dimension_numbers<[1], [0], [0], [1], [0, 0, 1, 1], [], []>, transpose_lhs_hint = false} : vector<128x128xf32>, vector<128x8xf32>, vector<128x8xf32> -> vector<128x8xf32>
    %slice3A_910 = vector.extract_strided_slice %dot_general3A_909 {offsets = [127, 0], sizes = [1, 8], strides = [1, 1]} : vector<128x8xf32> to vector<1x8xf32>
    %get3A_911 = arith.constant 1536 : index
    %get3A_912 = arith.constant 0 : index
    %get3A_913 = vector.load %arg1[%get3A_911, %get3A_912] : memref<2048x2048xf32, #tpu.memory_space<vmem>>, vector<128x2048xf32>
    %bitcast_convert_type3A_914 = tpu.bitcast %get3A_913 : vector<128x2048xf32> -> vector<128x2048xi32>
    %slice3A_915 = vector.extract_strided_slice %bitcast_convert_type3A_914 {offsets = [0, 0], sizes = [128, 1024], strides = [1, 1]} : vector<128x2048xi32> to vector<128x1024xi32>
    %slice3A_916 = vector.extract_strided_slice %bitcast_convert_type3A_914 {offsets = [0, 1024], sizes = [128, 1024], strides = [1, 1]} : vector<128x2048xi32> to vector<128x1024xi32>
    %add3A_917 = arith.constant 32767 : i32
    %add3A_918 = vector.broadcast %add3A_917 : i32 to vector<128x1024xi32>
    %add3A_919 = arith.addi %slice3A_915, %add3A_918 : vector<128x1024xi32>
    %shift_right_arithmetic3A_920 = arith.constant 16 : i32
    %shift_right_arithmetic3A_921 = vector.broadcast %shift_right_arithmetic3A_920 : i32 to vector<128x1024xi32>
    %shift_right_arithmetic3A_922 = arith.shrsi %slice3A_915, %shift_right_arithmetic3A_921 : vector<128x1024xi32>
    %and3A_923 = arith.constant 1 : i32
    %and3A_924 = vector.broadcast %and3A_923 : i32 to vector<128x1024xi32>
    %and3A_925 = arith.andi %shift_right_arithmetic3A_922, %and3A_924 : vector<128x1024xi32>
    %add3A_926 = arith.addi %add3A_919, %and3A_925 : vector<128x1024xi32>
    %shift_right_arithmetic3A_927 = arith.constant 16 : i32
    %shift_right_arithmetic3A_928 = vector.broadcast %shift_right_arithmetic3A_927 : i32 to vector<128x1024xi32>
    %shift_right_arithmetic3A_929 = arith.shrsi %add3A_926, %shift_right_arithmetic3A_928 : vector<128x1024xi32>
    %add3A_930 = arith.constant 32767 : i32
    %add3A_931 = vector.broadcast %add3A_930 : i32 to vector<128x1024xi32>
    %add3A_932 = arith.addi %slice3A_916, %add3A_931 : vector<128x1024xi32>
    %shift_right_arithmetic3A_933 = arith.constant 16 : i32
    %shift_right_arithmetic3A_934 = vector.broadcast %shift_right_arithmetic3A_933 : i32 to vector<128x1024xi32>
    %shift_right_arithmetic3A_935 = arith.shrsi %slice3A_916, %shift_right_arithmetic3A_934 : vector<128x1024xi32>
    %and3A_936 = arith.constant 1 : i32
    %and3A_937 = vector.broadcast %and3A_936 : i32 to vector<128x1024xi32>
    %and3A_938 = arith.andi %shift_right_arithmetic3A_935, %and3A_937 : vector<128x1024xi32>
    %add3A_939 = arith.addi %add3A_932, %and3A_938 : vector<128x1024xi32>
    %shift_right_arithmetic3A_940 = arith.constant 16 : i32
    %shift_right_arithmetic3A_941 = vector.broadcast %shift_right_arithmetic3A_940 : i32 to vector<128x1024xi32>
    %shift_right_arithmetic3A_942 = arith.shrsi %add3A_939, %shift_right_arithmetic3A_941 : vector<128x1024xi32>
    %shift_left3A_943 = arith.constant 16 : i32
    %shift_left3A_944 = vector.broadcast %shift_left3A_943 : i32 to vector<128x1024xi32>
    %shift_left3A_945 = arith.shli %shift_right_arithmetic3A_942, %shift_left3A_944 : vector<128x1024xi32>
    %and3A_946 = arith.constant 65535 : i32
    %and3A_947 = vector.broadcast %and3A_946 : i32 to vector<128x1024xi32>
    %and3A_948 = arith.andi %shift_right_arithmetic3A_929, %and3A_947 : vector<128x1024xi32>
    %or3A_949 = arith.ori %shift_left3A_945, %and3A_948 : vector<128x1024xi32>
    %swap3A_950 = arith.constant 1536 : index
    %swap3A_951 = arith.constant 0 : index
    %swap3A_952 = vector.load %arg5[%swap3A_950, %swap3A_951] : memref<2048x1024xi32, #tpu.memory_space<vmem>>, vector<128x1024xi32>
    tpu.vector_store %arg5[%swap3A_950, %swap3A_951], %or3A_949 {strides = array<i32>} : memref<2048x1024xi32, #tpu.memory_space<vmem>>, vector<128x1024xi32>,
    %mul3A_953 = arith.mulf %get3A_913, %get3A_913 : vector<128x2048xf32>
    %reduce_sum3A_954 = arith.constant dense<0.000000e+00> : vector<128xf32>
    %reduce_sum3A_955 = vector.multi_reduction <add>, %mul3A_953, %reduce_sum3A_954 [1] : vector<128x2048xf32> to vector<128xf32>
    %broadcast_in_dim3A_956 = vector.shape_cast %reduce_sum3A_955 : vector<128xf32> to vector<128x1xf32>
    %sqrt3A_957 = math.sqrt %broadcast_in_dim3A_956 : vector<128x1xf32>
    %add3A_958 = arith.constant 9.99999993E-9 : f32
    %add3A_959 = vector.broadcast %add3A_958 : f32 to vector<128x1xf32>
    %add3A_960 = arith.addf %sqrt3A_957, %add3A_959 : vector<128x1xf32>
    %div3A_961 = vector.broadcast %add3A_960 : vector<128x1xf32> to vector<128x2048xf32>
    %div3A_962 = arith.divf %get3A_913, %div3A_961 : vector<128x2048xf32>
    %dot_general3A_963 = arith.constant dense<0.000000e+00> : vector<128x8xf32>
    %dot_general3A_964 = tpu.matmul %div3A_962, %transpose3A, %dot_general3A_963 {dimension_numbers = #tpu.dot_dimension_numbers<[1], [0], [0], [1], [0, 0, 1, 1], [], []>, transpose_lhs_hint = false} : vector<128x2048xf32>, vector<2048x8xf32>, vector<128x8xf32> -> vector<128x8xf32>
    %reduce_max3A_965 = arith.constant dense<0xFF800000> : vector<128xf32>
    %reduce_max3A_966 = vector.multi_reduction <maximumf>, %dot_general3A_964, %reduce_max3A_965 [1] : vector<128x8xf32> to vector<128xf32>
    %broadcast_in_dim3A_967 = vector.shape_cast %reduce_max3A_966 : vector<128xf32> to vector<128x1xf32>
    %iota3A_968 = tpu.iota {dimensions = array<i32: 1>} : vector<128x8xi32>
    %ge3A_969 = vector.broadcast %broadcast_in_dim3A_967 : vector<128x1xf32> to vector<128x8xf32>
    %ge3A_970 = arith.cmpf oge, %dot_general3A_964, %ge3A_969 : vector<128x8xf32>
    %jit3A_971 = arith.constant 8 : i32
    %broadcast_in_dim3A_972 = vector.broadcast %jit3A_971 : i32 to vector<128x8xi32>
    %select_n3A_973 = arith.select %ge3A_970, %iota3A_968, %broadcast_in_dim3A_972 : vector<128x8xi1>, vector<128x8xi32>
    %reduce_min3A_974 = arith.constant dense<2147483647> : vector<128xi32>
    %reduce_min3A_975 = vector.multi_reduction <minsi>, %select_n3A_973, %reduce_min3A_974 [1] : vector<128x8xi32> to vector<128xi32>
    %broadcast_in_dim3A_976 = vector.shape_cast %reduce_min3A_975 : vector<128xi32> to vector<128x1xi32>
    %eq3A_977 = vector.broadcast %broadcast_in_dim3A_976 : vector<128x1xi32> to vector<128x8xi32>
    %eq3A_978 = arith.cmpi eq, %iota3A_968, %eq3A_977 : vector<128x8xi32>
    %jit3A_979 = arith.constant 1.000000e+00 : f32
    %jit3A_980 = arith.constant 0.000000e+00 : f32
    %broadcast_in_dim3A_981 = vector.broadcast %jit3A_979 : f32 to vector<128x8xf32>
    %broadcast_in_dim3A_982 = vector.broadcast %jit3A_980 : f32 to vector<128x8xf32>
    %select_n3A_983 = arith.select %eq3A_978, %broadcast_in_dim3A_981, %broadcast_in_dim3A_982 : vector<128x8xi1>, vector<128x8xf32>
    %dot_general3A_984 = arith.constant dense<0.000000e+00> : vector<128x8xf32>
    %dot_general3A_985 = tpu.matmul %select_n3A, %select_n3A_983, %dot_general3A_984 {dimension_numbers = #tpu.dot_dimension_numbers<[1], [0], [0], [1], [0, 0, 1, 1], [], []>, transpose_lhs_hint = false} : vector<128x128xf32>, vector<128x8xf32>, vector<128x8xf32> -> vector<128x8xf32>
    %slice3A_986 = vector.extract_strided_slice %dot_general3A_985 {offsets = [127, 0], sizes = [1, 8], strides = [1, 1]} : vector<128x8xf32> to vector<1x8xf32>
    %get3A_987 = arith.constant 1664 : index
    %get3A_988 = arith.constant 0 : index
    %get3A_989 = vector.load %arg1[%get3A_987, %get3A_988] : memref<2048x2048xf32, #tpu.memory_space<vmem>>, vector<128x2048xf32>
    %bitcast_convert_type3A_990 = tpu.bitcast %get3A_989 : vector<128x2048xf32> -> vector<128x2048xi32>
    %slice3A_991 = vector.extract_strided_slice %bitcast_convert_type3A_990 {offsets = [0, 0], sizes = [128, 1024], strides = [1, 1]} : vector<128x2048xi32> to vector<128x1024xi32>
    %slice3A_992 = vector.extract_strided_slice %bitcast_convert_type3A_990 {offsets = [0, 1024], sizes = [128, 1024], strides = [1, 1]} : vector<128x2048xi32> to vector<128x1024xi32>
    %add3A_993 = arith.constant 32767 : i32
    %add3A_994 = vector.broadcast %add3A_993 : i32 to vector<128x1024xi32>
    %add3A_995 = arith.addi %slice3A_991, %add3A_994 : vector<128x1024xi32>
    %shift_right_arithmetic3A_996 = arith.constant 16 : i32
    %shift_right_arithmetic3A_997 = vector.broadcast %shift_right_arithmetic3A_996 : i32 to vector<128x1024xi32>
    %shift_right_arithmetic3A_998 = arith.shrsi %slice3A_991, %shift_right_arithmetic3A_997 : vector<128x1024xi32>
    %and3A_999 = arith.constant 1 : i32
    %and3A_1000 = vector.broadcast %and3A_999 : i32 to vector<128x1024xi32>
    %and3A_1001 = arith.andi %shift_right_arithmetic3A_998, %and3A_1000 : vector<128x1024xi32>
    %add3A_1002 = arith.addi %add3A_995, %and3A_1001 : vector<128x1024xi32>
    %shift_right_arithmetic3A_1003 = arith.constant 16 : i32
    %shift_right_arithmetic3A_1004 = vector.broadcast %shift_right_arithmetic3A_1003 : i32 to vector<128x1024xi32>
    %shift_right_arithmetic3A_1005 = arith.shrsi %add3A_1002, %shift_right_arithmetic3A_1004 : vector<128x1024xi32>
    %add3A_1006 = arith.constant 32767 : i32
    %add3A_1007 = vector.broadcast %add3A_1006 : i32 to vector<128x1024xi32>
    %add3A_1008 = arith.addi %slice3A_992, %add3A_1007 : vector<128x1024xi32>
    %shift_right_arithmetic3A_1009 = arith.constant 16 : i32
    %shift_right_arithmetic3A_1010 = vector.broadcast %shift_right_arithmetic3A_1009 : i32 to vector<128x1024xi32>
    %shift_right_arithmetic3A_1011 = arith.shrsi %slice3A_992, %shift_right_arithmetic3A_1010 : vector<128x1024xi32>
    %and3A_1012 = arith.constant 1 : i32
    %and3A_1013 = vector.broadcast %and3A_1012 : i32 to vector<128x1024xi32>
    %and3A_1014 = arith.andi %shift_right_arithmetic3A_1011, %and3A_1013 : vector<128x1024xi32>
    %add3A_1015 = arith.addi %add3A_1008, %and3A_1014 : vector<128x1024xi32>
    %shift_right_arithmetic3A_1016 = arith.constant 16 : i32
    %shift_right_arithmetic3A_1017 = vector.broadcast %shift_right_arithmetic3A_1016 : i32 to vector<128x1024xi32>
    %shift_right_arithmetic3A_1018 = arith.shrsi %add3A_1015, %shift_right_arithmetic3A_1017 : vector<128x1024xi32>
    %shift_left3A_1019 = arith.constant 16 : i32
    %shift_left3A_1020 = vector.broadcast %shift_left3A_1019 : i32 to vector<128x1024xi32>
    %shift_left3A_1021 = arith.shli %shift_right_arithmetic3A_1018, %shift_left3A_1020 : vector<128x1024xi32>
    %and3A_1022 = arith.constant 65535 : i32
    %and3A_1023 = vector.broadcast %and3A_1022 : i32 to vector<128x1024xi32>
    %and3A_1024 = arith.andi %shift_right_arithmetic3A_1005, %and3A_1023 : vector<128x1024xi32>
    %or3A_1025 = arith.ori %shift_left3A_1021, %and3A_1024 : vector<128x1024xi32>
    %swap3A_1026 = arith.constant 1664 : index
    %swap3A_1027 = arith.constant 0 : index
    %swap3A_1028 = vector.load %arg5[%swap3A_1026, %swap3A_1027] : memref<2048x1024xi32, #tpu.memory_space<vmem>>, vector<128x1024xi32>
    tpu.vector_store %arg5[%swap3A_1026, %swap3A_1027], %or3A_1025 {strides = array<i32>} : memref<2048x1024xi32, #tpu.memory_space<vmem>>, vector<128x1024xi32>,
    %mul3A_1029 = arith.mulf %get3A_989, %get3A_989 : vector<128x2048xf32>
    %reduce_sum3A_1030 = arith.constant dense<0.000000e+00> : vector<128xf32>
    %reduce_sum3A_1031 = vector.multi_reduction <add>, %mul3A_1029, %reduce_sum3A_1030 [1] : vector<128x2048xf32> to vector<128xf32>
    %broadcast_in_dim3A_1032 = vector.shape_cast %reduce_sum3A_1031 : vector<128xf32> to vector<128x1xf32>
    %sqrt3A_1033 = math.sqrt %broadcast_in_dim3A_1032 : vector<128x1xf32>
    %add3A_1034 = arith.constant 9.99999993E-9 : f32
    %add3A_1035 = vector.broadcast %add3A_1034 : f32 to vector<128x1xf32>
    %add3A_1036 = arith.addf %sqrt3A_1033, %add3A_1035 : vector<128x1xf32>
    %div3A_1037 = vector.broadcast %add3A_1036 : vector<128x1xf32> to vector<128x2048xf32>
    %div3A_1038 = arith.divf %get3A_989, %div3A_1037 : vector<128x2048xf32>
    %dot_general3A_1039 = arith.constant dense<0.000000e+00> : vector<128x8xf32>
    %dot_general3A_1040 = tpu.matmul %div3A_1038, %transpose3A, %dot_general3A_1039 {dimension_numbers = #tpu.dot_dimension_numbers<[1], [0], [0], [1], [0, 0, 1, 1], [], []>, transpose_lhs_hint = false} : vector<128x2048xf32>, vector<2048x8xf32>, vector<128x8xf32> -> vector<128x8xf32>
    %reduce_max3A_1041 = arith.constant dense<0xFF800000> : vector<128xf32>
    %reduce_max3A_1042 = vector.multi_reduction <maximumf>, %dot_general3A_1040, %reduce_max3A_1041 [1] : vector<128x8xf32> to vector<128xf32>
    %broadcast_in_dim3A_1043 = vector.shape_cast %reduce_max3A_1042 : vector<128xf32> to vector<128x1xf32>
    %iota3A_1044 = tpu.iota {dimensions = array<i32: 1>} : vector<128x8xi32>
    %ge3A_1045 = vector.broadcast %broadcast_in_dim3A_1043 : vector<128x1xf32> to vector<128x8xf32>
    %ge3A_1046 = arith.cmpf oge, %dot_general3A_1040, %ge3A_1045 : vector<128x8xf32>
    %jit3A_1047 = arith.constant 8 : i32
    %broadcast_in_dim3A_1048 = vector.broadcast %jit3A_1047 : i32 to vector<128x8xi32>
    %select_n3A_1049 = arith.select %ge3A_1046, %iota3A_1044, %broadcast_in_dim3A_1048 : vector<128x8xi1>, vector<128x8xi32>
    %reduce_min3A_1050 = arith.constant dense<2147483647> : vector<128xi32>
    %reduce_min3A_1051 = vector.multi_reduction <minsi>, %select_n3A_1049, %reduce_min3A_1050 [1] : vector<128x8xi32> to vector<128xi32>
    %broadcast_in_dim3A_1052 = vector.shape_cast %reduce_min3A_1051 : vector<128xi32> to vector<128x1xi32>
    %eq3A_1053 = vector.broadcast %broadcast_in_dim3A_1052 : vector<128x1xi32> to vector<128x8xi32>
    %eq3A_1054 = arith.cmpi eq, %iota3A_1044, %eq3A_1053 : vector<128x8xi32>
    %jit3A_1055 = arith.constant 1.000000e+00 : f32
    %jit3A_1056 = arith.constant 0.000000e+00 : f32
    %broadcast_in_dim3A_1057 = vector.broadcast %jit3A_1055 : f32 to vector<128x8xf32>
    %broadcast_in_dim3A_1058 = vector.broadcast %jit3A_1056 : f32 to vector<128x8xf32>
    %select_n3A_1059 = arith.select %eq3A_1054, %broadcast_in_dim3A_1057, %broadcast_in_dim3A_1058 : vector<128x8xi1>, vector<128x8xf32>
    %dot_general3A_1060 = arith.constant dense<0.000000e+00> : vector<128x8xf32>
    %dot_general3A_1061 = tpu.matmul %select_n3A, %select_n3A_1059, %dot_general3A_1060 {dimension_numbers = #tpu.dot_dimension_numbers<[1], [0], [0], [1], [0, 0, 1, 1], [], []>, transpose_lhs_hint = false} : vector<128x128xf32>, vector<128x8xf32>, vector<128x8xf32> -> vector<128x8xf32>
    %slice3A_1062 = vector.extract_strided_slice %dot_general3A_1061 {offsets = [127, 0], sizes = [1, 8], strides = [1, 1]} : vector<128x8xf32> to vector<1x8xf32>
    %get3A_1063 = arith.constant 1792 : index
    %get3A_1064 = arith.constant 0 : index
    %get3A_1065 = vector.load %arg1[%get3A_1063, %get3A_1064] : memref<2048x2048xf32, #tpu.memory_space<vmem>>, vector<128x2048xf32>
    %bitcast_convert_type3A_1066 = tpu.bitcast %get3A_1065 : vector<128x2048xf32> -> vector<128x2048xi32>
    %slice3A_1067 = vector.extract_strided_slice %bitcast_convert_type3A_1066 {offsets = [0, 0], sizes = [128, 1024], strides = [1, 1]} : vector<128x2048xi32> to vector<128x1024xi32>
    %slice3A_1068 = vector.extract_strided_slice %bitcast_convert_type3A_1066 {offsets = [0, 1024], sizes = [128, 1024], strides = [1, 1]} : vector<128x2048xi32> to vector<128x1024xi32>
    %add3A_1069 = arith.constant 32767 : i32
    %add3A_1070 = vector.broadcast %add3A_1069 : i32 to vector<128x1024xi32>
    %add3A_1071 = arith.addi %slice3A_1067, %add3A_1070 : vector<128x1024xi32>
    %shift_right_arithmetic3A_1072 = arith.constant 16 : i32
    %shift_right_arithmetic3A_1073 = vector.broadcast %shift_right_arithmetic3A_1072 : i32 to vector<128x1024xi32>
    %shift_right_arithmetic3A_1074 = arith.shrsi %slice3A_1067, %shift_right_arithmetic3A_1073 : vector<128x1024xi32>
    %and3A_1075 = arith.constant 1 : i32
    %and3A_1076 = vector.broadcast %and3A_1075 : i32 to vector<128x1024xi32>
    %and3A_1077 = arith.andi %shift_right_arithmetic3A_1074, %and3A_1076 : vector<128x1024xi32>
    %add3A_1078 = arith.addi %add3A_1071, %and3A_1077 : vector<128x1024xi32>
    %shift_right_arithmetic3A_1079 = arith.constant 16 : i32
    %shift_right_arithmetic3A_1080 = vector.broadcast %shift_right_arithmetic3A_1079 : i32 to vector<128x1024xi32>
    %shift_right_arithmetic3A_1081 = arith.shrsi %add3A_1078, %shift_right_arithmetic3A_1080 : vector<128x1024xi32>
    %add3A_1082 = arith.constant 32767 : i32
    %add3A_1083 = vector.broadcast %add3A_1082 : i32 to vector<128x1024xi32>
    %add3A_1084 = arith.addi %slice3A_1068, %add3A_1083 : vector<128x1024xi32>
    %shift_right_arithmetic3A_1085 = arith.constant 16 : i32
    %shift_right_arithmetic3A_1086 = vector.broadcast %shift_right_arithmetic3A_1085 : i32 to vector<128x1024xi32>
    %shift_right_arithmetic3A_1087 = arith.shrsi %slice3A_1068, %shift_right_arithmetic3A_1086 : vector<128x1024xi32>
    %and3A_1088 = arith.constant 1 : i32
    %and3A_1089 = vector.broadcast %and3A_1088 : i32 to vector<128x1024xi32>
    %and3A_1090 = arith.andi %shift_right_arithmetic3A_1087, %and3A_1089 : vector<128x1024xi32>
    %add3A_1091 = arith.addi %add3A_1084, %and3A_1090 : vector<128x1024xi32>
    %shift_right_arithmetic3A_1092 = arith.constant 16 : i32
    %shift_right_arithmetic3A_1093 = vector.broadcast %shift_right_arithmetic3A_1092 : i32 to vector<128x1024xi32>
    %shift_right_arithmetic3A_1094 = arith.shrsi %add3A_1091, %shift_right_arithmetic3A_1093 : vector<128x1024xi32>
    %shift_left3A_1095 = arith.constant 16 : i32
    %shift_left3A_1096 = vector.broadcast %shift_left3A_1095 : i32 to vector<128x1024xi32>
    %shift_left3A_1097 = arith.shli %shift_right_arithmetic3A_1094, %shift_left3A_1096 : vector<128x1024xi32>
    %and3A_1098 = arith.constant 65535 : i32
    %and3A_1099 = vector.broadcast %and3A_1098 : i32 to vector<128x1024xi32>
    %and3A_1100 = arith.andi %shift_right_arithmetic3A_1081, %and3A_1099 : vector<128x1024xi32>
    %or3A_1101 = arith.ori %shift_left3A_1097, %and3A_1100 : vector<128x1024xi32>
    %swap3A_1102 = arith.constant 1792 : index
    %swap3A_1103 = arith.constant 0 : index
    %swap3A_1104 = vector.load %arg5[%swap3A_1102, %swap3A_1103] : memref<2048x1024xi32, #tpu.memory_space<vmem>>, vector<128x1024xi32>
    tpu.vector_store %arg5[%swap3A_1102, %swap3A_1103], %or3A_1101 {strides = array<i32>} : memref<2048x1024xi32, #tpu.memory_space<vmem>>, vector<128x1024xi32>,
    %mul3A_1105 = arith.mulf %get3A_1065, %get3A_1065 : vector<128x2048xf32>
    %reduce_sum3A_1106 = arith.constant dense<0.000000e+00> : vector<128xf32>
    %reduce_sum3A_1107 = vector.multi_reduction <add>, %mul3A_1105, %reduce_sum3A_1106 [1] : vector<128x2048xf32> to vector<128xf32>
    %broadcast_in_dim3A_1108 = vector.shape_cast %reduce_sum3A_1107 : vector<128xf32> to vector<128x1xf32>
    %sqrt3A_1109 = math.sqrt %broadcast_in_dim3A_1108 : vector<128x1xf32>
    %add3A_1110 = arith.constant 9.99999993E-9 : f32
    %add3A_1111 = vector.broadcast %add3A_1110 : f32 to vector<128x1xf32>
    %add3A_1112 = arith.addf %sqrt3A_1109, %add3A_1111 : vector<128x1xf32>
    %div3A_1113 = vector.broadcast %add3A_1112 : vector<128x1xf32> to vector<128x2048xf32>
    %div3A_1114 = arith.divf %get3A_1065, %div3A_1113 : vector<128x2048xf32>
    %dot_general3A_1115 = arith.constant dense<0.000000e+00> : vector<128x8xf32>
    %dot_general3A_1116 = tpu.matmul %div3A_1114, %transpose3A, %dot_general3A_1115 {dimension_numbers = #tpu.dot_dimension_numbers<[1], [0], [0], [1], [0, 0, 1, 1], [], []>, transpose_lhs_hint = false} : vector<128x2048xf32>, vector<2048x8xf32>, vector<128x8xf32> -> vector<128x8xf32>
    %reduce_max3A_1117 = arith.constant dense<0xFF800000> : vector<128xf32>
    %reduce_max3A_1118 = vector.multi_reduction <maximumf>, %dot_general3A_1116, %reduce_max3A_1117 [1] : vector<128x8xf32> to vector<128xf32>
    %broadcast_in_dim3A_1119 = vector.shape_cast %reduce_max3A_1118 : vector<128xf32> to vector<128x1xf32>
    %iota3A_1120 = tpu.iota {dimensions = array<i32: 1>} : vector<128x8xi32>
    %ge3A_1121 = vector.broadcast %broadcast_in_dim3A_1119 : vector<128x1xf32> to vector<128x8xf32>
    %ge3A_1122 = arith.cmpf oge, %dot_general3A_1116, %ge3A_1121 : vector<128x8xf32>
    %jit3A_1123 = arith.constant 8 : i32
    %broadcast_in_dim3A_1124 = vector.broadcast %jit3A_1123 : i32 to vector<128x8xi32>
    %select_n3A_1125 = arith.select %ge3A_1122, %iota3A_1120, %broadcast_in_dim3A_1124 : vector<128x8xi1>, vector<128x8xi32>
    %reduce_min3A_1126 = arith.constant dense<2147483647> : vector<128xi32>
    %reduce_min3A_1127 = vector.multi_reduction <minsi>, %select_n3A_1125, %reduce_min3A_1126 [1] : vector<128x8xi32> to vector<128xi32>
    %broadcast_in_dim3A_1128 = vector.shape_cast %reduce_min3A_1127 : vector<128xi32> to vector<128x1xi32>
    %eq3A_1129 = vector.broadcast %broadcast_in_dim3A_1128 : vector<128x1xi32> to vector<128x8xi32>
    %eq3A_1130 = arith.cmpi eq, %iota3A_1120, %eq3A_1129 : vector<128x8xi32>
    %jit3A_1131 = arith.constant 1.000000e+00 : f32
    %jit3A_1132 = arith.constant 0.000000e+00 : f32
    %broadcast_in_dim3A_1133 = vector.broadcast %jit3A_1131 : f32 to vector<128x8xf32>
    %broadcast_in_dim3A_1134 = vector.broadcast %jit3A_1132 : f32 to vector<128x8xf32>
    %select_n3A_1135 = arith.select %eq3A_1130, %broadcast_in_dim3A_1133, %broadcast_in_dim3A_1134 : vector<128x8xi1>, vector<128x8xf32>
    %dot_general3A_1136 = arith.constant dense<0.000000e+00> : vector<128x8xf32>
    %dot_general3A_1137 = tpu.matmul %select_n3A, %select_n3A_1135, %dot_general3A_1136 {dimension_numbers = #tpu.dot_dimension_numbers<[1], [0], [0], [1], [0, 0, 1, 1], [], []>, transpose_lhs_hint = false} : vector<128x128xf32>, vector<128x8xf32>, vector<128x8xf32> -> vector<128x8xf32>
    %slice3A_1138 = vector.extract_strided_slice %dot_general3A_1137 {offsets = [127, 0], sizes = [1, 8], strides = [1, 1]} : vector<128x8xf32> to vector<1x8xf32>
    %get3A_1139 = arith.constant 1920 : index
    %get3A_1140 = arith.constant 0 : index
    %get3A_1141 = vector.load %arg1[%get3A_1139, %get3A_1140] : memref<2048x2048xf32, #tpu.memory_space<vmem>>, vector<128x2048xf32>
    %bitcast_convert_type3A_1142 = tpu.bitcast %get3A_1141 : vector<128x2048xf32> -> vector<128x2048xi32>
    %slice3A_1143 = vector.extract_strided_slice %bitcast_convert_type3A_1142 {offsets = [0, 0], sizes = [128, 1024], strides = [1, 1]} : vector<128x2048xi32> to vector<128x1024xi32>
    %slice3A_1144 = vector.extract_strided_slice %bitcast_convert_type3A_1142 {offsets = [0, 1024], sizes = [128, 1024], strides = [1, 1]} : vector<128x2048xi32> to vector<128x1024xi32>
    %add3A_1145 = arith.constant 32767 : i32
    %add3A_1146 = vector.broadcast %add3A_1145 : i32 to vector<128x1024xi32>
    %add3A_1147 = arith.addi %slice3A_1143, %add3A_1146 : vector<128x1024xi32>
    %shift_right_arithmetic3A_1148 = arith.constant 16 : i32
    %shift_right_arithmetic3A_1149 = vector.broadcast %shift_right_arithmetic3A_1148 : i32 to vector<128x1024xi32>
    %shift_right_arithmetic3A_1150 = arith.shrsi %slice3A_1143, %shift_right_arithmetic3A_1149 : vector<128x1024xi32>
    %and3A_1151 = arith.constant 1 : i32
    %and3A_1152 = vector.broadcast %and3A_1151 : i32 to vector<128x1024xi32>
    %and3A_1153 = arith.andi %shift_right_arithmetic3A_1150, %and3A_1152 : vector<128x1024xi32>
    %add3A_1154 = arith.addi %add3A_1147, %and3A_1153 : vector<128x1024xi32>
    %shift_right_arithmetic3A_1155 = arith.constant 16 : i32
    %shift_right_arithmetic3A_1156 = vector.broadcast %shift_right_arithmetic3A_1155 : i32 to vector<128x1024xi32>
    %shift_right_arithmetic3A_1157 = arith.shrsi %add3A_1154, %shift_right_arithmetic3A_1156 : vector<128x1024xi32>
    %add3A_1158 = arith.constant 32767 : i32
    %add3A_1159 = vector.broadcast %add3A_1158 : i32 to vector<128x1024xi32>
    %add3A_1160 = arith.addi %slice3A_1144, %add3A_1159 : vector<128x1024xi32>
    %shift_right_arithmetic3A_1161 = arith.constant 16 : i32
    %shift_right_arithmetic3A_1162 = vector.broadcast %shift_right_arithmetic3A_1161 : i32 to vector<128x1024xi32>
    %shift_right_arithmetic3A_1163 = arith.shrsi %slice3A_1144, %shift_right_arithmetic3A_1162 : vector<128x1024xi32>
    %and3A_1164 = arith.constant 1 : i32
    %and3A_1165 = vector.broadcast %and3A_1164 : i32 to vector<128x1024xi32>
    %and3A_1166 = arith.andi %shift_right_arithmetic3A_1163, %and3A_1165 : vector<128x1024xi32>
    %add3A_1167 = arith.addi %add3A_1160, %and3A_1166 : vector<128x1024xi32>
    %shift_right_arithmetic3A_1168 = arith.constant 16 : i32
    %shift_right_arithmetic3A_1169 = vector.broadcast %shift_right_arithmetic3A_1168 : i32 to vector<128x1024xi32>
    %shift_right_arithmetic3A_1170 = arith.shrsi %add3A_1167, %shift_right_arithmetic3A_1169 : vector<128x1024xi32>
    %shift_left3A_1171 = arith.constant 16 : i32
    %shift_left3A_1172 = vector.broadcast %shift_left3A_1171 : i32 to vector<128x1024xi32>
    %shift_left3A_1173 = arith.shli %shift_right_arithmetic3A_1170, %shift_left3A_1172 : vector<128x1024xi32>
    %and3A_1174 = arith.constant 65535 : i32
    %and3A_1175 = vector.broadcast %and3A_1174 : i32 to vector<128x1024xi32>
    %and3A_1176 = arith.andi %shift_right_arithmetic3A_1157, %and3A_1175 : vector<128x1024xi32>
    %or3A_1177 = arith.ori %shift_left3A_1173, %and3A_1176 : vector<128x1024xi32>
    %swap3A_1178 = arith.constant 1920 : index
    %swap3A_1179 = arith.constant 0 : index
    %swap3A_1180 = vector.load %arg5[%swap3A_1178, %swap3A_1179] : memref<2048x1024xi32, #tpu.memory_space<vmem>>, vector<128x1024xi32>
    tpu.vector_store %arg5[%swap3A_1178, %swap3A_1179], %or3A_1177 {strides = array<i32>} : memref<2048x1024xi32, #tpu.memory_space<vmem>>, vector<128x1024xi32>,
    %mul3A_1181 = arith.mulf %get3A_1141, %get3A_1141 : vector<128x2048xf32>
    %reduce_sum3A_1182 = arith.constant dense<0.000000e+00> : vector<128xf32>
    %reduce_sum3A_1183 = vector.multi_reduction <add>, %mul3A_1181, %reduce_sum3A_1182 [1] : vector<128x2048xf32> to vector<128xf32>
    %broadcast_in_dim3A_1184 = vector.shape_cast %reduce_sum3A_1183 : vector<128xf32> to vector<128x1xf32>
    %sqrt3A_1185 = math.sqrt %broadcast_in_dim3A_1184 : vector<128x1xf32>
    %add3A_1186 = arith.constant 9.99999993E-9 : f32
    %add3A_1187 = vector.broadcast %add3A_1186 : f32 to vector<128x1xf32>
    %add3A_1188 = arith.addf %sqrt3A_1185, %add3A_1187 : vector<128x1xf32>
    %div3A_1189 = vector.broadcast %add3A_1188 : vector<128x1xf32> to vector<128x2048xf32>
    %div3A_1190 = arith.divf %get3A_1141, %div3A_1189 : vector<128x2048xf32>
    %dot_general3A_1191 = arith.constant dense<0.000000e+00> : vector<128x8xf32>
    %dot_general3A_1192 = tpu.matmul %div3A_1190, %transpose3A, %dot_general3A_1191 {dimension_numbers = #tpu.dot_dimension_numbers<[1], [0], [0], [1], [0, 0, 1, 1], [], []>, transpose_lhs_hint = false} : vector<128x2048xf32>, vector<2048x8xf32>, vector<128x8xf32> -> vector<128x8xf32>
    %reduce_max3A_1193 = arith.constant dense<0xFF800000> : vector<128xf32>
    %reduce_max3A_1194 = vector.multi_reduction <maximumf>, %dot_general3A_1192, %reduce_max3A_1193 [1] : vector<128x8xf32> to vector<128xf32>
    %broadcast_in_dim3A_1195 = vector.shape_cast %reduce_max3A_1194 : vector<128xf32> to vector<128x1xf32>
    %iota3A_1196 = tpu.iota {dimensions = array<i32: 1>} : vector<128x8xi32>
    %ge3A_1197 = vector.broadcast %broadcast_in_dim3A_1195 : vector<128x1xf32> to vector<128x8xf32>
    %ge3A_1198 = arith.cmpf oge, %dot_general3A_1192, %ge3A_1197 : vector<128x8xf32>
    %jit3A_1199 = arith.constant 8 : i32
    %broadcast_in_dim3A_1200 = vector.broadcast %jit3A_1199 : i32 to vector<128x8xi32>
    %select_n3A_1201 = arith.select %ge3A_1198, %iota3A_1196, %broadcast_in_dim3A_1200 : vector<128x8xi1>, vector<128x8xi32>
    %reduce_min3A_1202 = arith.constant dense<2147483647> : vector<128xi32>
    %reduce_min3A_1203 = vector.multi_reduction <minsi>, %select_n3A_1201, %reduce_min3A_1202 [1] : vector<128x8xi32> to vector<128xi32>
    %broadcast_in_dim3A_1204 = vector.shape_cast %reduce_min3A_1203 : vector<128xi32> to vector<128x1xi32>
    %eq3A_1205 = vector.broadcast %broadcast_in_dim3A_1204 : vector<128x1xi32> to vector<128x8xi32>
    %eq3A_1206 = arith.cmpi eq, %iota3A_1196, %eq3A_1205 : vector<128x8xi32>
    %jit3A_1207 = arith.constant 1.000000e+00 : f32
    %jit3A_1208 = arith.constant 0.000000e+00 : f32
    %broadcast_in_dim3A_1209 = vector.broadcast %jit3A_1207 : f32 to vector<128x8xf32>
    %broadcast_in_dim3A_1210 = vector.broadcast %jit3A_1208 : f32 to vector<128x8xf32>
    %select_n3A_1211 = arith.select %eq3A_1206, %broadcast_in_dim3A_1209, %broadcast_in_dim3A_1210 : vector<128x8xi1>, vector<128x8xf32>
    %dot_general3A_1212 = arith.constant dense<0.000000e+00> : vector<128x8xf32>
    %dot_general3A_1213 = tpu.matmul %select_n3A, %select_n3A_1211, %dot_general3A_1212 {dimension_numbers = #tpu.dot_dimension_numbers<[1], [0], [0], [1], [0, 0, 1, 1], [], []>, transpose_lhs_hint = false} : vector<128x128xf32>, vector<128x8xf32>, vector<128x8xf32> -> vector<128x8xf32>
    %slice3A_1214 = vector.extract_strided_slice %dot_general3A_1213 {offsets = [127, 0], sizes = [1, 8], strides = [1, 1]} : vector<128x8xf32> to vector<1x8xf32>
    %concatenate3A = tpu.concatenate %slice3A_74, %slice3A_150, %slice3A_226, %slice3A_302, %slice3A_378, %slice3A_454, %slice3A_530, %slice3A_606, %slice3A_682, %slice3A_758, %slice3A_834, %slice3A_910, %slice3A_986, %slice3A_1062, %slice3A_1138, %slice3A_1214 in 0 : vector<1x8xf32>, vector<1x8xf32>, vector<1x8xf32>, vector<1x8xf32>, vector<1x8xf32>, vector<1x8xf32>, vector<1x8xf32>, vector<1x8xf32>, vector<1x8xf32>, vector<1x8xf32>, vector<1x8xf32>, vector<1x8xf32>, vector<1x8xf32>, vector<1x8xf32>, vector<1x8xf32>, vector<1x8xf32> -> vector<16x8xf32>
    %iota3A_1215 = tpu.iota {dimensions = array<i32: 0>} : vector<16x16xi32>
    %iota3A_1216 = tpu.iota {dimensions = array<i32: 1>} : vector<16x16xi32>
    %gt3A = arith.cmpi sgt, %iota3A_1215, %iota3A_1216 : vector<16x16xi32>
    %jit3A_1217 = arith.constant 1.000000e+00 : f32
    %jit3A_1218 = arith.constant 0.000000e+00 : f32
    %broadcast_in_dim3A_1219 = vector.broadcast %jit3A_1217 : f32 to vector<16x16xf32>
    %broadcast_in_dim3A_1220 = vector.broadcast %jit3A_1218 : f32 to vector<16x16xf32>
    %select_n3A_1221 = arith.select %gt3A, %broadcast_in_dim3A_1219, %broadcast_in_dim3A_1220 : vector<16x16xi1>, vector<16x16xf32>
    %dot_general3A_1222 = arith.constant dense<0.000000e+00> : vector<16x8xf32>
    %dot_general3A_1223 = tpu.matmul %select_n3A_1221, %concatenate3A, %dot_general3A_1222 {dimension_numbers = #tpu.dot_dimension_numbers<[1], [0], [0], [1], [0, 0, 1, 1], [], []>, transpose_lhs_hint = false} : vector<16x16xf32>, vector<16x8xf32>, vector<16x8xf32> -> vector<16x8xf32>
    %slice3A_1224 = vector.extract_strided_slice %dot_general3A_1223 {offsets = [15, 0], sizes = [1, 8], strides = [1, 1]} : vector<16x8xf32> to vector<1x8xf32>
    %slice3A_1225 = vector.extract_strided_slice %concatenate3A {offsets = [15, 0], sizes = [1, 8], strides = [1, 1]} : vector<16x8xf32> to vector<1x8xf32>
    %add3A_1226 = arith.addf %slice3A_1224, %slice3A_1225 : vector<1x8xf32>
    %add3A_1227 = arith.constant 5.000000e-01 : f32
    %add3A_1228 = vector.broadcast %add3A_1227 : f32 to vector<1x8xf32>
    %add3A_1229 = arith.addf %add3A_1226, %add3A_1228 : vector<1x8xf32>
    %convert_element_type3A = arith.fptosi %add3A_1229 : vector<1x8xf32> to vector<1x8xi32>
    %add3A_1230 = arith.constant 127 : i32
    %add3A_1231 = vector.broadcast %add3A_1230 : i32 to vector<1x8xi32>
    %add3A_1232 = arith.addi %convert_element_type3A, %add3A_1231 : vector<1x8xi32>
    %shift_right_arithmetic3A_1233 = arith.constant 7 : i32
    %shift_right_arithmetic3A_1234 = vector.broadcast %shift_right_arithmetic3A_1233 : i32 to vector<1x8xi32>
    %shift_right_arithmetic3A_1235 = arith.shrsi %add3A_1232, %shift_right_arithmetic3A_1234 : vector<1x8xi32>
    %convert_element_type3A_1236 = arith.sitofp %shift_right_arithmetic3A_1235 : vector<1x8xi32> to vector<1x8xf32>
    %iota3A_1237 = tpu.iota {dimensions = array<i32: 0>} : vector<8x8xi32>
    %iota3A_1238 = tpu.iota {dimensions = array<i32: 1>} : vector<8x8xi32>
    %le3A = arith.cmpi sle, %iota3A_1237, %iota3A_1238 : vector<8x8xi32>
    %jit3A_1239 = arith.constant 1.000000e+00 : f32
    %jit3A_1240 = arith.constant 0.000000e+00 : f32
    %broadcast_in_dim3A_1241 = vector.broadcast %jit3A_1239 : f32 to vector<8x8xf32>
    %broadcast_in_dim3A_1242 = vector.broadcast %jit3A_1240 : f32 to vector<8x8xf32>
    %select_n3A_1243 = arith.select %le3A, %broadcast_in_dim3A_1241, %broadcast_in_dim3A_1242 : vector<8x8xi1>, vector<8x8xf32>
    %dot_general3A_1244 = arith.constant dense<0.000000e+00> : vector<1x8xf32>
    %dot_general3A_1245 = tpu.matmul %convert_element_type3A_1236, %select_n3A_1243, %dot_general3A_1244 {dimension_numbers = #tpu.dot_dimension_numbers<[1], [0], [0], [1], [0, 0, 1, 1], [], []>, transpose_lhs_hint = false} : vector<1x8xf32>, vector<8x8xf32>, vector<1x8xf32> -> vector<1x8xf32>
    %sub3A = arith.subf %dot_general3A_1245, %convert_element_type3A_1236 : vector<1x8xf32>
    %mul3A_1246 = arith.constant 1.280000e+02 : f32
    %mul3A_1247 = vector.broadcast %mul3A_1246 : f32 to vector<1x8xf32>
    %mul3A_1248 = arith.mulf %sub3A, %mul3A_1247 : vector<1x8xf32>
    %slice3A_1249 = vector.extract_strided_slice %dot_general3A_1223 {offsets = [0, 0], sizes = [1, 8], strides = [1, 1]} : vector<16x8xf32> to vector<1x8xf32>
    %add3A_1250 = arith.addf %mul3A_1248, %slice3A_1249 : vector<1x8xf32>
    %add3A_1251 = vector.broadcast %add3A_1250 : vector<1x8xf32> to vector<128x8xf32>
    %add3A_1252 = arith.addf %add3A_1251, %dot_general3A_73 : vector<128x8xf32>
    %sub3A_1253 = arith.constant 1.000000e+00 : f32
    %sub3A_1254 = vector.broadcast %sub3A_1253 : f32 to vector<128x8xf32>
    %sub3A_1255 = arith.subf %add3A_1252, %sub3A_1254 : vector<128x8xf32>
    %mul3A_1256 = arith.mulf %select_n3A_71, %sub3A_1255 : vector<128x8xf32>
    %reduce_sum3A_1257 = arith.constant dense<0.000000e+00> : vector<128xf32>
    %reduce_sum3A_1258 = vector.multi_reduction <add>, %mul3A_1256, %reduce_sum3A_1257 [1] : vector<128x8xf32> to vector<128xf32>
    %broadcast_in_dim3A_1259 = vector.shape_cast %reduce_sum3A_1258 : vector<128xf32> to vector<128x1xf32>
    %convert_element_type3A_1260 = arith.fptosi %broadcast_in_dim3A_1259 : vector<128x1xf32> to vector<128x1xi32>
    %and3A_1261 = arith.constant -128 : i32
    %and3A_1262 = vector.broadcast %and3A_1261 : i32 to vector<128x1xi32>
    %and3A_1263 = arith.andi %convert_element_type3A_1260, %and3A_1262 : vector<128x1xi32>
    %and3A_1264 = arith.constant 127 : i32
    %and3A_1265 = vector.broadcast %and3A_1264 : i32 to vector<128x1xi32>
    %and3A_1266 = arith.andi %convert_element_type3A_1260, %and3A_1265 : vector<128x1xi32>
    %xor3A = arith.constant 83 : i32
    %xor3A_1267 = vector.broadcast %xor3A : i32 to vector<128x1xi32>
    %xor3A_1268 = arith.xori %and3A_1266, %xor3A_1267 : vector<128x1xi32>
    %or3A_1269 = arith.ori %and3A_1263, %xor3A_1268 : vector<128x1xi32>
    %swap3A_1270 = arith.constant 0 : index
    %swap3A_1271 = arith.constant 0 : index
    %swap3A_1272 = vector.load %arg3[%swap3A_1270, %swap3A_1271] : memref<2048x1xi32, #tpu.memory_space<vmem>>, vector<128x1xi32>
    tpu.vector_store %arg3[%swap3A_1270, %swap3A_1271], %or3A_1269 {strides = array<i32>} : memref<2048x1xi32, #tpu.memory_space<vmem>>, vector<128x1xi32>,
    %slice3A_1273 = vector.extract_strided_slice %dot_general3A_1223 {offsets = [1, 0], sizes = [1, 8], strides = [1, 1]} : vector<16x8xf32> to vector<1x8xf32>
    %add3A_1274 = arith.addf %mul3A_1248, %slice3A_1273 : vector<1x8xf32>
    %add3A_1275 = vector.broadcast %add3A_1274 : vector<1x8xf32> to vector<128x8xf32>
    %add3A_1276 = arith.addf %add3A_1275, %dot_general3A_149 : vector<128x8xf32>
    %sub3A_1277 = arith.constant 1.000000e+00 : f32
    %sub3A_1278 = vector.broadcast %sub3A_1277 : f32 to vector<128x8xf32>
    %sub3A_1279 = arith.subf %add3A_1276, %sub3A_1278 : vector<128x8xf32>
    %mul3A_1280 = arith.mulf %select_n3A_147, %sub3A_1279 : vector<128x8xf32>
    %reduce_sum3A_1281 = arith.constant dense<0.000000e+00> : vector<128xf32>
    %reduce_sum3A_1282 = vector.multi_reduction <add>, %mul3A_1280, %reduce_sum3A_1281 [1] : vector<128x8xf32> to vector<128xf32>
    %broadcast_in_dim3A_1283 = vector.shape_cast %reduce_sum3A_1282 : vector<128xf32> to vector<128x1xf32>
    %convert_element_type3A_1284 = arith.fptosi %broadcast_in_dim3A_1283 : vector<128x1xf32> to vector<128x1xi32>
    %and3A_1285 = arith.constant -128 : i32
    %and3A_1286 = vector.broadcast %and3A_1285 : i32 to vector<128x1xi32>
    %and3A_1287 = arith.andi %convert_element_type3A_1284, %and3A_1286 : vector<128x1xi32>
    %and3A_1288 = arith.constant 127 : i32
    %and3A_1289 = vector.broadcast %and3A_1288 : i32 to vector<128x1xi32>
    %and3A_1290 = arith.andi %convert_element_type3A_1284, %and3A_1289 : vector<128x1xi32>
    %xor3A_1291 = arith.constant 83 : i32
    %xor3A_1292 = vector.broadcast %xor3A_1291 : i32 to vector<128x1xi32>
    %xor3A_1293 = arith.xori %and3A_1290, %xor3A_1292 : vector<128x1xi32>
    %or3A_1294 = arith.ori %and3A_1287, %xor3A_1293 : vector<128x1xi32>
    %swap3A_1295 = arith.constant 128 : index
    %swap3A_1296 = arith.constant 0 : index
    %swap3A_1297 = vector.load %arg3[%swap3A_1295, %swap3A_1296] : memref<2048x1xi32, #tpu.memory_space<vmem>>, vector<128x1xi32>
    tpu.vector_store %arg3[%swap3A_1295, %swap3A_1296], %or3A_1294 {strides = array<i32>} : memref<2048x1xi32, #tpu.memory_space<vmem>>, vector<128x1xi32>,
    %slice3A_1298 = vector.extract_strided_slice %dot_general3A_1223 {offsets = [2, 0], sizes = [1, 8], strides = [1, 1]} : vector<16x8xf32> to vector<1x8xf32>
    %add3A_1299 = arith.addf %mul3A_1248, %slice3A_1298 : vector<1x8xf32>
    %add3A_1300 = vector.broadcast %add3A_1299 : vector<1x8xf32> to vector<128x8xf32>
    %add3A_1301 = arith.addf %add3A_1300, %dot_general3A_225 : vector<128x8xf32>
    %sub3A_1302 = arith.constant 1.000000e+00 : f32
    %sub3A_1303 = vector.broadcast %sub3A_1302 : f32 to vector<128x8xf32>
    %sub3A_1304 = arith.subf %add3A_1301, %sub3A_1303 : vector<128x8xf32>
    %mul3A_1305 = arith.mulf %select_n3A_223, %sub3A_1304 : vector<128x8xf32>
    %reduce_sum3A_1306 = arith.constant dense<0.000000e+00> : vector<128xf32>
    %reduce_sum3A_1307 = vector.multi_reduction <add>, %mul3A_1305, %reduce_sum3A_1306 [1] : vector<128x8xf32> to vector<128xf32>
    %broadcast_in_dim3A_1308 = vector.shape_cast %reduce_sum3A_1307 : vector<128xf32> to vector<128x1xf32>
    %convert_element_type3A_1309 = arith.fptosi %broadcast_in_dim3A_1308 : vector<128x1xf32> to vector<128x1xi32>
    %and3A_1310 = arith.constant -128 : i32
    %and3A_1311 = vector.broadcast %and3A_1310 : i32 to vector<128x1xi32>
    %and3A_1312 = arith.andi %convert_element_type3A_1309, %and3A_1311 : vector<128x1xi32>
    %and3A_1313 = arith.constant 127 : i32
    %and3A_1314 = vector.broadcast %and3A_1313 : i32 to vector<128x1xi32>
    %and3A_1315 = arith.andi %convert_element_type3A_1309, %and3A_1314 : vector<128x1xi32>
    %xor3A_1316 = arith.constant 83 : i32
    %xor3A_1317 = vector.broadcast %xor3A_1316 : i32 to vector<128x1xi32>
    %xor3A_1318 = arith.xori %and3A_1315, %xor3A_1317 : vector<128x1xi32>
    %or3A_1319 = arith.ori %and3A_1312, %xor3A_1318 : vector<128x1xi32>
    %swap3A_1320 = arith.constant 256 : index
    %swap3A_1321 = arith.constant 0 : index
    %swap3A_1322 = vector.load %arg3[%swap3A_1320, %swap3A_1321] : memref<2048x1xi32, #tpu.memory_space<vmem>>, vector<128x1xi32>
    tpu.vector_store %arg3[%swap3A_1320, %swap3A_1321], %or3A_1319 {strides = array<i32>} : memref<2048x1xi32, #tpu.memory_space<vmem>>, vector<128x1xi32>,
    %slice3A_1323 = vector.extract_strided_slice %dot_general3A_1223 {offsets = [3, 0], sizes = [1, 8], strides = [1, 1]} : vector<16x8xf32> to vector<1x8xf32>
    %add3A_1324 = arith.addf %mul3A_1248, %slice3A_1323 : vector<1x8xf32>
    %add3A_1325 = vector.broadcast %add3A_1324 : vector<1x8xf32> to vector<128x8xf32>
    %add3A_1326 = arith.addf %add3A_1325, %dot_general3A_301 : vector<128x8xf32>
    %sub3A_1327 = arith.constant 1.000000e+00 : f32
    %sub3A_1328 = vector.broadcast %sub3A_1327 : f32 to vector<128x8xf32>
    %sub3A_1329 = arith.subf %add3A_1326, %sub3A_1328 : vector<128x8xf32>
    %mul3A_1330 = arith.mulf %select_n3A_299, %sub3A_1329 : vector<128x8xf32>
    %reduce_sum3A_1331 = arith.constant dense<0.000000e+00> : vector<128xf32>
    %reduce_sum3A_1332 = vector.multi_reduction <add>, %mul3A_1330, %reduce_sum3A_1331 [1] : vector<128x8xf32> to vector<128xf32>
    %broadcast_in_dim3A_1333 = vector.shape_cast %reduce_sum3A_1332 : vector<128xf32> to vector<128x1xf32>
    %convert_element_type3A_1334 = arith.fptosi %broadcast_in_dim3A_1333 : vector<128x1xf32> to vector<128x1xi32>
    %and3A_1335 = arith.constant -128 : i32
    %and3A_1336 = vector.broadcast %and3A_1335 : i32 to vector<128x1xi32>
    %and3A_1337 = arith.andi %convert_element_type3A_1334, %and3A_1336 : vector<128x1xi32>
    %and3A_1338 = arith.constant 127 : i32
    %and3A_1339 = vector.broadcast %and3A_1338 : i32 to vector<128x1xi32>
    %and3A_1340 = arith.andi %convert_element_type3A_1334, %and3A_1339 : vector<128x1xi32>
    %xor3A_1341 = arith.constant 83 : i32
    %xor3A_1342 = vector.broadcast %xor3A_1341 : i32 to vector<128x1xi32>
    %xor3A_1343 = arith.xori %and3A_1340, %xor3A_1342 : vector<128x1xi32>
    %or3A_1344 = arith.ori %and3A_1337, %xor3A_1343 : vector<128x1xi32>
    %swap3A_1345 = arith.constant 384 : index
    %swap3A_1346 = arith.constant 0 : index
    %swap3A_1347 = vector.load %arg3[%swap3A_1345, %swap3A_1346] : memref<2048x1xi32, #tpu.memory_space<vmem>>, vector<128x1xi32>
    tpu.vector_store %arg3[%swap3A_1345, %swap3A_1346], %or3A_1344 {strides = array<i32>} : memref<2048x1xi32, #tpu.memory_space<vmem>>, vector<128x1xi32>,
    %slice3A_1348 = vector.extract_strided_slice %dot_general3A_1223 {offsets = [4, 0], sizes = [1, 8], strides = [1, 1]} : vector<16x8xf32> to vector<1x8xf32>
    %add3A_1349 = arith.addf %mul3A_1248, %slice3A_1348 : vector<1x8xf32>
    %add3A_1350 = vector.broadcast %add3A_1349 : vector<1x8xf32> to vector<128x8xf32>
    %add3A_1351 = arith.addf %add3A_1350, %dot_general3A_377 : vector<128x8xf32>
    %sub3A_1352 = arith.constant 1.000000e+00 : f32
    %sub3A_1353 = vector.broadcast %sub3A_1352 : f32 to vector<128x8xf32>
    %sub3A_1354 = arith.subf %add3A_1351, %sub3A_1353 : vector<128x8xf32>
    %mul3A_1355 = arith.mulf %select_n3A_375, %sub3A_1354 : vector<128x8xf32>
    %reduce_sum3A_1356 = arith.constant dense<0.000000e+00> : vector<128xf32>
    %reduce_sum3A_1357 = vector.multi_reduction <add>, %mul3A_1355, %reduce_sum3A_1356 [1] : vector<128x8xf32> to vector<128xf32>
    %broadcast_in_dim3A_1358 = vector.shape_cast %reduce_sum3A_1357 : vector<128xf32> to vector<128x1xf32>
    %convert_element_type3A_1359 = arith.fptosi %broadcast_in_dim3A_1358 : vector<128x1xf32> to vector<128x1xi32>
    %and3A_1360 = arith.constant -128 : i32
    %and3A_1361 = vector.broadcast %and3A_1360 : i32 to vector<128x1xi32>
    %and3A_1362 = arith.andi %convert_element_type3A_1359, %and3A_1361 : vector<128x1xi32>
    %and3A_1363 = arith.constant 127 : i32
    %and3A_1364 = vector.broadcast %and3A_1363 : i32 to vector<128x1xi32>
    %and3A_1365 = arith.andi %convert_element_type3A_1359, %and3A_1364 : vector<128x1xi32>
    %xor3A_1366 = arith.constant 83 : i32
    %xor3A_1367 = vector.broadcast %xor3A_1366 : i32 to vector<128x1xi32>
    %xor3A_1368 = arith.xori %and3A_1365, %xor3A_1367 : vector<128x1xi32>
    %or3A_1369 = arith.ori %and3A_1362, %xor3A_1368 : vector<128x1xi32>
    %swap3A_1370 = arith.constant 512 : index
    %swap3A_1371 = arith.constant 0 : index
    %swap3A_1372 = vector.load %arg3[%swap3A_1370, %swap3A_1371] : memref<2048x1xi32, #tpu.memory_space<vmem>>, vector<128x1xi32>
    tpu.vector_store %arg3[%swap3A_1370, %swap3A_1371], %or3A_1369 {strides = array<i32>} : memref<2048x1xi32, #tpu.memory_space<vmem>>, vector<128x1xi32>,
    %slice3A_1373 = vector.extract_strided_slice %dot_general3A_1223 {offsets = [5, 0], sizes = [1, 8], strides = [1, 1]} : vector<16x8xf32> to vector<1x8xf32>
    %add3A_1374 = arith.addf %mul3A_1248, %slice3A_1373 : vector<1x8xf32>
    %add3A_1375 = vector.broadcast %add3A_1374 : vector<1x8xf32> to vector<128x8xf32>
    %add3A_1376 = arith.addf %add3A_1375, %dot_general3A_453 : vector<128x8xf32>
    %sub3A_1377 = arith.constant 1.000000e+00 : f32
    %sub3A_1378 = vector.broadcast %sub3A_1377 : f32 to vector<128x8xf32>
    %sub3A_1379 = arith.subf %add3A_1376, %sub3A_1378 : vector<128x8xf32>
    %mul3A_1380 = arith.mulf %select_n3A_451, %sub3A_1379 : vector<128x8xf32>
    %reduce_sum3A_1381 = arith.constant dense<0.000000e+00> : vector<128xf32>
    %reduce_sum3A_1382 = vector.multi_reduction <add>, %mul3A_1380, %reduce_sum3A_1381 [1] : vector<128x8xf32> to vector<128xf32>
    %broadcast_in_dim3A_1383 = vector.shape_cast %reduce_sum3A_1382 : vector<128xf32> to vector<128x1xf32>
    %convert_element_type3A_1384 = arith.fptosi %broadcast_in_dim3A_1383 : vector<128x1xf32> to vector<128x1xi32>
    %and3A_1385 = arith.constant -128 : i32
    %and3A_1386 = vector.broadcast %and3A_1385 : i32 to vector<128x1xi32>
    %and3A_1387 = arith.andi %convert_element_type3A_1384, %and3A_1386 : vector<128x1xi32>
    %and3A_1388 = arith.constant 127 : i32
    %and3A_1389 = vector.broadcast %and3A_1388 : i32 to vector<128x1xi32>
    %and3A_1390 = arith.andi %convert_element_type3A_1384, %and3A_1389 : vector<128x1xi32>
    %xor3A_1391 = arith.constant 83 : i32
    %xor3A_1392 = vector.broadcast %xor3A_1391 : i32 to vector<128x1xi32>
    %xor3A_1393 = arith.xori %and3A_1390, %xor3A_1392 : vector<128x1xi32>
    %or3A_1394 = arith.ori %and3A_1387, %xor3A_1393 : vector<128x1xi32>
    %swap3A_1395 = arith.constant 640 : index
    %swap3A_1396 = arith.constant 0 : index
    %swap3A_1397 = vector.load %arg3[%swap3A_1395, %swap3A_1396] : memref<2048x1xi32, #tpu.memory_space<vmem>>, vector<128x1xi32>
    tpu.vector_store %arg3[%swap3A_1395, %swap3A_1396], %or3A_1394 {strides = array<i32>} : memref<2048x1xi32, #tpu.memory_space<vmem>>, vector<128x1xi32>,
    %slice3A_1398 = vector.extract_strided_slice %dot_general3A_1223 {offsets = [6, 0], sizes = [1, 8], strides = [1, 1]} : vector<16x8xf32> to vector<1x8xf32>
    %add3A_1399 = arith.addf %mul3A_1248, %slice3A_1398 : vector<1x8xf32>
    %add3A_1400 = vector.broadcast %add3A_1399 : vector<1x8xf32> to vector<128x8xf32>
    %add3A_1401 = arith.addf %add3A_1400, %dot_general3A_529 : vector<128x8xf32>
    %sub3A_1402 = arith.constant 1.000000e+00 : f32
    %sub3A_1403 = vector.broadcast %sub3A_1402 : f32 to vector<128x8xf32>
    %sub3A_1404 = arith.subf %add3A_1401, %sub3A_1403 : vector<128x8xf32>
    %mul3A_1405 = arith.mulf %select_n3A_527, %sub3A_1404 : vector<128x8xf32>
    %reduce_sum3A_1406 = arith.constant dense<0.000000e+00> : vector<128xf32>
    %reduce_sum3A_1407 = vector.multi_reduction <add>, %mul3A_1405, %reduce_sum3A_1406 [1] : vector<128x8xf32> to vector<128xf32>
    %broadcast_in_dim3A_1408 = vector.shape_cast %reduce_sum3A_1407 : vector<128xf32> to vector<128x1xf32>
    %convert_element_type3A_1409 = arith.fptosi %broadcast_in_dim3A_1408 : vector<128x1xf32> to vector<128x1xi32>
    %and3A_1410 = arith.constant -128 : i32
    %and3A_1411 = vector.broadcast %and3A_1410 : i32 to vector<128x1xi32>
    %and3A_1412 = arith.andi %convert_element_type3A_1409, %and3A_1411 : vector<128x1xi32>
    %and3A_1413 = arith.constant 127 : i32
    %and3A_1414 = vector.broadcast %and3A_1413 : i32 to vector<128x1xi32>
    %and3A_1415 = arith.andi %convert_element_type3A_1409, %and3A_1414 : vector<128x1xi32>
    %xor3A_1416 = arith.constant 83 : i32
    %xor3A_1417 = vector.broadcast %xor3A_1416 : i32 to vector<128x1xi32>
    %xor3A_1418 = arith.xori %and3A_1415, %xor3A_1417 : vector<128x1xi32>
    %or3A_1419 = arith.ori %and3A_1412, %xor3A_1418 : vector<128x1xi32>
    %swap3A_1420 = arith.constant 768 : index
    %swap3A_1421 = arith.constant 0 : index
    %swap3A_1422 = vector.load %arg3[%swap3A_1420, %swap3A_1421] : memref<2048x1xi32, #tpu.memory_space<vmem>>, vector<128x1xi32>
    tpu.vector_store %arg3[%swap3A_1420, %swap3A_1421], %or3A_1419 {strides = array<i32>} : memref<2048x1xi32, #tpu.memory_space<vmem>>, vector<128x1xi32>,
    %slice3A_1423 = vector.extract_strided_slice %dot_general3A_1223 {offsets = [7, 0], sizes = [1, 8], strides = [1, 1]} : vector<16x8xf32> to vector<1x8xf32>
    %add3A_1424 = arith.addf %mul3A_1248, %slice3A_1423 : vector<1x8xf32>
    %add3A_1425 = vector.broadcast %add3A_1424 : vector<1x8xf32> to vector<128x8xf32>
    %add3A_1426 = arith.addf %add3A_1425, %dot_general3A_605 : vector<128x8xf32>
    %sub3A_1427 = arith.constant 1.000000e+00 : f32
    %sub3A_1428 = vector.broadcast %sub3A_1427 : f32 to vector<128x8xf32>
    %sub3A_1429 = arith.subf %add3A_1426, %sub3A_1428 : vector<128x8xf32>
    %mul3A_1430 = arith.mulf %select_n3A_603, %sub3A_1429 : vector<128x8xf32>
    %reduce_sum3A_1431 = arith.constant dense<0.000000e+00> : vector<128xf32>
    %reduce_sum3A_1432 = vector.multi_reduction <add>, %mul3A_1430, %reduce_sum3A_1431 [1] : vector<128x8xf32> to vector<128xf32>
    %broadcast_in_dim3A_1433 = vector.shape_cast %reduce_sum3A_1432 : vector<128xf32> to vector<128x1xf32>
    %convert_element_type3A_1434 = arith.fptosi %broadcast_in_dim3A_1433 : vector<128x1xf32> to vector<128x1xi32>
    %and3A_1435 = arith.constant -128 : i32
    %and3A_1436 = vector.broadcast %and3A_1435 : i32 to vector<128x1xi32>
    %and3A_1437 = arith.andi %convert_element_type3A_1434, %and3A_1436 : vector<128x1xi32>
    %and3A_1438 = arith.constant 127 : i32
    %and3A_1439 = vector.broadcast %and3A_1438 : i32 to vector<128x1xi32>
    %and3A_1440 = arith.andi %convert_element_type3A_1434, %and3A_1439 : vector<128x1xi32>
    %xor3A_1441 = arith.constant 83 : i32
    %xor3A_1442 = vector.broadcast %xor3A_1441 : i32 to vector<128x1xi32>
    %xor3A_1443 = arith.xori %and3A_1440, %xor3A_1442 : vector<128x1xi32>
    %or3A_1444 = arith.ori %and3A_1437, %xor3A_1443 : vector<128x1xi32>
    %swap3A_1445 = arith.constant 896 : index
    %swap3A_1446 = arith.constant 0 : index
    %swap3A_1447 = vector.load %arg3[%swap3A_1445, %swap3A_1446] : memref<2048x1xi32, #tpu.memory_space<vmem>>, vector<128x1xi32>
    tpu.vector_store %arg3[%swap3A_1445, %swap3A_1446], %or3A_1444 {strides = array<i32>} : memref<2048x1xi32, #tpu.memory_space<vmem>>, vector<128x1xi32>,
    %slice3A_1448 = vector.extract_strided_slice %dot_general3A_1223 {offsets = [8, 0], sizes = [1, 8], strides = [1, 1]} : vector<16x8xf32> to vector<1x8xf32>
    %add3A_1449 = arith.addf %mul3A_1248, %slice3A_1448 : vector<1x8xf32>
    %add3A_1450 = vector.broadcast %add3A_1449 : vector<1x8xf32> to vector<128x8xf32>
    %add3A_1451 = arith.addf %add3A_1450, %dot_general3A_681 : vector<128x8xf32>
    %sub3A_1452 = arith.constant 1.000000e+00 : f32
    %sub3A_1453 = vector.broadcast %sub3A_1452 : f32 to vector<128x8xf32>
    %sub3A_1454 = arith.subf %add3A_1451, %sub3A_1453 : vector<128x8xf32>
    %mul3A_1455 = arith.mulf %select_n3A_679, %sub3A_1454 : vector<128x8xf32>
    %reduce_sum3A_1456 = arith.constant dense<0.000000e+00> : vector<128xf32>
    %reduce_sum3A_1457 = vector.multi_reduction <add>, %mul3A_1455, %reduce_sum3A_1456 [1] : vector<128x8xf32> to vector<128xf32>
    %broadcast_in_dim3A_1458 = vector.shape_cast %reduce_sum3A_1457 : vector<128xf32> to vector<128x1xf32>
    %convert_element_type3A_1459 = arith.fptosi %broadcast_in_dim3A_1458 : vector<128x1xf32> to vector<128x1xi32>
    %and3A_1460 = arith.constant -128 : i32
    %and3A_1461 = vector.broadcast %and3A_1460 : i32 to vector<128x1xi32>
    %and3A_1462 = arith.andi %convert_element_type3A_1459, %and3A_1461 : vector<128x1xi32>
    %and3A_1463 = arith.constant 127 : i32
    %and3A_1464 = vector.broadcast %and3A_1463 : i32 to vector<128x1xi32>
    %and3A_1465 = arith.andi %convert_element_type3A_1459, %and3A_1464 : vector<128x1xi32>
    %xor3A_1466 = arith.constant 83 : i32
    %xor3A_1467 = vector.broadcast %xor3A_1466 : i32 to vector<128x1xi32>
    %xor3A_1468 = arith.xori %and3A_1465, %xor3A_1467 : vector<128x1xi32>
    %or3A_1469 = arith.ori %and3A_1462, %xor3A_1468 : vector<128x1xi32>
    %swap3A_1470 = arith.constant 1024 : index
    %swap3A_1471 = arith.constant 0 : index
    %swap3A_1472 = vector.load %arg3[%swap3A_1470, %swap3A_1471] : memref<2048x1xi32, #tpu.memory_space<vmem>>, vector<128x1xi32>
    tpu.vector_store %arg3[%swap3A_1470, %swap3A_1471], %or3A_1469 {strides = array<i32>} : memref<2048x1xi32, #tpu.memory_space<vmem>>, vector<128x1xi32>,
    %slice3A_1473 = vector.extract_strided_slice %dot_general3A_1223 {offsets = [9, 0], sizes = [1, 8], strides = [1, 1]} : vector<16x8xf32> to vector<1x8xf32>
    %add3A_1474 = arith.addf %mul3A_1248, %slice3A_1473 : vector<1x8xf32>
    %add3A_1475 = vector.broadcast %add3A_1474 : vector<1x8xf32> to vector<128x8xf32>
    %add3A_1476 = arith.addf %add3A_1475, %dot_general3A_757 : vector<128x8xf32>
    %sub3A_1477 = arith.constant 1.000000e+00 : f32
    %sub3A_1478 = vector.broadcast %sub3A_1477 : f32 to vector<128x8xf32>
    %sub3A_1479 = arith.subf %add3A_1476, %sub3A_1478 : vector<128x8xf32>
    %mul3A_1480 = arith.mulf %select_n3A_755, %sub3A_1479 : vector<128x8xf32>
    %reduce_sum3A_1481 = arith.constant dense<0.000000e+00> : vector<128xf32>
    %reduce_sum3A_1482 = vector.multi_reduction <add>, %mul3A_1480, %reduce_sum3A_1481 [1] : vector<128x8xf32> to vector<128xf32>
    %broadcast_in_dim3A_1483 = vector.shape_cast %reduce_sum3A_1482 : vector<128xf32> to vector<128x1xf32>
    %convert_element_type3A_1484 = arith.fptosi %broadcast_in_dim3A_1483 : vector<128x1xf32> to vector<128x1xi32>
    %and3A_1485 = arith.constant -128 : i32
    %and3A_1486 = vector.broadcast %and3A_1485 : i32 to vector<128x1xi32>
    %and3A_1487 = arith.andi %convert_element_type3A_1484, %and3A_1486 : vector<128x1xi32>
    %and3A_1488 = arith.constant 127 : i32
    %and3A_1489 = vector.broadcast %and3A_1488 : i32 to vector<128x1xi32>
    %and3A_1490 = arith.andi %convert_element_type3A_1484, %and3A_1489 : vector<128x1xi32>
    %xor3A_1491 = arith.constant 83 : i32
    %xor3A_1492 = vector.broadcast %xor3A_1491 : i32 to vector<128x1xi32>
    %xor3A_1493 = arith.xori %and3A_1490, %xor3A_1492 : vector<128x1xi32>
    %or3A_1494 = arith.ori %and3A_1487, %xor3A_1493 : vector<128x1xi32>
    %swap3A_1495 = arith.constant 1152 : index
    %swap3A_1496 = arith.constant 0 : index
    %swap3A_1497 = vector.load %arg3[%swap3A_1495, %swap3A_1496] : memref<2048x1xi32, #tpu.memory_space<vmem>>, vector<128x1xi32>
    tpu.vector_store %arg3[%swap3A_1495, %swap3A_1496], %or3A_1494 {strides = array<i32>} : memref<2048x1xi32, #tpu.memory_space<vmem>>, vector<128x1xi32>,
    %slice3A_1498 = vector.extract_strided_slice %dot_general3A_1223 {offsets = [10, 0], sizes = [1, 8], strides = [1, 1]} : vector<16x8xf32> to vector<1x8xf32>
    %add3A_1499 = arith.addf %mul3A_1248, %slice3A_1498 : vector<1x8xf32>
    %add3A_1500 = vector.broadcast %add3A_1499 : vector<1x8xf32> to vector<128x8xf32>
    %add3A_1501 = arith.addf %add3A_1500, %dot_general3A_833 : vector<128x8xf32>
    %sub3A_1502 = arith.constant 1.000000e+00 : f32
    %sub3A_1503 = vector.broadcast %sub3A_1502 : f32 to vector<128x8xf32>
    %sub3A_1504 = arith.subf %add3A_1501, %sub3A_1503 : vector<128x8xf32>
    %mul3A_1505 = arith.mulf %select_n3A_831, %sub3A_1504 : vector<128x8xf32>
    %reduce_sum3A_1506 = arith.constant dense<0.000000e+00> : vector<128xf32>
    %reduce_sum3A_1507 = vector.multi_reduction <add>, %mul3A_1505, %reduce_sum3A_1506 [1] : vector<128x8xf32> to vector<128xf32>
    %broadcast_in_dim3A_1508 = vector.shape_cast %reduce_sum3A_1507 : vector<128xf32> to vector<128x1xf32>
    %convert_element_type3A_1509 = arith.fptosi %broadcast_in_dim3A_1508 : vector<128x1xf32> to vector<128x1xi32>
    %and3A_1510 = arith.constant -128 : i32
    %and3A_1511 = vector.broadcast %and3A_1510 : i32 to vector<128x1xi32>
    %and3A_1512 = arith.andi %convert_element_type3A_1509, %and3A_1511 : vector<128x1xi32>
    %and3A_1513 = arith.constant 127 : i32
    %and3A_1514 = vector.broadcast %and3A_1513 : i32 to vector<128x1xi32>
    %and3A_1515 = arith.andi %convert_element_type3A_1509, %and3A_1514 : vector<128x1xi32>
    %xor3A_1516 = arith.constant 83 : i32
    %xor3A_1517 = vector.broadcast %xor3A_1516 : i32 to vector<128x1xi32>
    %xor3A_1518 = arith.xori %and3A_1515, %xor3A_1517 : vector<128x1xi32>
    %or3A_1519 = arith.ori %and3A_1512, %xor3A_1518 : vector<128x1xi32>
    %swap3A_1520 = arith.constant 1280 : index
    %swap3A_1521 = arith.constant 0 : index
    %swap3A_1522 = vector.load %arg3[%swap3A_1520, %swap3A_1521] : memref<2048x1xi32, #tpu.memory_space<vmem>>, vector<128x1xi32>
    tpu.vector_store %arg3[%swap3A_1520, %swap3A_1521], %or3A_1519 {strides = array<i32>} : memref<2048x1xi32, #tpu.memory_space<vmem>>, vector<128x1xi32>,
    %slice3A_1523 = vector.extract_strided_slice %dot_general3A_1223 {offsets = [11, 0], sizes = [1, 8], strides = [1, 1]} : vector<16x8xf32> to vector<1x8xf32>
    %add3A_1524 = arith.addf %mul3A_1248, %slice3A_1523 : vector<1x8xf32>
    %add3A_1525 = vector.broadcast %add3A_1524 : vector<1x8xf32> to vector<128x8xf32>
    %add3A_1526 = arith.addf %add3A_1525, %dot_general3A_909 : vector<128x8xf32>
    %sub3A_1527 = arith.constant 1.000000e+00 : f32
    %sub3A_1528 = vector.broadcast %sub3A_1527 : f32 to vector<128x8xf32>
    %sub3A_1529 = arith.subf %add3A_1526, %sub3A_1528 : vector<128x8xf32>
    %mul3A_1530 = arith.mulf %select_n3A_907, %sub3A_1529 : vector<128x8xf32>
    %reduce_sum3A_1531 = arith.constant dense<0.000000e+00> : vector<128xf32>
    %reduce_sum3A_1532 = vector.multi_reduction <add>, %mul3A_1530, %reduce_sum3A_1531 [1] : vector<128x8xf32> to vector<128xf32>
    %broadcast_in_dim3A_1533 = vector.shape_cast %reduce_sum3A_1532 : vector<128xf32> to vector<128x1xf32>
    %convert_element_type3A_1534 = arith.fptosi %broadcast_in_dim3A_1533 : vector<128x1xf32> to vector<128x1xi32>
    %and3A_1535 = arith.constant -128 : i32
    %and3A_1536 = vector.broadcast %and3A_1535 : i32 to vector<128x1xi32>
    %and3A_1537 = arith.andi %convert_element_type3A_1534, %and3A_1536 : vector<128x1xi32>
    %and3A_1538 = arith.constant 127 : i32
    %and3A_1539 = vector.broadcast %and3A_1538 : i32 to vector<128x1xi32>
    %and3A_1540 = arith.andi %convert_element_type3A_1534, %and3A_1539 : vector<128x1xi32>
    %xor3A_1541 = arith.constant 83 : i32
    %xor3A_1542 = vector.broadcast %xor3A_1541 : i32 to vector<128x1xi32>
    %xor3A_1543 = arith.xori %and3A_1540, %xor3A_1542 : vector<128x1xi32>
    %or3A_1544 = arith.ori %and3A_1537, %xor3A_1543 : vector<128x1xi32>
    %swap3A_1545 = arith.constant 1408 : index
    %swap3A_1546 = arith.constant 0 : index
    %swap3A_1547 = vector.load %arg3[%swap3A_1545, %swap3A_1546] : memref<2048x1xi32, #tpu.memory_space<vmem>>, vector<128x1xi32>
    tpu.vector_store %arg3[%swap3A_1545, %swap3A_1546], %or3A_1544 {strides = array<i32>} : memref<2048x1xi32, #tpu.memory_space<vmem>>, vector<128x1xi32>,
    %slice3A_1548 = vector.extract_strided_slice %dot_general3A_1223 {offsets = [12, 0], sizes = [1, 8], strides = [1, 1]} : vector<16x8xf32> to vector<1x8xf32>
    %add3A_1549 = arith.addf %mul3A_1248, %slice3A_1548 : vector<1x8xf32>
    %add3A_1550 = vector.broadcast %add3A_1549 : vector<1x8xf32> to vector<128x8xf32>
    %add3A_1551 = arith.addf %add3A_1550, %dot_general3A_985 : vector<128x8xf32>
    %sub3A_1552 = arith.constant 1.000000e+00 : f32
    %sub3A_1553 = vector.broadcast %sub3A_1552 : f32 to vector<128x8xf32>
    %sub3A_1554 = arith.subf %add3A_1551, %sub3A_1553 : vector<128x8xf32>
    %mul3A_1555 = arith.mulf %select_n3A_983, %sub3A_1554 : vector<128x8xf32>
    %reduce_sum3A_1556 = arith.constant dense<0.000000e+00> : vector<128xf32>
    %reduce_sum3A_1557 = vector.multi_reduction <add>, %mul3A_1555, %reduce_sum3A_1556 [1] : vector<128x8xf32> to vector<128xf32>
    %broadcast_in_dim3A_1558 = vector.shape_cast %reduce_sum3A_1557 : vector<128xf32> to vector<128x1xf32>
    %convert_element_type3A_1559 = arith.fptosi %broadcast_in_dim3A_1558 : vector<128x1xf32> to vector<128x1xi32>
    %and3A_1560 = arith.constant -128 : i32
    %and3A_1561 = vector.broadcast %and3A_1560 : i32 to vector<128x1xi32>
    %and3A_1562 = arith.andi %convert_element_type3A_1559, %and3A_1561 : vector<128x1xi32>
    %and3A_1563 = arith.constant 127 : i32
    %and3A_1564 = vector.broadcast %and3A_1563 : i32 to vector<128x1xi32>
    %and3A_1565 = arith.andi %convert_element_type3A_1559, %and3A_1564 : vector<128x1xi32>
    %xor3A_1566 = arith.constant 83 : i32
    %xor3A_1567 = vector.broadcast %xor3A_1566 : i32 to vector<128x1xi32>
    %xor3A_1568 = arith.xori %and3A_1565, %xor3A_1567 : vector<128x1xi32>
    %or3A_1569 = arith.ori %and3A_1562, %xor3A_1568 : vector<128x1xi32>
    %swap3A_1570 = arith.constant 1536 : index
    %swap3A_1571 = arith.constant 0 : index
    %swap3A_1572 = vector.load %arg3[%swap3A_1570, %swap3A_1571] : memref<2048x1xi32, #tpu.memory_space<vmem>>, vector<128x1xi32>
    tpu.vector_store %arg3[%swap3A_1570, %swap3A_1571], %or3A_1569 {strides = array<i32>} : memref<2048x1xi32, #tpu.memory_space<vmem>>, vector<128x1xi32>,
    %slice3A_1573 = vector.extract_strided_slice %dot_general3A_1223 {offsets = [13, 0], sizes = [1, 8], strides = [1, 1]} : vector<16x8xf32> to vector<1x8xf32>
    %add3A_1574 = arith.addf %mul3A_1248, %slice3A_1573 : vector<1x8xf32>
    %add3A_1575 = vector.broadcast %add3A_1574 : vector<1x8xf32> to vector<128x8xf32>
    %add3A_1576 = arith.addf %add3A_1575, %dot_general3A_1061 : vector<128x8xf32>
    %sub3A_1577 = arith.constant 1.000000e+00 : f32
    %sub3A_1578 = vector.broadcast %sub3A_1577 : f32 to vector<128x8xf32>
    %sub3A_1579 = arith.subf %add3A_1576, %sub3A_1578 : vector<128x8xf32>
    %mul3A_1580 = arith.mulf %select_n3A_1059, %sub3A_1579 : vector<128x8xf32>
    %reduce_sum3A_1581 = arith.constant dense<0.000000e+00> : vector<128xf32>
    %reduce_sum3A_1582 = vector.multi_reduction <add>, %mul3A_1580, %reduce_sum3A_1581 [1] : vector<128x8xf32> to vector<128xf32>
    %broadcast_in_dim3A_1583 = vector.shape_cast %reduce_sum3A_1582 : vector<128xf32> to vector<128x1xf32>
    %convert_element_type3A_1584 = arith.fptosi %broadcast_in_dim3A_1583 : vector<128x1xf32> to vector<128x1xi32>
    %and3A_1585 = arith.constant -128 : i32
    %and3A_1586 = vector.broadcast %and3A_1585 : i32 to vector<128x1xi32>
    %and3A_1587 = arith.andi %convert_element_type3A_1584, %and3A_1586 : vector<128x1xi32>
    %and3A_1588 = arith.constant 127 : i32
    %and3A_1589 = vector.broadcast %and3A_1588 : i32 to vector<128x1xi32>
    %and3A_1590 = arith.andi %convert_element_type3A_1584, %and3A_1589 : vector<128x1xi32>
    %xor3A_1591 = arith.constant 83 : i32
    %xor3A_1592 = vector.broadcast %xor3A_1591 : i32 to vector<128x1xi32>
    %xor3A_1593 = arith.xori %and3A_1590, %xor3A_1592 : vector<128x1xi32>
    %or3A_1594 = arith.ori %and3A_1587, %xor3A_1593 : vector<128x1xi32>
    %swap3A_1595 = arith.constant 1664 : index
    %swap3A_1596 = arith.constant 0 : index
    %swap3A_1597 = vector.load %arg3[%swap3A_1595, %swap3A_1596] : memref<2048x1xi32, #tpu.memory_space<vmem>>, vector<128x1xi32>
    tpu.vector_store %arg3[%swap3A_1595, %swap3A_1596], %or3A_1594 {strides = array<i32>} : memref<2048x1xi32, #tpu.memory_space<vmem>>, vector<128x1xi32>,
    %slice3A_1598 = vector.extract_strided_slice %dot_general3A_1223 {offsets = [14, 0], sizes = [1, 8], strides = [1, 1]} : vector<16x8xf32> to vector<1x8xf32>
    %add3A_1599 = arith.addf %mul3A_1248, %slice3A_1598 : vector<1x8xf32>
    %add3A_1600 = vector.broadcast %add3A_1599 : vector<1x8xf32> to vector<128x8xf32>
    %add3A_1601 = arith.addf %add3A_1600, %dot_general3A_1137 : vector<128x8xf32>
    %sub3A_1602 = arith.constant 1.000000e+00 : f32
    %sub3A_1603 = vector.broadcast %sub3A_1602 : f32 to vector<128x8xf32>
    %sub3A_1604 = arith.subf %add3A_1601, %sub3A_1603 : vector<128x8xf32>
    %mul3A_1605 = arith.mulf %select_n3A_1135, %sub3A_1604 : vector<128x8xf32>
    %reduce_sum3A_1606 = arith.constant dense<0.000000e+00> : vector<128xf32>
    %reduce_sum3A_1607 = vector.multi_reduction <add>, %mul3A_1605, %reduce_sum3A_1606 [1] : vector<128x8xf32> to vector<128xf32>
    %broadcast_in_dim3A_1608 = vector.shape_cast %reduce_sum3A_1607 : vector<128xf32> to vector<128x1xf32>
    %convert_element_type3A_1609 = arith.fptosi %broadcast_in_dim3A_1608 : vector<128x1xf32> to vector<128x1xi32>
    %and3A_1610 = arith.constant -128 : i32
    %and3A_1611 = vector.broadcast %and3A_1610 : i32 to vector<128x1xi32>
    %and3A_1612 = arith.andi %convert_element_type3A_1609, %and3A_1611 : vector<128x1xi32>
    %and3A_1613 = arith.constant 127 : i32
    %and3A_1614 = vector.broadcast %and3A_1613 : i32 to vector<128x1xi32>
    %and3A_1615 = arith.andi %convert_element_type3A_1609, %and3A_1614 : vector<128x1xi32>
    %xor3A_1616 = arith.constant 83 : i32
    %xor3A_1617 = vector.broadcast %xor3A_1616 : i32 to vector<128x1xi32>
    %xor3A_1618 = arith.xori %and3A_1615, %xor3A_1617 : vector<128x1xi32>
    %or3A_1619 = arith.ori %and3A_1612, %xor3A_1618 : vector<128x1xi32>
    %swap3A_1620 = arith.constant 1792 : index
    %swap3A_1621 = arith.constant 0 : index
    %swap3A_1622 = vector.load %arg3[%swap3A_1620, %swap3A_1621] : memref<2048x1xi32, #tpu.memory_space<vmem>>, vector<128x1xi32>
    tpu.vector_store %arg3[%swap3A_1620, %swap3A_1621], %or3A_1619 {strides = array<i32>} : memref<2048x1xi32, #tpu.memory_space<vmem>>, vector<128x1xi32>,
    %slice3A_1623 = vector.extract_strided_slice %dot_general3A_1223 {offsets = [15, 0], sizes = [1, 8], strides = [1, 1]} : vector<16x8xf32> to vector<1x8xf32>
    %add3A_1624 = arith.addf %mul3A_1248, %slice3A_1623 : vector<1x8xf32>
    %add3A_1625 = vector.broadcast %add3A_1624 : vector<1x8xf32> to vector<128x8xf32>
    %add3A_1626 = arith.addf %add3A_1625, %dot_general3A_1213 : vector<128x8xf32>
    %sub3A_1627 = arith.constant 1.000000e+00 : f32
    %sub3A_1628 = vector.broadcast %sub3A_1627 : f32 to vector<128x8xf32>
    %sub3A_1629 = arith.subf %add3A_1626, %sub3A_1628 : vector<128x8xf32>
    %mul3A_1630 = arith.mulf %select_n3A_1211, %sub3A_1629 : vector<128x8xf32>
    %reduce_sum3A_1631 = arith.constant dense<0.000000e+00> : vector<128xf32>
    %reduce_sum3A_1632 = vector.multi_reduction <add>, %mul3A_1630, %reduce_sum3A_1631 [1] : vector<128x8xf32> to vector<128xf32>
    %broadcast_in_dim3A_1633 = vector.shape_cast %reduce_sum3A_1632 : vector<128xf32> to vector<128x1xf32>
    %convert_element_type3A_1634 = arith.fptosi %broadcast_in_dim3A_1633 : vector<128x1xf32> to vector<128x1xi32>
    %and3A_1635 = arith.constant -128 : i32
    %and3A_1636 = vector.broadcast %and3A_1635 : i32 to vector<128x1xi32>
    %and3A_1637 = arith.andi %convert_element_type3A_1634, %and3A_1636 : vector<128x1xi32>
    %and3A_1638 = arith.constant 127 : i32
    %and3A_1639 = vector.broadcast %and3A_1638 : i32 to vector<128x1xi32>
    %and3A_1640 = arith.andi %convert_element_type3A_1634, %and3A_1639 : vector<128x1xi32>
    %xor3A_1641 = arith.constant 83 : i32
    %xor3A_1642 = vector.broadcast %xor3A_1641 : i32 to vector<128x1xi32>
    %xor3A_1643 = arith.xori %and3A_1640, %xor3A_1642 : vector<128x1xi32>
    %or3A_1644 = arith.ori %and3A_1637, %xor3A_1643 : vector<128x1xi32>
    %swap3A_1645 = arith.constant 1920 : index
    %swap3A_1646 = arith.constant 0 : index
    %swap3A_1647 = vector.load %arg3[%swap3A_1645, %swap3A_1646] : memref<2048x1xi32, #tpu.memory_space<vmem>>, vector<128x1xi32>
    tpu.vector_store %arg3[%swap3A_1645, %swap3A_1646], %or3A_1644 {strides = array<i32>} : memref<2048x1xi32, #tpu.memory_space<vmem>>, vector<128x1xi32>,
    %iota3A_1648 = tpu.iota {dimensions = array<i32: 0>} : vector<24x8xi32>
    %convert_element_type3A_1649 = arith.sitofp %iota3A_1648 : vector<24x8xi32> to vector<24x8xf32>
    %ge3A_1650 = vector.broadcast %dot_general3A_1245 : vector<1x8xf32> to vector<24x8xf32>
    %ge3A_1651 = arith.cmpf oge, %convert_element_type3A_1649, %ge3A_1650 : vector<24x8xf32>
    %jit3A_1652 = arith.constant 1.000000e+00 : f32
    %jit3A_1653 = arith.constant 0.000000e+00 : f32
    %broadcast_in_dim3A_1654 = vector.broadcast %jit3A_1652 : f32 to vector<24x8xf32>
    %broadcast_in_dim3A_1655 = vector.broadcast %jit3A_1653 : f32 to vector<24x8xf32>
    %select_n3A_1656 = arith.select %ge3A_1651, %broadcast_in_dim3A_1654, %broadcast_in_dim3A_1655 : vector<24x8xi1>, vector<24x8xf32>
    %reduce_sum3A_1657 = arith.constant dense<0.000000e+00> : vector<24xf32>
    %reduce_sum3A_1658 = vector.multi_reduction <add>, %select_n3A_1656, %reduce_sum3A_1657 [1] : vector<24x8xf32> to vector<24xf32>
    %broadcast_in_dim3A_1659 = vector.shape_cast %reduce_sum3A_1658 : vector<24xf32> to vector<24x1xf32>
    %convert_element_type3A_1660 = arith.fptosi %broadcast_in_dim3A_1659 : vector<24x1xf32> to vector<24x1xi32>
    %min3A = arith.constant 7 : i32
    %min3A_1661 = vector.broadcast %min3A : i32 to vector<24x1xi32>
    %min3A_1662 = arith.minsi %convert_element_type3A_1660, %min3A_1661 : vector<24x1xi32>
    %swap3A_1663 = arith.constant 0 : index
    %swap3A_1664 = arith.constant 0 : index
    %swap3A_1665 = vector.load %arg4[%swap3A_1663, %swap3A_1664] : memref<24x1xi32, #tpu.memory_space<vmem>>, vector<24x1xi32>
    tpu.vector_store %arg4[%swap3A_1663, %swap3A_1664], %min3A_1662 {strides = array<i32>} : memref<24x1xi32, #tpu.memory_space<vmem>>, vector<24x1xi32>,
    return
  }
  func.func @transform_0(%arg0: i32) -> (i32, i32) {
    %c0_i32 = arith.constant 0 : i32
    %c0_i32_0 = arith.constant 0 : i32
    %c0_i32_1 = arith.constant 0 : i32
    return %c0_i32, %c0_i32_0 : i32, i32
  }
  func.func @transform_1(%arg0: i32) -> (i32, i32) {
    %c0_i32 = arith.constant 0 : i32
    %c0_i32_0 = arith.constant 0 : i32
    %c0_i32_1 = arith.constant 0 : i32
    return %c0_i32, %c0_i32_0 : i32, i32
  }
  func.func @transform_2(%arg0: i32) -> (i32, i32) {
    %c0_i32 = arith.constant 0 : i32
    %c0_i32_0 = arith.constant 0 : i32
    %c0_i32_1 = arith.constant 0 : i32
    return %c0_i32, %c0_i32_0 : i32, i32
  }
  func.func @transform_3(%arg0: i32) -> (i32, i32) {
    %c0_i32 = arith.constant 0 : i32
    %c0_i32_0 = arith.constant 0 : i32
    %c0_i32_1 = arith.constant 0 : i32
    return %c0_i32, %c0_i32_0 : i32, i32
  }
  func.func @transform_4(%arg0: i32) -> (i32, i32) {
    %c0_i32 = arith.constant 0 : i32
    %c0_i32_0 = arith.constant 0 : i32
    %c0_i32_1 = arith.constant 0 : i32
    return %c0_i32, %c0_i32_0 : i32, i32
  }
}

module attributes {stable_mosaic.version = 14 : i64} {
  func.func @_expert_body(%arg0: i32, %arg1: memref<24xi32, #tpu.memory_space<smem>>, %arg2: memref<128x1024xi32, #tpu.memory_space<vmem>>, %arg3: memref<8x2048x128xf32, #tpu.memory_space<vmem>>, %arg4: memref<8x128xf32, #tpu.memory_space<vmem>>, %arg5: memref<8x128x2048xf32, #tpu.memory_space<vmem>>, %arg6: memref<8x2048xf32, #tpu.memory_space<vmem>>, %arg7: memref<8x2048xf32, #tpu.memory_space<vmem>>, %arg8: memref<8x2048xf32, #tpu.memory_space<vmem>>, %arg9: memref<1xf32, #tpu.memory_space<smem>>, %arg10: memref<128x2048xf32, #tpu.memory_space<vmem>>) attributes {dimension_semantics = [#tpu.dimension_semantics<arbitrary>], iteration_bounds = array<i64: 24>, scalar_prefetch = 1 : i64, scratch_operands = 0 : i64, tpu.core_type = #tpu.core_type<tc>, window_params = [{transform_indices = @transform_0, window_bounds = array<i64: 128, 1024>}, {pipeline_mode = #tpu.pipeline_mode<synchronous>, transform_indices = @transform_1, window_bounds = array<i64: 8, 2048, 128>}, {pipeline_mode = #tpu.pipeline_mode<synchronous>, transform_indices = @transform_2, window_bounds = array<i64: 8, 128>}, {pipeline_mode = #tpu.pipeline_mode<synchronous>, transform_indices = @transform_3, window_bounds = array<i64: 8, 128, 2048>}, {pipeline_mode = #tpu.pipeline_mode<synchronous>, transform_indices = @transform_4, window_bounds = array<i64: 8, 2048>}, {pipeline_mode = #tpu.pipeline_mode<synchronous>, transform_indices = @transform_5, window_bounds = array<i64: 8, 2048>}, {pipeline_mode = #tpu.pipeline_mode<synchronous>, transform_indices = @transform_6, window_bounds = array<i64: 8, 2048>}, {transform_indices = @transform_7, window_bounds = array<i64: 1>}, {transform_indices = @transform_8, window_bounds = array<i64: 128, 2048>}]} {
    %get3A = arith.index_cast %arg0 : i32 to index
    %get3A_0 = memref.load %arg1[%get3A] : memref<24xi32, #tpu.memory_space<smem>>
    %get3A_1 = arith.constant 0 : index
    %get3A_2 = arith.constant 0 : index
    %get3A_3 = vector.load %arg2[%get3A_1, %get3A_2] : memref<128x1024xi32, #tpu.memory_space<vmem>>, vector<128x1024xi32>
    %shift_left3A = arith.constant 16 : i32
    %shift_left3A_4 = vector.broadcast %shift_left3A : i32 to vector<128x1024xi32>
    %shift_left3A_5 = arith.shli %get3A_3, %shift_left3A_4 : vector<128x1024xi32>
    %bitcast_convert_type3A = tpu.bitcast %shift_left3A_5 : vector<128x1024xi32> -> vector<128x1024xf32>
    %shift_right_arithmetic3A = arith.constant 16 : i32
    %shift_right_arithmetic3A_6 = vector.broadcast %shift_right_arithmetic3A : i32 to vector<128x1024xi32>
    %shift_right_arithmetic3A_7 = arith.shrsi %get3A_3, %shift_right_arithmetic3A_6 : vector<128x1024xi32>
    %shift_left3A_8 = arith.constant 16 : i32
    %shift_left3A_9 = vector.broadcast %shift_left3A_8 : i32 to vector<128x1024xi32>
    %shift_left3A_10 = arith.shli %shift_right_arithmetic3A_7, %shift_left3A_9 : vector<128x1024xi32>
    %bitcast_convert_type3A_11 = tpu.bitcast %shift_left3A_10 : vector<128x1024xi32> -> vector<128x1024xf32>
    %concatenate3A = tpu.concatenate %bitcast_convert_type3A, %bitcast_convert_type3A_11 in 1 : vector<128x1024xf32>, vector<128x1024xf32> -> vector<128x2048xf32>
    %get3A_12 = arith.index_cast %get3A_0 : i32 to index
    %get3A_13 = arith.constant 0 : index
    %get3A_14 = arith.constant 0 : index
    %get3A_15 = vector.load %arg3[%get3A_12, %get3A_13, %get3A_14] : memref<8x2048x128xf32, #tpu.memory_space<vmem>>, vector<1x2048x128xf32>
    %get3A_16 = vector.shape_cast %get3A_15 : vector<1x2048x128xf32> to vector<2048x128xf32>
    %dot_general3A = arith.constant dense<0.000000e+00> : vector<128x128xf32>
    %dot_general3A_17 = tpu.matmul %concatenate3A, %get3A_16, %dot_general3A {dimension_numbers = #tpu.dot_dimension_numbers<[1], [0], [0], [1], [0, 0, 1, 1], [], []>, transpose_lhs_hint = false} : vector<128x2048xf32>, vector<2048x128xf32>, vector<128x128xf32> -> vector<128x128xf32>
    %get3A_18 = arith.index_cast %get3A_0 : i32 to index
    %get3A_19 = arith.constant 0 : index
    %get3A_20 = vector.load %arg4[%get3A_18, %get3A_19] : memref<8x128xf32, #tpu.memory_space<vmem>>, vector<1x128xf32>
    %add3A = vector.broadcast %get3A_20 : vector<1x128xf32> to vector<128x128xf32>
    %add3A_21 = arith.addf %dot_general3A_17, %add3A : vector<128x128xf32>
    %mul3A = arith.constant 5.000000e-01 : f32
    %mul3A_22 = vector.broadcast %mul3A : f32 to vector<128x128xf32>
    %mul3A_23 = arith.mulf %mul3A_22, %add3A_21 : vector<128x128xf32>
    %mul3A_24 = arith.constant 0.707106769 : f32
    %mul3A_25 = vector.broadcast %mul3A_24 : f32 to vector<128x128xf32>
    %mul3A_26 = arith.mulf %add3A_21, %mul3A_25 : vector<128x128xf32>
    %erf3A = math.erf %mul3A_26 : vector<128x128xf32>
    %add3A_27 = arith.constant 1.000000e+00 : f32
    %add3A_28 = vector.broadcast %add3A_27 : f32 to vector<128x128xf32>
    %add3A_29 = arith.addf %add3A_28, %erf3A : vector<128x128xf32>
    %mul3A_30 = arith.mulf %mul3A_23, %add3A_29 : vector<128x128xf32>
    %get3A_31 = arith.index_cast %get3A_0 : i32 to index
    %get3A_32 = arith.constant 0 : index
    %get3A_33 = arith.constant 0 : index
    %get3A_34 = vector.load %arg5[%get3A_31, %get3A_32, %get3A_33] : memref<8x128x2048xf32, #tpu.memory_space<vmem>>, vector<1x128x2048xf32>
    %get3A_35 = vector.shape_cast %get3A_34 : vector<1x128x2048xf32> to vector<128x2048xf32>
    %dot_general3A_36 = arith.constant dense<0.000000e+00> : vector<128x2048xf32>
    %dot_general3A_37 = tpu.matmul %mul3A_30, %get3A_35, %dot_general3A_36 {dimension_numbers = #tpu.dot_dimension_numbers<[1], [0], [0], [1], [0, 0, 1, 1], [], []>, transpose_lhs_hint = false} : vector<128x128xf32>, vector<128x2048xf32>, vector<128x2048xf32> -> vector<128x2048xf32>
    %get3A_38 = arith.index_cast %get3A_0 : i32 to index
    %get3A_39 = arith.constant 0 : index
    %get3A_40 = vector.load %arg6[%get3A_38, %get3A_39] : memref<8x2048xf32, #tpu.memory_space<vmem>>, vector<1x2048xf32>
    %add3A_41 = vector.broadcast %get3A_40 : vector<1x2048xf32> to vector<128x2048xf32>
    %add3A_42 = arith.addf %dot_general3A_37, %add3A_41 : vector<128x2048xf32>
    %reduce_sum3A = arith.constant dense<0.000000e+00> : vector<128xf32>
    %reduce_sum3A_43 = vector.multi_reduction <add>, %add3A_42, %reduce_sum3A [1] : vector<128x2048xf32> to vector<128xf32>
    %broadcast_in_dim3A = vector.shape_cast %reduce_sum3A_43 : vector<128xf32> to vector<128x1xf32>
    %div3A = arith.constant 2.048000e+03 : f32
    %div3A_44 = vector.broadcast %div3A : f32 to vector<128x1xf32>
    %div3A_45 = arith.divf %broadcast_in_dim3A, %div3A_44 : vector<128x1xf32>
    %sub3A = vector.broadcast %div3A_45 : vector<128x1xf32> to vector<128x2048xf32>
    %sub3A_46 = arith.subf %add3A_42, %sub3A : vector<128x2048xf32>
    %mul3A_47 = arith.mulf %sub3A_46, %sub3A_46 : vector<128x2048xf32>
    %reduce_sum3A_48 = arith.constant dense<0.000000e+00> : vector<128xf32>
    %reduce_sum3A_49 = vector.multi_reduction <add>, %mul3A_47, %reduce_sum3A_48 [1] : vector<128x2048xf32> to vector<128xf32>
    %broadcast_in_dim3A_50 = vector.shape_cast %reduce_sum3A_49 : vector<128xf32> to vector<128x1xf32>
    %div3A_51 = arith.constant 2.048000e+03 : f32
    %div3A_52 = vector.broadcast %div3A_51 : f32 to vector<128x1xf32>
    %div3A_53 = arith.divf %broadcast_in_dim3A_50, %div3A_52 : vector<128x1xf32>
    %add3A_54 = arith.constant 9.99999974E-6 : f32
    %add3A_55 = vector.broadcast %add3A_54 : f32 to vector<128x1xf32>
    %add3A_56 = arith.addf %div3A_53, %add3A_55 : vector<128x1xf32>
    %rsqrt3A = math.rsqrt %add3A_56 : vector<128x1xf32>
    %mul3A_57 = vector.broadcast %rsqrt3A : vector<128x1xf32> to vector<128x2048xf32>
    %mul3A_58 = arith.mulf %sub3A_46, %mul3A_57 : vector<128x2048xf32>
    %get3A_59 = arith.index_cast %get3A_0 : i32 to index
    %get3A_60 = arith.constant 0 : index
    %get3A_61 = vector.load %arg7[%get3A_59, %get3A_60] : memref<8x2048xf32, #tpu.memory_space<vmem>>, vector<1x2048xf32>
    %mul3A_62 = vector.broadcast %get3A_61 : vector<1x2048xf32> to vector<128x2048xf32>
    %mul3A_63 = arith.mulf %mul3A_58, %mul3A_62 : vector<128x2048xf32>
    %get3A_64 = arith.index_cast %get3A_0 : i32 to index
    %get3A_65 = arith.constant 0 : index
    %get3A_66 = vector.load %arg8[%get3A_64, %get3A_65] : memref<8x2048xf32, #tpu.memory_space<vmem>>, vector<1x2048xf32>
    %add3A_67 = vector.broadcast %get3A_66 : vector<1x2048xf32> to vector<128x2048xf32>
    %add3A_68 = arith.addf %mul3A_63, %add3A_67 : vector<128x2048xf32>
    %get3A_69 = arith.constant 0 : index
    %get3A_70 = memref.load %arg9[%get3A_69] : memref<1xf32, #tpu.memory_space<smem>>
    %mul3A_71 = vector.broadcast %get3A_70 : f32 to vector<128x2048xf32>
    %mul3A_72 = arith.mulf %mul3A_71, %add3A_68 : vector<128x2048xf32>
    %add3A_73 = arith.addf %concatenate3A, %mul3A_72 : vector<128x2048xf32>
    %swap3A = arith.constant 0 : index
    %swap3A_74 = arith.constant 0 : index
    %swap3A_75 = vector.load %arg10[%swap3A, %swap3A_74] : memref<128x2048xf32, #tpu.memory_space<vmem>>, vector<128x2048xf32>
    tpu.vector_store %arg10[%swap3A, %swap3A_74], %add3A_73 {strides = array<i32>} : memref<128x2048xf32, #tpu.memory_space<vmem>>, vector<128x2048xf32>,
    return
  }
  func.func @transform_0(%arg0: i32, %arg1: memref<24xi32, #tpu.memory_space<smem>>) -> (i32, i32) {
    %c0_i32 = arith.constant 0 : i32
    %c0_i32_0 = arith.constant 0 : i32
    return %arg0, %c0_i32 : i32, i32
  }
  func.func @transform_1(%arg0: i32, %arg1: memref<24xi32, #tpu.memory_space<smem>>) -> (i32, i32, i32) {
    %c0_i32 = arith.constant 0 : i32
    %c0_i32_0 = arith.constant 0 : i32
    %c0_i32_1 = arith.constant 0 : i32
    %c0_i32_2 = arith.constant 0 : i32
    return %c0_i32, %c0_i32_0, %c0_i32_1 : i32, i32, i32
  }
  func.func @transform_2(%arg0: i32, %arg1: memref<24xi32, #tpu.memory_space<smem>>) -> (i32, i32) {
    %c0_i32 = arith.constant 0 : i32
    %c0_i32_0 = arith.constant 0 : i32
    %c0_i32_1 = arith.constant 0 : i32
    return %c0_i32, %c0_i32_0 : i32, i32
  }
  func.func @transform_3(%arg0: i32, %arg1: memref<24xi32, #tpu.memory_space<smem>>) -> (i32, i32, i32) {
    %c0_i32 = arith.constant 0 : i32
    %c0_i32_0 = arith.constant 0 : i32
    %c0_i32_1 = arith.constant 0 : i32
    %c0_i32_2 = arith.constant 0 : i32
    return %c0_i32, %c0_i32_0, %c0_i32_1 : i32, i32, i32
  }
  func.func @transform_4(%arg0: i32, %arg1: memref<24xi32, #tpu.memory_space<smem>>) -> (i32, i32) {
    %c0_i32 = arith.constant 0 : i32
    %c0_i32_0 = arith.constant 0 : i32
    %c0_i32_1 = arith.constant 0 : i32
    return %c0_i32, %c0_i32_0 : i32, i32
  }
  func.func @transform_5(%arg0: i32, %arg1: memref<24xi32, #tpu.memory_space<smem>>) -> (i32, i32) {
    %c0_i32 = arith.constant 0 : i32
    %c0_i32_0 = arith.constant 0 : i32
    %c0_i32_1 = arith.constant 0 : i32
    return %c0_i32, %c0_i32_0 : i32, i32
  }
  func.func @transform_6(%arg0: i32, %arg1: memref<24xi32, #tpu.memory_space<smem>>) -> (i32, i32) {
    %c0_i32 = arith.constant 0 : i32
    %c0_i32_0 = arith.constant 0 : i32
    %c0_i32_1 = arith.constant 0 : i32
    return %c0_i32, %c0_i32_0 : i32, i32
  }
  func.func @transform_7(%arg0: i32, %arg1: memref<24xi32, #tpu.memory_space<smem>>) -> i32 {
    %c0_i32 = arith.constant 0 : i32
    %c0_i32_0 = arith.constant 0 : i32
    return %c0_i32 : i32
  }
  func.func @transform_8(%arg0: i32, %arg1: memref<24xi32, #tpu.memory_space<smem>>) -> (i32, i32) {
    %c0_i32 = arith.constant 0 : i32
    %c0_i32_0 = arith.constant 0 : i32
    return %arg0, %c0_i32 : i32, i32
  }
}

</mosaic_0001>

<sc_bundles>
// kernel: kernel.6.cloned.1.call-start
scs
__scs_entry_jumppad:
0x0: {  	(pc) =	sbr.rel $0x88, $3  }
0x1: {  	(tag) =	ssettag $0x0;
	lr =	simm.s32 $0x1  }
0x2: {  	[smem:$0x3F98] =	sst lr;
	_ =	strace $0xD0000000  }
0x3: {  	_ = 	snop  }
0x4: {  	_ = 	snop  }
0x5: {  	_ = 	snop  }
0x6: {  	_ = 	snop  }
0x7: {  	_ = 	snop  }
__scs_overlays_trampoline_lowered:
0x8: {  	[smem:$0x3FA7] =	sst s0  }
0x9: {  	[smem:$0x3FA8] =	sst s1  }
0xa: {  	[smem:$0x3FA9] =	sst s2  }
0xb: {  	[smem:$0x3FAA] =	sst s3  }
0xc: {  	[smem:$0x3FAB] =	sst s4  }
0xd: {  	[smem:$0x3FAC] =	sst s5  }
0xe: {  	[smem:$0x3FAD] =	sst s6  }
0xf: {  	[smem:$0x3FAE] =	sst s7  }
0x10: {  	[smem:$0x3FAF] =	sst s8  }
0x11: {  	[smem:$0x3FB0] =	sst s9;
	s0 =	simm.s32 @!p0 $0x0  }
0x12: {  	s1 =	sld [smem:$0x3F96];
	s0 =	simm.s32 @p0 $0x1  }
0x13: {  	[smem:$0x3FB1] =	sst s0;
	s0 =	simm.s32 @!p1 $0x0  }
0x14: {  	s2 =	sld [smem:$0x3F95];
	s0 =	simm.s32 @p1 $0x1  }
0x15: {  	[smem:$0x3FB2] =	sst s0;
	s0 =	simm.s32 @!p2 $0x0  }
0x16: {  	s3 =	sld [smem:$0x3FDB];
	s0 =	simm.s32 @p2 $0x1  }
0x17: {  	s4 =	simm.s32 $0x1BF5;
	[smem:$0x3FB4] =	sst s0  }
0x18: {  	s0 =	sld [smem:$0x3F97];
	_ =	swait.ge [sflag:s4], $0x0  }
0x19: {  	s7 =	sld [smem:$0x3F98]  }
0x1a: {  	s8 =	sadd.s32 $0xFFFFE003, lr  }
0x1b: {  	s9 =	sadd.s32 $0xFFFFFEF7, lr;
	s5 =	simm.s32 $0xFFFFFFFF;
	p2 =	slt.u32 s8, $0xFFFFF086  }
0x1c: {  	p1 =	slt.u32 s9, $0xF7A;
	s5 =	simm.s32 @!p2 $0x0  }
0x1d: {  	s5 =	simm.s32 @p1 $0x1;
	p0 =	seq.s32 s7, s2  }
0x1e: {  	s7 =	smul.u32 @!p0 $0xF7A, s2;
	p2 =	seq.s32 @!p0 s5, $0x0  }
0x1f: {  	s9 =	smul.u32 $0xF7A, s1;
	s8 =	simm.s32 @!p0 $0x1BF5;
	p2 =	por !p2, p0  }
0x20: {  	[sflag:s8] =	ssyncset.s32 @!p0 $0xFFFFF086;
	s6 =	sadd.s32 @!p0 s3, s7;
	s7 =	simm.s32 @!p0 $0x108  }
0x21: {  	s3 =	sadd.s32 s3, s9;
	s6 =	sadd.s32 @!p0 $0x88, s6;
	s7 =	simm.s32 @p2 $0x1082  }
0x22: {  	[simem:s7], [sflag:s8] =	dma.local @!p0 [hbm:s6], $0xF7A  }
0x23: {  	s9 =	sor.u32 $0xD0000000, s2;
	s6 =	simm.s32 $0x108;
	_ =	swait.ge @!p0 [sflag:s8], $0x0  }
0x24: {  	s3 =	sadd.s32 $0x88, s3;
	s6 =	simm.s32 @!p1 $0x1082;
	[sflag:s4] =	ssyncset.s32 $0xFFFFF086  }
0x25: {  	[simem:s6], [sflag:s4] =	dma.local [hbm:s3], $0xF7A  }
0x26: {  	[smem:$0x3F98] =	sst s1;
	(tag) =	ssettag s2;
	_ =	strace s9  }
0x27: {  	s1 =	sld [smem:$0x3FA8]  }
0x28: {  	s2 =	sld [smem:$0x3FA9]  }
0x29: {  	s4 =	sld [smem:$0x3FAB]  }
0x2a: {  	p0 =	seq.s32 s5, $0x0;
	s5 =	sld [smem:$0x3FAC]  }
0x2b: {  	s6 =	sld [smem:$0x3FAD]  }
0x2c: {  	s7 =	sld [smem:$0x3FAE]  }
0x2d: {  	s3 =	simm.s32 $0x108;
	s8 =	sld [smem:$0x3FAF]  }
0x2e: {  	s3 =	simm.s32 @!p0 $0x1082;
	s9 =	sld [smem:$0x3FB0]  }
0x2f: {  	lr =	sadd.s32 s0, s3;
	s0 =	sld [smem:$0x3FA7]  }
0x30: {  	s3 =	sld [smem:$0x3FAA]  }
0x31: {  	[smem:$0x3FB3] =	sst s10  }
0x32: {  	s10 =	sld [smem:$0x3FB1];
	_ =	sdelay $0x3  }
0x33: {  	p0 =	seq.s32 s10, $0x1;
	s10 =	sld [smem:$0x3FB3];
	_ =	sdelay $0x3  }
0x34: {  	[smem:$0x3FB3] =	sst s10  }
0x35: {  	s10 =	sld [smem:$0x3FB2];
	_ =	sdelay $0x3  }
0x36: {  	p1 =	seq.s32 s10, $0x1;
	s10 =	sld [smem:$0x3FB3];
	_ =	sdelay $0x3  }
0x37: {  	[smem:$0x3FB3] =	sst s10  }
0x38: {  	s10 =	sld [smem:$0x3FB4]  }
0x39: {  	_ = 	snop;
	(pc) =	sbr.ind lr, $3  }
0x3a: {  	_ = 	snop  }
0x3b: {  	_ = 	snop  }
0x3c: {  	p2 =	seq.s32 s10, $0x1;
	s10 =	sld [smem:$0x3FB3]  }
0x3d: {  	_ =	shalt  }
0x3e: {  	_ =	shalt  }
0x3f: {  	_ =	shalt  }
0x40: {  	_ =	shalt  }
0x41: {  	_ =	shalt  }
0x42: {  	_ =	shalt  }
0x43: {  	_ =	shalt  }
0x44: {  	_ =	shalt  }
0x45: {  	_ =	shalt  }
0x46: {  	_ =	shalt  }
0x47: {  	_ =	shalt  }
0x48: {  	_ =	shalt  }
0x49: {  	_ =	shalt  }
0x4a: {  	_ =	shalt  }
0x4b: {  	_ =	shalt  }
0x4c: {  	_ =	shalt  }
0x4d: {  	_ =	shalt  }
0x4e: {  	_ =	shalt  }
0x4f: {  	_ =	shalt  }
0x50: {  	_ =	shalt  }
0x51: {  	_ =	shalt  }
0x52: {  	_ =	shalt  }
0x53: {  	_ =	shalt  }
0x54: {  	_ =	shalt  }
0x55: {  	_ =	shalt  }
0x56: {  	_ =	shalt  }
0x57: {  	_ =	shalt  }
0x58: {  	_ =	shalt  }
0x59: {  	_ =	shalt  }
0x5a: {  	_ =	shalt  }
0x5b: {  	_ =	shalt  }
0x5c: {  	_ =	shalt  }
0x5d: {  	_ =	shalt  }
0x5e: {  	_ =	shalt  }
0x5f: {  	_ =	shalt  }
0x60: {  	_ =	shalt  }
0x61: {  	_ =	shalt  }
0x62: {  	_ =	shalt  }
0x63: {  	_ =	shalt  }
0x64: {  	_ =	shalt  }
0x65: {  	_ =	shalt  }
0x66: {  	_ =	shalt  }
0x67: {  	_ =	shalt  }
0x68: {  	_ =	shalt  }
0x69: {  	_ =	shalt  }
0x6a: {  	_ =	shalt  }
0x6b: {  	_ =	shalt  }
0x6c: {  	_ =	shalt  }
0x6d: {  	_ =	shalt  }
0x6e: {  	_ =	shalt  }
0x6f: {  	_ =	shalt  }
0x70: {  	_ =	shalt  }
0x71: {  	_ =	shalt  }
0x72: {  	_ =	shalt  }
0x73: {  	_ =	shalt  }
0x74: {  	_ =	shalt  }
0x75: {  	_ =	shalt  }
0x76: {  	_ =	shalt  }
0x77: {  	_ =	shalt  }
0x78: {  	_ =	shalt  }
0x79: {  	_ =	shalt  }
0x7a: {  	_ =	shalt  }
0x7b: {  	_ =	shalt  }
0x7c: {  	_ =	shalt  }
0x7d: {  	_ =	shalt  }
0x7e: {  	_ =	shalt  }
0x7f: {  	_ =	shalt  }
0x80: {  	_ =	shalt  }
0x81: {  	_ =	shalt  }
0x82: {  	_ =	shalt  }
0x83: {  	_ =	shalt  }
0x84: {  	_ =	shalt  }
0x85: {  	_ =	shalt  }
0x86: {  	_ =	shalt  }
0x87: {  	_ =	shalt  }
.Lfunc_end0:
.L_simem_size_0:
called_computation_lowered:
.L_overlay_start_0:
0x88: {  	s2 =	sld [smem:$0x3FD9]  }
0x89: {  	s3 =	sld [smem:$0x3FFE];
	_ =	sdelay $0x1  }
0x8a: {  	s1 =	srdreg.scid  }
0x8b: {  	s0 =	sand.u32 $0x1, s1  }
0x8c: {  	s17 =	sshll.u32 s0, $0xA;
	s2 =	sadd.s32 s3, s2  }
0x8d: {  	s2 =	sadd.s32 s2, s17  }
0x8e: {  	[smem:$0x3FBF] =	sst s2  }
0x8f: {  	_ = 	snop  }
0x90: {  	s2 =	sld [smem:$0x3FD0];
	(tm) =	ssettm $0x1  }
0x91: {  	s18 =	sld [smem:$0x3FFB];
	_ =	sdelay $0x3  }
0x92: {  	_ =	strace s18  }
0x93: {  	s3 =	sld [smem:$0x3FFC];
	_ =	sdelay $0x3  }
0x94: {  	_ =	strace s3  }
0x95: {  	s3 =	sld [smem:$0x3FFD];
	_ =	sdelay $0x3  }
0x96: {  	_ =	strace s3  }
0x97: {  	_ =	strace $0x8FFFFFFF  }
0x98: {  	s19 =	sld [smem:$0x3FDB];
	_ =	sdelay $0x1  }
0x99: {  	s4 =	simm.s32 $_scs_section_size  }
0x9a: {  	s5 =	simm.s32 $_size__tile_overlayer_lowered;
	s6 =	simm.s32 $_tile_overlayer_lowered  }
0x9b: {  	s22 =	simm.s32 $0x1BFF;
	s21 =	sshll.u32 s6, $0x1;
	s3 =	sadd.s32 s4, s19  }
0x9c: {  	s7 =	simm.s32 $0x0;
	s20 =	sshll.u32 s5, $0x1;
	s5 =	sadd.s32 s21, s3  }
0x9d: {  	[timem:s7], [sflag:s22] =	dma.local [hbm:s5], s20  }
0x9e: {  	_ =	swait.ge [sflag:s22], s20  }
0x9f: {  	s4 =	ssub.s32 $0x0, s20;
	[sflag:s22] =	ssyncset.done $0x0  }
0xa0: {  	[sflag:s22] =	ssyncadd.s32 s4;
	_ =	sdelay $0x1  }
0xa1: {  	s23 =	simm.s32 $0x1B8B  }
0xa2: {  	_ =	swait.ge [sflag:s23], $0x1  }
0xa3: {  	[sflag:s23] =	ssyncset.done $0x0  }
0xa4: {  	s25 =	simm.s32 $0x1B8E;
	s24 =	sld [smem:$0x3FFE];
	[sflag:s23] =	ssyncadd.s32 $0xFFFFFFFF  }
0xa5: {  	s26 =	simm.s32 $execute0_lowered;
	[smem:$0x3FD2] =	sst s25  }
0xa6: {  	s5 =	sshll.u32 s26, $0x1;
	_ =	strace $0x80000046;
	[dreg:$0x1] =	wrdreg $0xFFFFFFFF  }
0xa7: {  	s28 =	simm.s32 $_size_execute0_lowered;
	s3 =	sadd.s32 s3, s5;
	[dreg:$0x0] =	wrdreg $0x0  }
0xa8: {  	s5 =	sshll.u32 s28, $0x1;
	[dreg:$0x2] =	wrdreg s3  }
0xa9: {  	[dreg:$0x3] =	wrdreg s5  }
0xaa: {  	[dreg:$0x4] =	wrdreg $0xC0  }
0xab: {  	_ =	task [dreg:s7], $0x5FFFF  }
0xac: {  	[dreg:$0x1] =	wrdreg $0xFFFFFFFF  }
0xad: {  	[dreg:$0x0] =	wrdreg $0x60  }
0xae: {  	[dreg:$0x2] =	wrdreg s24  }
0xaf: {  	[dreg:$0x3] =	wrdreg s2  }
0xb0: {  	[dreg:$0x4] =	wrdreg $0x9  }
0xb1: {  	_ =	task.clear_ibuf [dreg:s7], $0x5FFFF;
	_ =	strace $0x90000046  }
0xb2: {  	s29 =	simm.s32 $0x9;
	_ =	strace $0x80000048  }
0xb3: {  	_ =	swait.ge [sflag:s29], $0x1  }
0xb4: {  	[sflag:s29] =	ssyncadd.s32 $0xFFFFFFFF  }
0xb5: {  	_ =	strace $0x90000048  }
0xb6: {  	_ =	sfence  }
0xb7: {  	s30 =	sld [smem:$0x0];
	_ =	sdelay $0x2  }
0xb8: {  	s31 =	sshll.u32 s1, $0xD;
	s1 =	sshrl.u32 s1, $0x2  }
0xb9: {  	s3 =	sand.u32 $0x4000, s31;
	s1 =	sadd.s32 s1, s30  }
0xba: {  	s0 =	sor.u32 s3, s0;
	s1 =	sshll.u32 s1, $0x11  }
0xbb: {  	s0 =	sor.u32 s1, s0  }
0xbc: {  	s0 =	sadd.s32 $0x8F2B, s0  }
0xbd: {  	[sflag:s0] =	ssyncadd.remote.s32 $0x1  }
0xbe: {  	_ =	sfence.sel $0xFFFF  }
0xbf: {  	[dreg:$0x0] =	wrdreg $0xFFFFFFFF;
	(pc) =	sbr.abs _section_cstart, $3  }
0xc0: {  	[dreg:$0x1] =	wrdreg $0xFFFFFFFF  }
0xc1: {  	_ =	task.clear_ibuf [dreg:s7], $0x2FFFF;
	_ =	strace $0x9FFFFFFF  }
0xc2: {  	(tm) =	ssettm $0x7FFFFFFF  }
0xc3: {  	_ =	shalt  }
tec
execute0_lowered:
.L_overlay_start_1:
0x0: {  	(tag) =	ssettag $0x1  }
0x1: {  	s1 =	srdreg.scid  }
0x2: {  	s0 =	stileid.u32;
	s4 =	rddreg [dreg:$0x0]  }
0x3: {  	s2 =	rddreg [dreg:$0x1];
	s8 =	simm.s32 $0x7;
	s9 =	simm.s32 $0x280  }
0x4: {  	s10 =	simm.s32 $0x4280;
	s11 =	simm.s32 $0x8280;
	s12 =	simm.s32 $0x1  }
0x5: {  	s13 =	simm.s32 $0xA80;
	s14 =	simm.s32 $0x1280;
	s20 =	simm.s32 $0x4A80  }
0x6: {  	s21 =	simm.s32 $0x5280;
	s22 =	simm.s32 $0x5A80;
	s23 =	simm.s32 $0x6280  }
0x7: {  	s24 =	simm.s32 $0x6A80;
	s25 =	simm.s32 $0x7280;
	s1 =	sand.u32 $0x1, s1  }
0x8: {  	s26 =	simm.s32 $0x7A80;
	s5 =	sshll.u32 s0, $0x6;
	s3 =	sshll.u32 s1, $0xA  }
0x9: {  	s28 =	simm.s32 $0xAA80;
	s5 =	sor.u32 s5, s3;
	s3 =	simm.s32 $0x0  }
0xa: {  	s29 =	simm.s32 $0xB280;
	s30 =	simm.s32 $0xBA80;
	[smem:$0x7FF] =	sst s3  }
0xb: {  	s1 =	ssub.s32 $0x2, s1;
	_ =	strace $0x80000047;
	[dreg:$0x8] =	wrdreg s20  }
0xc: {  	s31 =	simm.s32 $0x5;
	s17 =	sshrl.u32 s1, $0x1;
	[dreg:$0x9] =	wrdreg s21  }
0xd: {  	s6 =	sshrl.u32 s5, $0x3;
	s5 =	sshll.u32 s5, $0x7;
	[dreg:$0xa] =	wrdreg s22  }
0xe: {  	s1 =	ssub.s32 s1, s17;
	s17 =	simm.s32 $0x2A80;
	[dreg:$0xb] =	wrdreg s23  }
0xf: {  	s6 =	sadd.s32 s6, s4;
	s5 =	sadd.s32 s5, s4;
	[dreg:$0xc] =	wrdreg s24  }
0x10: {  	s4 =	sadd.s32 $0x100, s2;
	s20 =	simm.s32 $0x4;
	[dreg:$0xd] =	wrdreg s25  }
0x11: {  	s21 =	simm.s32 $0x2;
	[dreg:$0xe] =	wrdreg s26;
	s15 =	sadd.s32 $0x41C00, s6  }
0x12: {  	s22 =	simm.s32 $0x3;
	s16 =	sadd.s32 $0x1C00, s5;
	[dreg:$0x3] =	wrdreg s15  }
0x13: {  	s24 =	simm.s32 $0x9280;
	s18 =	sadd.s32 $0x2400, s5;
	[dreg:$0x4] =	wrdreg s16  }
0x14: {  	s25 =	simm.s32 $0x9A80;
	s19 =	sadd.s32 $0x2C00, s5;
	[dreg:$0x5] =	wrdreg s18  }
0x15: {  	s26 =	simm.s32 $0xA280;
	s7 =	sadd.s32 $0x3400, s5;
	[dreg:$0x6] =	wrdreg s19  }
0x16: {  	v2 =	vlaneseq.u32;
	s5 =	sadd.s32 $0x200, s2;
	s6 =	sadd.s32 $0x300, s2;
	[dreg:$0x7] =	wrdreg s7  }
0x17: {  	vm0 =	vmmov $0xffff;
	v1 =	vshrl.u32 v2, $0x3;
	s7 =	smax.u32 s1, $0x1;
	s15 =	simm.s32 $0x1A80;
	s16 =	simm.s32 $0x2280  }
0x18: {  	v0 =	vand.u32 $0x7, v2;
	v2 =	vor.u32 $0x8, v2;
	v1 =	vmul.u32 $0x8, v1;
	s18 =	simm.s32 $0x3280;
	s19 =	simm.s32 $0x3A80;
	s1 =	simm.s32 $0x6  }
.LBB2_1:
0x19: {  	s0 =	rddreg [dreg:$0x3]  }
0x1a: {  	[tilespmem:s3], [sflag:$0x7] =	stream.linear.gather [hbm4b:s0+s3], $0x40, $0x38;
	[tilespmem:$0xC280] =	vst v63  }
0x1b: {  	_ =	swait.ge [sflag:s8], $0x40  }
0x1c: {  	[sflag:s8] =	ssyncset.done $0x0  }
0x1d: {  	[sflag:s8] =	ssyncadd.s32 $0xFFFFFFC0  }
0x1e: {  	v3 =	vld [tilespmem:$0x0]  }
0x1f: {  	v4 =	vld [tilespmem:$0x10]  }
0x20: {  	v5 =	vld [tilespmem:$0x20]  }
0x21: {  	v6 =	vld [tilespmem:$0x30];
	_ =	sdelay $0x1  }
0x22: {  	[tilespmem:$0x80] =	vst v3  }
0x23: {  	[tilespmem:$0x100] =	vst v4  }
0x24: {  	[tilespmem:$0x180] =	vst v5  }
0x25: {  	s0 =	rddreg [dreg:$0x4];
	[tilespmem:$0x200] =	vst v6  }
0x26: {  	[tilespmem:s9], [sflag:$0x1] =	stream.linear.gather [hbm4b:s0+s3], $0x4000, $0x38;
	[tilespmem:$0xC280] =	vst v63  }
0x27: {  	s23 =	rddreg [dreg:$0x5]  }
0x28: {  	[tilespmem:s10], [sflag:$0x2] =	stream.linear.gather [hbm4b:s23+s3], $0x4000, $0x38;
	[tilespmem:$0xC280] =	vst v63  }
0x29: {  	s0 =	rddreg [dreg:$0x6]  }
0x2a: {  	[tilespmem:s11], [sflag:$0x3] =	stream.linear.gather [hbm4b:s0+s3], $0x4000, $0x38;
	[tilespmem:$0xC280] =	vst v63  }
0x2b: {  	_ =	swait.ge [sflag:s12], $0x4000  }
0x2c: {  	[sflag:s12] =	ssyncset.done $0x0  }
0x2d: {  	[sflag:s12] =	ssyncadd.s32 $0xFFFFC000  }
0x2e: {  	v3 =	vld [tilespmem:$0x80];
	_ =	sdelay $0x4  }
0x2f: {  	v60 =	vshll.u32 v3, $0x3  }
0x30: {  	v3 =	vand.u32 $0x7, v3;
	v4 =	vand.u32 $0xFFFFFFC0, v60  }
0x31: {  	v3 =	vor.u32 v3, v4  }
0x32: {  	v4 =	vperm.xlane v3, v0;
	_ =	sdelay $0x1  }
0x33: {  	v4 =	vadd.s32 v1, v4;
	_ =	sdelay $0x4  }
0x34: {  	[hbm4b:s2+s3] =	stream.indirect_vreg.scatter [tilespmem:s9], [sflag:$0x4], $0x80, v4, vm0, $0xb8;
	[tilespmem:$0xC280] =	vst v63  }
0x35: {  	v3 =	vperm.xlane v3, v2  }
0x36: {  	[hbm4b:s4+s3] =	stream.indirect_vreg.scatter [tilespmem:s13], [sflag:$0x4], $0x80, v4, vm0, $0xb8;
	[tilespmem:$0xC280] =	vst v63  }
0x37: {  	v3 =	vadd.s32 v1, v3  }
0x38: {  	[hbm4b:s5+s3] =	stream.indirect_vreg.scatter [tilespmem:s14], [sflag:$0x4], $0x80, v4, vm0, $0xb8;
	[tilespmem:$0xC280] =	vst v63  }
0x39: {  	_ = 	snop  }
0x3a: {  	[hbm4b:s6+s3] =	stream.indirect_vreg.scatter [tilespmem:s15], [sflag:$0x4], $0x80, v4, vm0, $0xb8;
	[tilespmem:$0xC280] =	vst v63  }
0x3b: {  	_ = 	snop  }
0x3c: {  	[hbm4b:s2+s3] =	stream.indirect_vreg.scatter [tilespmem:s16], [sflag:$0x4], $0x80, v3, vm0, $0xb8;
	[tilespmem:$0xC280] =	vst v63  }
0x3d: {  	_ = 	snop  }
0x3e: {  	[hbm4b:s4+s3] =	stream.indirect_vreg.scatter [tilespmem:s17], [sflag:$0x4], $0x80, v3, vm0, $0xb8;
	[tilespmem:$0xC280] =	vst v63  }
0x3f: {  	_ = 	snop  }
0x40: {  	[hbm4b:s5+s3] =	stream.indirect_vreg.scatter [tilespmem:s18], [sflag:$0x4], $0x80, v3, vm0, $0xb8;
	[tilespmem:$0xC280] =	vst v63  }
0x41: {  	_ = 	snop  }
0x42: {  	[hbm4b:s6+s3] =	stream.indirect_vreg.scatter [tilespmem:s19], [sflag:$0x4], $0x80, v3, vm0, $0xb8;
	[tilespmem:$0xC280] =	vst v63  }
0x43: {  	_ =	swait.ge [sflag:s20], $0x4000  }
0x44: {  	[sflag:s20] =	ssyncset.done $0x0  }
0x45: {  	s23 =	rddreg [dreg:$0x7];
	[sflag:s20] =	ssyncadd.s32 $0xFFFFC000  }
0x46: {  	[tilespmem:s9], [sflag:$0x1] =	stream.linear.gather [hbm4b:s23+s3], $0x4000, $0x38;
	[tilespmem:$0xC280] =	vst v63  }
0x47: {  	_ =	swait.ge [sflag:s21], $0x4000  }
0x48: {  	[sflag:s21] =	ssyncset.done $0x0  }
0x49: {  	[sflag:s21] =	ssyncadd.s32 $0xFFFFC000  }
0x4a: {  	v3 =	vld [tilespmem:$0x100];
	_ =	sdelay $0x4  }
0x4b: {  	v61 =	vshll.u32 v3, $0x3  }
0x4c: {  	v3 =	vand.u32 $0x7, v3;
	v4 =	vand.u32 $0xFFFFFFC0, v61  }
0x4d: {  	v3 =	vor.u32 v3, v4  }
0x4e: {  	v4 =	vperm.xlane v3, v0;
	_ =	sdelay $0x1  }
0x4f: {  	v4 =	vadd.s32 v1, v4;
	_ =	sdelay $0x4  }
0x50: {  	[hbm4b:s2+s3] =	stream.indirect_vreg.scatter [tilespmem:s10], [sflag:$0x5], $0x80, v4, vm0, $0xb8;
	[tilespmem:$0xC280] =	vst v63  }
0x51: {  	s0 =	rddreg [dreg:$0x8];
	v3 =	vperm.xlane v3, v2  }
0x52: {  	[hbm4b:s4+s3] =	stream.indirect_vreg.scatter [tilespmem:s0], [sflag:$0x5], $0x80, v4, vm0, $0xb8;
	[tilespmem:$0xC280] =	vst v63  }
0x53: {  	s23 =	rddreg [dreg:$0x9];
	v3 =	vadd.s32 v1, v3  }
0x54: {  	[hbm4b:s5+s3] =	stream.indirect_vreg.scatter [tilespmem:s23], [sflag:$0x5], $0x80, v4, vm0, $0xb8;
	[tilespmem:$0xC280] =	vst v63  }
0x55: {  	s0 =	rddreg [dreg:$0xa]  }
0x56: {  	[hbm4b:s6+s3] =	stream.indirect_vreg.scatter [tilespmem:s0], [sflag:$0x5], $0x80, v4, vm0, $0xb8;
	[tilespmem:$0xC280] =	vst v63  }
0x57: {  	s23 =	rddreg [dreg:$0xb]  }
0x58: {  	[hbm4b:s2+s3] =	stream.indirect_vreg.scatter [tilespmem:s23], [sflag:$0x5], $0x80, v3, vm0, $0xb8;
	[tilespmem:$0xC280] =	vst v63  }
0x59: {  	s0 =	rddreg [dreg:$0xc]  }
0x5a: {  	[hbm4b:s4+s3] =	stream.indirect_vreg.scatter [tilespmem:s0], [sflag:$0x5], $0x80, v3, vm0, $0xb8;
	[tilespmem:$0xC280] =	vst v63  }
0x5b: {  	s23 =	rddreg [dreg:$0xd]  }
0x5c: {  	[hbm4b:s5+s3] =	stream.indirect_vreg.scatter [tilespmem:s23], [sflag:$0x5], $0x80, v3, vm0, $0xb8;
	[tilespmem:$0xC280] =	vst v63  }
0x5d: {  	s0 =	rddreg [dreg:$0xe]  }
0x5e: {  	[hbm4b:s6+s3] =	stream.indirect_vreg.scatter [tilespmem:s0], [sflag:$0x5], $0x80, v3, vm0, $0xb8;
	[tilespmem:$0xC280] =	vst v63  }
0x5f: {  	_ =	swait.ge [sflag:s22], $0x4000  }
0x60: {  	[sflag:s22] =	ssyncset.done $0x0  }
0x61: {  	[sflag:s22] =	ssyncadd.s32 $0xFFFFC000  }
0x62: {  	v3 =	vld [tilespmem:$0x180];
	_ =	sdelay $0x4  }
0x63: {  	v62 =	vshll.u32 v3, $0x3  }
0x64: {  	v3 =	vand.u32 $0x7, v3;
	v4 =	vand.u32 $0xFFFFFFC0, v62  }
0x65: {  	v3 =	vor.u32 v3, v4  }
0x66: {  	v4 =	vperm.xlane v3, v0;
	_ =	sdelay $0x1  }
0x67: {  	v4 =	vadd.s32 v1, v4;
	_ =	sdelay $0x4  }
0x68: {  	[hbm4b:s2+s3] =	stream.indirect_vreg.scatter [tilespmem:s11], [sflag:$0x6], $0x80, v4, vm0, $0xb8;
	[tilespmem:$0xC280] =	vst v63  }
0x69: {  	s23 =	simm.s32 $0x8A80;
	v3 =	vperm.xlane v3, v2  }
0x6a: {  	[hbm4b:s4+s3] =	stream.indirect_vreg.scatter [tilespmem:s23], [sflag:$0x6], $0x80, v4, vm0, $0xb8;
	[tilespmem:$0xC280] =	vst v63  }
0x6b: {  	v3 =	vadd.s32 v1, v3  }
0x6c: {  	[hbm4b:s5+s3] =	stream.indirect_vreg.scatter [tilespmem:s24], [sflag:$0x6], $0x80, v4, vm0, $0xb8;
	[tilespmem:$0xC280] =	vst v63  }
0x6d: {  	_ = 	snop  }
0x6e: {  	[hbm4b:s6+s3] =	stream.indirect_vreg.scatter [tilespmem:s25], [sflag:$0x6], $0x80, v4, vm0, $0xb8;
	[tilespmem:$0xC280] =	vst v63  }
0x6f: {  	_ = 	snop  }
0x70: {  	[hbm4b:s2+s3] =	stream.indirect_vreg.scatter [tilespmem:s26], [sflag:$0x6], $0x80, v3, vm0, $0xb8;
	[tilespmem:$0xC280] =	vst v63  }
0x71: {  	_ = 	snop  }
0x72: {  	[hbm4b:s4+s3] =	stream.indirect_vreg.scatter [tilespmem:s28], [sflag:$0x6], $0x80, v3, vm0, $0xb8;
	[tilespmem:$0xC280] =	vst v63  }
0x73: {  	_ = 	snop  }
0x74: {  	[hbm4b:s5+s3] =	stream.indirect_vreg.scatter [tilespmem:s29], [sflag:$0x6], $0x80, v3, vm0, $0xb8;
	[tilespmem:$0xC280] =	vst v63  }
0x75: {  	_ = 	snop  }
0x76: {  	[hbm4b:s6+s3] =	stream.indirect_vreg.scatter [tilespmem:s30], [sflag:$0x6], $0x80, v3, vm0, $0xb8;
	[tilespmem:$0xC280] =	vst v63  }
0x77: {  	_ =	swait.ge [sflag:s12], $0x4000  }
0x78: {  	[sflag:s12] =	ssyncset.done $0x0  }
0x79: {  	[sflag:s12] =	ssyncadd.s32 $0xFFFFC000  }
0x7a: {  	v3 =	vld [tilespmem:$0x200];
	_ =	sdelay $0x4  }
0x7b: {  	v63 =	vshll.u32 v3, $0x3  }
0x7c: {  	v3 =	vand.u32 $0x7, v3;
	v4 =	vand.u32 $0xFFFFFFC0, v63  }
0x7d: {  	v3 =	vor.u32 v3, v4  }
0x7e: {  	v4 =	vperm.xlane v3, v0;
	_ =	sdelay $0x1  }
0x7f: {  	v4 =	vadd.s32 v1, v4;
	_ =	sdelay $0x4  }
0x80: {  	[hbm4b:s2+s3] =	stream.indirect_vreg.scatter [tilespmem:s9], [sflag:$0x4], $0x80, v4, vm0, $0xb8;
	[tilespmem:$0xC280] =	vst v63  }
0x81: {  	v3 =	vperm.xlane v3, v2  }
0x82: {  	[hbm4b:s4+s3] =	stream.indirect_vreg.scatter [tilespmem:s13], [sflag:$0x4], $0x80, v4, vm0, $0xb8;
	[tilespmem:$0xC280] =	vst v63  }
0x83: {  	v3 =	vadd.s32 v1, v3  }
0x84: {  	[hbm4b:s5+s3] =	stream.indirect_vreg.scatter [tilespmem:s14], [sflag:$0x4], $0x80, v4, vm0, $0xb8;
	[tilespmem:$0xC280] =	vst v63  }
0x85: {  	_ = 	snop  }
0x86: {  	[hbm4b:s6+s3] =	stream.indirect_vreg.scatter [tilespmem:s15], [sflag:$0x4], $0x80, v4, vm0, $0xb8;
	[tilespmem:$0xC280] =	vst v63  }
0x87: {  	_ = 	snop  }
0x88: {  	[hbm4b:s2+s3] =	stream.indirect_vreg.scatter [tilespmem:s16], [sflag:$0x4], $0x80, v3, vm0, $0xb8;
	[tilespmem:$0xC280] =	vst v63  }
0x89: {  	_ = 	snop  }
0x8a: {  	[hbm4b:s4+s3] =	stream.indirect_vreg.scatter [tilespmem:s17], [sflag:$0x4], $0x80, v3, vm0, $0xb8;
	[tilespmem:$0xC280] =	vst v63  }
0x8b: {  	_ = 	snop  }
0x8c: {  	[hbm4b:s5+s3] =	stream.indirect_vreg.scatter [tilespmem:s18], [sflag:$0x4], $0x80, v3, vm0, $0xb8;
	[tilespmem:$0xC280] =	vst v63  }
0x8d: {  	_ = 	snop  }
0x8e: {  	[hbm4b:s6+s3] =	stream.indirect_vreg.scatter [tilespmem:s19], [sflag:$0x4], $0x80, v3, vm0, $0xb8;
	[tilespmem:$0xC280] =	vst v63  }
0x8f: {  	_ =	swait.ge [sflag:s31], $0x4000  }
0x90: {  	[sflag:s31] =	ssyncset.done $0x0  }
0x91: {  	[sflag:s31] =	ssyncadd.s32 $0xFFFFC000  }
0x92: {  	p0 =	sne.s32 s7, $0x1;
	_ =	swait.ge [sflag:s1], $0x4000  }
.Ltmp0:
0x93: {  	[sflag:s1] =	ssyncset.done $0x0;
	(pc) =	sbr.rel @p0 .LBB2_1-.Ltmp0, $4  }
0x94: {  	[sflag:s1] =	ssyncadd.s32 $0xFFFFC000  }
0x95: {  	_ =	swait.ge [sflag:s20], $0x4000  }
0x96: {  	[sflag:s20] =	ssyncset.done $0x0  }
0x97: {  	s7 =	sadd.s32 $0xFFFFFFFF, s7;
	[sflag:s20] =	ssyncadd.s32 $0xFFFFC000  }
0x98: {  	_ =	sfence.sel $0x180000  }
0x99: {  	[bflag:$0x0] =	sbarrier.arrive $0xFFFF  }
0x9a: {  	_ =	strace $0x90000047  }
0x9b: {  	s0 =	stileid.u32;
	[bflag:$0x2] =	sbarrier.arrive $0xFFFF  }
0x9c: {  	p0 =	sne.s32 s0, $0x0;
	s0 =	rddreg [dreg:$0x2]  }
0x9d: {  	s0 =	sadd.s32 @!p0 $0x100000, s0  }
0x9e: {  	[sflag:s0] =	ssyncadd.tile.s32 @!p0 $0x1;
	_ =	shalt  }
.Lfunc_end2:
_tile_overlayer_lowered:
.L_overlay_start_2:
0x9f: {  	(tag) =	ssettag $0x2  }
0xa0: {  	s0 =	rddreg [dreg:$0x0];
	s2 =	stileid.u32  }
0xa1: {  	s1 =	rddreg [dreg:$0x1];
	p0 =	sne.s32 s2, $0x0  }
0xa2: {  	s3 =	rddreg [dreg:$0x2];
	[bflag:$0x3] =	sbarrier.arrive $0xFFFF;
	s2 =	simm.s32 @!p0 $0x1C07  }
0xa3: {  	[timem:s3], [sflag:s2] =	dma.local @!p0 [hbm:s0], s1  }
0xa4: {  	s0 =	simm.s32 @!p0 $0x7  }
0xa5: {  	_ =	swait.ge @!p0 [sflag:s0], s1  }
0xa6: {  	s1 =	ssub.s32 @!p0 $0x0, s1;
	[sflag:s0] =	ssyncset.done @!p0 $0x0  }
0xa7: {  	[sflag:s0] =	ssyncadd.s32 @!p0 s1  }
0xa8: {  	[bflag:$0x3] =	sbarrier.arrive $0xFFFF  }
0xa9: {  	_ =	shalt  }

// kernel: kernel.9.cloned.1.call-start
scs
__scs_entry_jumppad:
0x0: {  	(pc) =	sbr.rel $0x88, $3  }
0x1: {  	(tag) =	ssettag $0x0;
	lr =	simm.s32 $0x1  }
0x2: {  	[smem:$0x3F98] =	sst lr;
	_ =	strace $0xD0000000  }
0x3: {  	_ = 	snop  }
0x4: {  	_ = 	snop  }
0x5: {  	_ = 	snop  }
0x6: {  	_ = 	snop  }
0x7: {  	_ = 	snop  }
__scs_overlays_trampoline_lowered:
0x8: {  	[smem:$0x3FA7] =	sst s0  }
0x9: {  	[smem:$0x3FA8] =	sst s1  }
0xa: {  	[smem:$0x3FA9] =	sst s2  }
0xb: {  	[smem:$0x3FAA] =	sst s3  }
0xc: {  	[smem:$0x3FAB] =	sst s4  }
0xd: {  	[smem:$0x3FAC] =	sst s5  }
0xe: {  	[smem:$0x3FAD] =	sst s6  }
0xf: {  	[smem:$0x3FAE] =	sst s7  }
0x10: {  	[smem:$0x3FAF] =	sst s8  }
0x11: {  	[smem:$0x3FB0] =	sst s9;
	s0 =	simm.s32 @!p0 $0x0  }
0x12: {  	s1 =	sld [smem:$0x3F96];
	s0 =	simm.s32 @p0 $0x1  }
0x13: {  	[smem:$0x3FB1] =	sst s0;
	s0 =	simm.s32 @!p1 $0x0  }
0x14: {  	s2 =	sld [smem:$0x3F95];
	s0 =	simm.s32 @p1 $0x1  }
0x15: {  	[smem:$0x3FB2] =	sst s0;
	s0 =	simm.s32 @!p2 $0x0  }
0x16: {  	s3 =	sld [smem:$0x3FDB];
	s0 =	simm.s32 @p2 $0x1  }
0x17: {  	s4 =	simm.s32 $0x1BF5;
	[smem:$0x3FB4] =	sst s0  }
0x18: {  	s0 =	sld [smem:$0x3F97];
	_ =	swait.ge [sflag:s4], $0x0  }
0x19: {  	s7 =	sld [smem:$0x3F98]  }
0x1a: {  	s8 =	sadd.s32 $0xFFFFE003, lr  }
0x1b: {  	s9 =	sadd.s32 $0xFFFFFEF7, lr;
	s5 =	simm.s32 $0xFFFFFFFF;
	p2 =	slt.u32 s8, $0xFFFFF086  }
0x1c: {  	p1 =	slt.u32 s9, $0xF7A;
	s5 =	simm.s32 @!p2 $0x0  }
0x1d: {  	s5 =	simm.s32 @p1 $0x1;
	p0 =	seq.s32 s7, s2  }
0x1e: {  	s7 =	smul.u32 @!p0 $0xF7A, s2;
	p2 =	seq.s32 @!p0 s5, $0x0  }
0x1f: {  	s9 =	smul.u32 $0xF7A, s1;
	s8 =	simm.s32 @!p0 $0x1BF5;
	p2 =	por !p2, p0  }
0x20: {  	[sflag:s8] =	ssyncset.s32 @!p0 $0xFFFFF086;
	s6 =	sadd.s32 @!p0 s3, s7;
	s7 =	simm.s32 @!p0 $0x108  }
0x21: {  	s3 =	sadd.s32 s3, s9;
	s6 =	sadd.s32 @!p0 $0x88, s6;
	s7 =	simm.s32 @p2 $0x1082  }
0x22: {  	[simem:s7], [sflag:s8] =	dma.local @!p0 [hbm:s6], $0xF7A  }
0x23: {  	s9 =	sor.u32 $0xD0000000, s2;
	s6 =	simm.s32 $0x108;
	_ =	swait.ge @!p0 [sflag:s8], $0x0  }
0x24: {  	s3 =	sadd.s32 $0x88, s3;
	s6 =	simm.s32 @!p1 $0x1082;
	[sflag:s4] =	ssyncset.s32 $0xFFFFF086  }
0x25: {  	[simem:s6], [sflag:s4] =	dma.local [hbm:s3], $0xF7A  }
0x26: {  	[smem:$0x3F98] =	sst s1;
	(tag) =	ssettag s2;
	_ =	strace s9  }
0x27: {  	s1 =	sld [smem:$0x3FA8]  }
0x28: {  	s2 =	sld [smem:$0x3FA9]  }
0x29: {  	s4 =	sld [smem:$0x3FAB]  }
0x2a: {  	p0 =	seq.s32 s5, $0x0;
	s5 =	sld [smem:$0x3FAC]  }
0x2b: {  	s6 =	sld [smem:$0x3FAD]  }
0x2c: {  	s7 =	sld [smem:$0x3FAE]  }
0x2d: {  	s3 =	simm.s32 $0x108;
	s8 =	sld [smem:$0x3FAF]  }
0x2e: {  	s3 =	simm.s32 @!p0 $0x1082;
	s9 =	sld [smem:$0x3FB0]  }
0x2f: {  	lr =	sadd.s32 s0, s3;
	s0 =	sld [smem:$0x3FA7]  }
0x30: {  	s3 =	sld [smem:$0x3FAA]  }
0x31: {  	[smem:$0x3FB3] =	sst s10  }
0x32: {  	s10 =	sld [smem:$0x3FB1];
	_ =	sdelay $0x3  }
0x33: {  	p0 =	seq.s32 s10, $0x1;
	s10 =	sld [smem:$0x3FB3];
	_ =	sdelay $0x3  }
0x34: {  	[smem:$0x3FB3] =	sst s10  }
0x35: {  	s10 =	sld [smem:$0x3FB2];
	_ =	sdelay $0x3  }
0x36: {  	p1 =	seq.s32 s10, $0x1;
	s10 =	sld [smem:$0x3FB3];
	_ =	sdelay $0x3  }
0x37: {  	[smem:$0x3FB3] =	sst s10  }
0x38: {  	s10 =	sld [smem:$0x3FB4]  }
0x39: {  	_ = 	snop;
	(pc) =	sbr.ind lr, $3  }
0x3a: {  	_ = 	snop  }
0x3b: {  	_ = 	snop  }
0x3c: {  	p2 =	seq.s32 s10, $0x1;
	s10 =	sld [smem:$0x3FB3]  }
0x3d: {  	_ =	shalt  }
0x3e: {  	_ =	shalt  }
0x3f: {  	_ =	shalt  }
0x40: {  	_ =	shalt  }
0x41: {  	_ =	shalt  }
0x42: {  	_ =	shalt  }
0x43: {  	_ =	shalt  }
0x44: {  	_ =	shalt  }
0x45: {  	_ =	shalt  }
0x46: {  	_ =	shalt  }
0x47: {  	_ =	shalt  }
0x48: {  	_ =	shalt  }
0x49: {  	_ =	shalt  }
0x4a: {  	_ =	shalt  }
0x4b: {  	_ =	shalt  }
0x4c: {  	_ =	shalt  }
0x4d: {  	_ =	shalt  }
0x4e: {  	_ =	shalt  }
0x4f: {  	_ =	shalt  }
0x50: {  	_ =	shalt  }
0x51: {  	_ =	shalt  }
0x52: {  	_ =	shalt  }
0x53: {  	_ =	shalt  }
0x54: {  	_ =	shalt  }
0x55: {  	_ =	shalt  }
0x56: {  	_ =	shalt  }
0x57: {  	_ =	shalt  }
0x58: {  	_ =	shalt  }
0x59: {  	_ =	shalt  }
0x5a: {  	_ =	shalt  }
0x5b: {  	_ =	shalt  }
0x5c: {  	_ =	shalt  }
0x5d: {  	_ =	shalt  }
0x5e: {  	_ =	shalt  }
0x5f: {  	_ =	shalt  }
0x60: {  	_ =	shalt  }
0x61: {  	_ =	shalt  }
0x62: {  	_ =	shalt  }
0x63: {  	_ =	shalt  }
0x64: {  	_ =	shalt  }
0x65: {  	_ =	shalt  }
0x66: {  	_ =	shalt  }
0x67: {  	_ =	shalt  }
0x68: {  	_ =	shalt  }
0x69: {  	_ =	shalt  }
0x6a: {  	_ =	shalt  }
0x6b: {  	_ =	shalt  }
0x6c: {  	_ =	shalt  }
0x6d: {  	_ =	shalt  }
0x6e: {  	_ =	shalt  }
0x6f: {  	_ =	shalt  }
0x70: {  	_ =	shalt  }
0x71: {  	_ =	shalt  }
0x72: {  	_ =	shalt  }
0x73: {  	_ =	shalt  }
0x74: {  	_ =	shalt  }
0x75: {  	_ =	shalt  }
0x76: {  	_ =	shalt  }
0x77: {  	_ =	shalt  }
0x78: {  	_ =	shalt  }
0x79: {  	_ =	shalt  }
0x7a: {  	_ =	shalt  }
0x7b: {  	_ =	shalt  }
0x7c: {  	_ =	shalt  }
0x7d: {  	_ =	shalt  }
0x7e: {  	_ =	shalt  }
0x7f: {  	_ =	shalt  }
0x80: {  	_ =	shalt  }
0x81: {  	_ =	shalt  }
0x82: {  	_ =	shalt  }
0x83: {  	_ =	shalt  }
0x84: {  	_ =	shalt  }
0x85: {  	_ =	shalt  }
0x86: {  	_ =	shalt  }
0x87: {  	_ =	shalt  }
.Lfunc_end0:
.L_simem_size_0:
called_computation.1_lowered:
.L_overlay_start_0:
0x88: {  	s2 =	sld [smem:$0x3FD9]  }
0x89: {  	s3 =	sld [smem:$0x3FFE];
	_ =	sdelay $0x1  }
0x8a: {  	s1 =	srdreg.scid  }
0x8b: {  	s0 =	sand.u32 $0x1, s1  }
0x8c: {  	s17 =	sshll.u32 s0, $0xA;
	s2 =	sadd.s32 s3, s2  }
0x8d: {  	s2 =	sadd.s32 s2, s17  }
0x8e: {  	[smem:$0x3FBF] =	sst s2  }
0x8f: {  	_ = 	snop  }
0x90: {  	s2 =	sld [smem:$0x3FD0];
	(tm) =	ssettm $0x1  }
0x91: {  	s18 =	sld [smem:$0x3FFB];
	_ =	sdelay $0x3  }
0x92: {  	_ =	strace s18  }
0x93: {  	s3 =	sld [smem:$0x3FFC];
	_ =	sdelay $0x3  }
0x94: {  	_ =	strace s3  }
0x95: {  	s3 =	sld [smem:$0x3FFD];
	_ =	sdelay $0x3  }
0x96: {  	_ =	strace s3  }
0x97: {  	_ =	strace $0x8FFFFFFF  }
0x98: {  	s19 =	sld [smem:$0x3FDB];
	_ =	sdelay $0x1  }
0x99: {  	s4 =	simm.s32 $_scs_section_size  }
0x9a: {  	s5 =	simm.s32 $_size__tile_overlayer_lowered;
	s6 =	simm.s32 $_tile_overlayer_lowered  }
0x9b: {  	s22 =	simm.s32 $0x1BFF;
	s21 =	sshll.u32 s6, $0x1;
	s3 =	sadd.s32 s4, s19  }
0x9c: {  	s7 =	simm.s32 $0x0;
	s20 =	sshll.u32 s5, $0x1;
	s5 =	sadd.s32 s21, s3  }
0x9d: {  	[timem:s7], [sflag:s22] =	dma.local [hbm:s5], s20  }
0x9e: {  	_ =	swait.ge [sflag:s22], s20  }
0x9f: {  	s4 =	ssub.s32 $0x0, s20;
	[sflag:s22] =	ssyncset.done $0x0  }
0xa0: {  	[sflag:s22] =	ssyncadd.s32 s4;
	_ =	sdelay $0x1  }
0xa1: {  	s23 =	simm.s32 $0x1B8B  }
0xa2: {  	_ =	swait.ge [sflag:s23], $0x1  }
0xa3: {  	[sflag:s23] =	ssyncset.done $0x0  }
0xa4: {  	s25 =	simm.s32 $0x1B8E;
	s24 =	sld [smem:$0x3FFE];
	[sflag:s23] =	ssyncadd.s32 $0xFFFFFFFF  }
0xa5: {  	s26 =	simm.s32 $execute0_lowered;
	[smem:$0x3FD2] =	sst s25  }
0xa6: {  	s5 =	sshll.u32 s26, $0x1;
	_ =	strace $0x80000049;
	[dreg:$0x1] =	wrdreg $0xFFFFFFFF  }
0xa7: {  	s28 =	simm.s32 $_size_execute0_lowered;
	s3 =	sadd.s32 s3, s5;
	[dreg:$0x0] =	wrdreg $0x0  }
0xa8: {  	s5 =	sshll.u32 s28, $0x1;
	[dreg:$0x2] =	wrdreg s3  }
0xa9: {  	[dreg:$0x3] =	wrdreg s5  }
0xaa: {  	[dreg:$0x4] =	wrdreg $0xC0  }
0xab: {  	_ =	task [dreg:s7], $0x5FFFF  }
0xac: {  	[dreg:$0x1] =	wrdreg $0xFFFFFFFF  }
0xad: {  	[dreg:$0x0] =	wrdreg $0x60  }
0xae: {  	[dreg:$0x2] =	wrdreg s24  }
0xaf: {  	[dreg:$0x3] =	wrdreg s2  }
0xb0: {  	[dreg:$0x4] =	wrdreg $0x9  }
0xb1: {  	_ =	task.clear_ibuf [dreg:s7], $0x5FFFF;
	_ =	strace $0x90000049  }
0xb2: {  	s29 =	simm.s32 $0x9;
	_ =	strace $0x8000004B  }
0xb3: {  	_ =	swait.ge [sflag:s29], $0x1  }
0xb4: {  	[sflag:s29] =	ssyncadd.s32 $0xFFFFFFFF  }
0xb5: {  	_ =	strace $0x9000004B  }
0xb6: {  	_ =	sfence  }
0xb7: {  	s30 =	sld [smem:$0x0];
	_ =	sdelay $0x2  }
0xb8: {  	s31 =	sshll.u32 s1, $0xD;
	s1 =	sshrl.u32 s1, $0x2  }
0xb9: {  	s3 =	sand.u32 $0x4000, s31;
	s1 =	sadd.s32 s1, s30  }
0xba: {  	s0 =	sor.u32 s3, s0;
	s1 =	sshll.u32 s1, $0x11  }
0xbb: {  	s0 =	sor.u32 s1, s0  }
0xbc: {  	s0 =	sadd.s32 $0x8F2B, s0  }
0xbd: {  	[sflag:s0] =	ssyncadd.remote.s32 $0x1  }
0xbe: {  	_ =	sfence.sel $0xFFFF  }
0xbf: {  	[dreg:$0x0] =	wrdreg $0xFFFFFFFF;
	(pc) =	sbr.abs _section_cstart, $3  }
0xc0: {  	[dreg:$0x1] =	wrdreg $0xFFFFFFFF  }
0xc1: {  	_ =	task.clear_ibuf [dreg:s7], $0x2FFFF;
	_ =	strace $0x9FFFFFFF  }
0xc2: {  	(tm) =	ssettm $0x7FFFFFFF  }
0xc3: {  	_ =	shalt  }
tec
execute0_lowered:
.L_overlay_start_1:
0x0: {  	(tag) =	ssettag $0x1  }
0x1: {  	s0 =	srdreg.scid  }
0x2: {  	s3 =	stileid.u32;
	s1 =	sand.u32 $0x1, s0  }
0x3: {  	s14 =	rddreg [dreg:$0x0];
	s3 =	sshll.u32 s3, $0x6;
	s2 =	sshll.u32 s1, $0xA  }
0x4: {  	s4 =	rddreg [dreg:$0x1];
	s3 =	sor.u32 s3, s2;
	s2 =	simm.s32 $0x0  }
0x5: {  	s17 =	simm.s32 $0x8A80;
	[smem:$0x7FF] =	sst s2  }
0x6: {  	s18 =	simm.s32 $0x9280;
	_ =	strace $0x8000004A;
	[dreg:$0x7] =	wrdreg s17  }
0x7: {  	s19 =	simm.s32 $0x9A80;
	[dreg:$0x8] =	wrdreg s18  }
0x8: {  	s20 =	simm.s32 $0xA280;
	[dreg:$0x9] =	wrdreg s19  }
0x9: {  	s21 =	simm.s32 $0xAA80;
	[dreg:$0xa] =	wrdreg s20  }
0xa: {  	s22 =	simm.s32 $0xB280;
	[dreg:$0xb] =	wrdreg s21  }
0xb: {  	s23 =	simm.s32 $0xBA80;
	s24 =	simm.s32 $0xC280;
	[dreg:$0xc] =	wrdreg s22  }
0xc: {  	s25 =	simm.s32 $0xCA80;
	s6 =	simm.s32 $0xD280;
	[dreg:$0xd] =	wrdreg s23  }
0xd: {  	s7 =	simm.s32 $0xDA80;
	s8 =	simm.s32 $0xE280;
	[dreg:$0xe] =	wrdreg s24  }
0xe: {  	s9 =	simm.s32 $0xEA80;
	s10 =	simm.s32 $0xF280;
	[dreg:$0xf] =	wrdreg s25  }
0xf: {  	s11 =	simm.s32 $0xFA80;
	s12 =	simm.s32 $0x10A80;
	[dreg:$0x10] =	wrdreg s6  }
0x10: {  	s13 =	simm.s32 $0x11280;
	s28 =	simm.s32 $0x3A80;
	[dreg:$0x11] =	wrdreg s7  }
0x11: {  	s29 =	simm.s32 $0x4280;
	s30 =	simm.s32 $0x4A80;
	[dreg:$0x12] =	wrdreg s8  }
0x12: {  	s31 =	simm.s32 $0x5280;
	s1 =	ssub.s32 $0x2, s1;
	[dreg:$0x13] =	wrdreg s9  }
0x13: {  	s26 =	sshrl.u32 s1, $0x1;
	s5 =	sshrl.u32 s3, $0x3;
	[dreg:$0x14] =	wrdreg s10  }
0x14: {  	s3 =	sshll.u32 s3, $0x8;
	s1 =	ssub.s32 s1, s26;
	[dreg:$0x15] =	wrdreg s11  }
0x15: {  	s26 =	simm.s32 $0x17A80;
	s5 =	sadd.s32 s5, s14;
	[dreg:$0x16] =	wrdreg s12  }
0x16: {  	s4 =	sadd.s32 s4, s3;
	s6 =	sadd.s32 $0x42200, s14;
	[dreg:$0x17] =	wrdreg s13  }
0x17: {  	s7 =	sadd.s32 $0x42300, s14;
	s8 =	sadd.s32 $0x42400, s14;
	[smem:$0x7FD] =	sst s26  }
0x18: {  	s9 =	sadd.s32 $0x42500, s14;
	s17 =	simm.s32 $0x13280;
	[smem:$0x7F8] =	sst s4  }
0x19: {  	s10 =	sadd.s32 $0x42600, s14;
	s18 =	simm.s32 $0x13A80;
	[dreg:$0x1b] =	wrdreg s17  }
0x1a: {  	s11 =	sadd.s32 $0x42700, s14;
	s19 =	simm.s32 $0x14280;
	[dreg:$0x1c] =	wrdreg s18  }
0x1b: {  	s12 =	smax.u32 s1, $0x1;
	s20 =	simm.s32 $0x14A80;
	[dreg:$0x1d] =	wrdreg s19  }
0x1c: {  	s21 =	simm.s32 $0x15280;
	s22 =	simm.s32 $0x15A80;
	[dreg:$0x1e] =	wrdreg s20  }
0x1d: {  	s23 =	simm.s32 $0x16280;
	s24 =	simm.s32 $0x16A80;
	[dreg:$0x1f] =	wrdreg s21  }
0x1e: {  	s25 =	simm.s32 $0x17280;
	s13 =	simm.s32 $0x1;
	[smem:$0x7F9] =	sst s22  }
0x1f: {  	s26 =	simm.s32 $0x3280;
	s5 =	sadd.s32 $0x41C00, s5;
	[smem:$0x7FA] =	sst s23  }
0x20: {  	s3 =	sadd.s32 $0x1000, s4;
	s15 =	sadd.s32 $0x2000, s4;
	[smem:$0x7FB] =	sst s24  }
0x21: {  	s16 =	sadd.s32 $0x3000, s4;
	s4 =	sadd.s32 $0x42000, s14;
	[smem:$0x7FC] =	sst s25  }
0x22: {  	s21 =	simm.s32 $0xA80;
	s22 =	simm.s32 $0x1280;
	[dreg:$0x3] =	wrdreg s5  }
0x23: {  	s23 =	simm.s32 $0x1A80;
	s24 =	simm.s32 $0x2280;
	[dreg:$0x4] =	wrdreg s3  }
0x24: {  	s25 =	simm.s32 $0x2A80;
	s17 =	simm.s32 $0x7A80;
	[dreg:$0x5] =	wrdreg s15  }
0x25: {  	[dreg:$0x6] =	wrdreg s16;
	s5 =	sadd.s32 $0x42100, s14;
	s14 =	simm.s32 $0x11A80  }
0x26: {  	v2 =	vlaneseq.u32;
	s18 =	simm.s32 $0x8280;
	s15 =	simm.s32 $0x12280;
	[dreg:$0x18] =	wrdreg s14  }
0x27: {  	vm0 =	vmmov $0xffff;
	v1 =	vshrl.u32 v2, $0x3;
	s16 =	simm.s32 $0x12A80;
	s3 =	simm.s32 $0x4;
	[dreg:$0x19] =	wrdreg s15  }
0x28: {  	v0 =	vand.u32 $0x7, v2;
	v2 =	vor.u32 $0x8, v2;
	v1 =	vmul.u32 $0x8, v1;
	[dreg:$0x1a] =	wrdreg s16;
	s15 =	simm.s32 $0x6A80;
	s16 =	simm.s32 $0x7280  }
.LBB2_1:
0x29: {  	s19 =	rddreg [dreg:$0x3];
	s1 =	simm.s32 $0x7  }
0x2a: {  	[tilespmem:s2], [sflag:$0x7] =	stream.linear.gather [hbm4b:s19+s2], $0x40, $0x38;
	[tilespmem:$0x18280] =	vst v63  }
0x2b: {  	_ =	swait.ge [sflag:s1], $0x40  }
0x2c: {  	[sflag:s1] =	ssyncset.done $0x0  }
0x2d: {  	[sflag:s1] =	ssyncadd.s32 $0xFFFFFFC0  }
0x2e: {  	v3 =	vld [tilespmem:$0x0];
	_ =	sdelay $0x4  }
0x2f: {  	v4 =	vshll.u32 v3, $0x4  }
0x30: {  	v5 =	vand.u32 $0x7, v3;
	v4 =	vand.u32 $0xFFFFFF80, v4  }
0x31: {  	v6 =	vld [tilespmem:$0x10];
	v4 =	vor.u32 v5, v4  }
0x32: {  	v60 =	vld [tilespmem:$0x20];
	v7 =	vperm.xlane v4, v0  }
0x33: {  	v8 =	vld [tilespmem:$0x30]  }
0x34: {  	v7 =	vadd.s32 v1, v7  }
0x35: {  	[tilespmem:$0x80] =	vst v3  }
0x36: {  	[tilespmem:$0x100] =	vst v6  }
0x37: {  	[tilespmem:$0x180] =	vst v60  }
0x38: {  	s0 =	simm.s32 $0x280;
	[tilespmem:$0x200] =	vst v8  }
0x39: {  	[tilespmem:s0], [sflag:$0x1] =	stream.indirect_vreg.gather [hbm4b:s4+s2], $0x80, v7, vm0, $0xb8;
	[tilespmem:$0x18280] =	vst v63  }
0x3a: {  	_ = 	snop  }
0x3b: {  	[tilespmem:s21], [sflag:$0x1] =	stream.indirect_vreg.gather [hbm4b:s5+s2], $0x80, v7, vm0, $0xb8;
	[tilespmem:$0x18280] =	vst v63  }
0x3c: {  	_ = 	snop  }
0x3d: {  	[tilespmem:s22], [sflag:$0x1] =	stream.indirect_vreg.gather [hbm4b:s6+s2], $0x80, v7, vm0, $0xb8;
	[tilespmem:$0x18280] =	vst v63  }
0x3e: {  	_ = 	snop  }
0x3f: {  	[tilespmem:s23], [sflag:$0x1] =	stream.indirect_vreg.gather [hbm4b:s7+s2], $0x80, v7, vm0, $0xb8;
	[tilespmem:$0x18280] =	vst v63  }
0x40: {  	_ = 	snop  }
0x41: {  	[tilespmem:s24], [sflag:$0x1] =	stream.indirect_vreg.gather [hbm4b:s8+s2], $0x80, v7, vm0, $0xb8;
	[tilespmem:$0x18280] =	vst v63  }
0x42: {  	v3 =	vperm.xlane v4, v2  }
0x43: {  	[tilespmem:s25], [sflag:$0x1] =	stream.indirect_vreg.gather [hbm4b:s9+s2], $0x80, v7, vm0, $0xb8;
	[tilespmem:$0x18280] =	vst v63  }
0x44: {  	v3 =	vadd.s32 v1, v3  }
0x45: {  	[tilespmem:s26], [sflag:$0x1] =	stream.indirect_vreg.gather [hbm4b:s10+s2], $0x80, v7, vm0, $0xb8;
	[tilespmem:$0x18280] =	vst v63  }
0x46: {  	_ = 	snop  }
0x47: {  	[tilespmem:s28], [sflag:$0x1] =	stream.indirect_vreg.gather [hbm4b:s11+s2], $0x80, v7, vm0, $0xb8;
	[tilespmem:$0x18280] =	vst v63  }
0x48: {  	_ = 	snop  }
0x49: {  	[tilespmem:s29], [sflag:$0x1] =	stream.indirect_vreg.gather [hbm4b:s4+s2], $0x80, v3, vm0, $0xb8;
	[tilespmem:$0x18280] =	vst v63  }
0x4a: {  	_ = 	snop  }
0x4b: {  	[tilespmem:s30], [sflag:$0x1] =	stream.indirect_vreg.gather [hbm4b:s5+s2], $0x80, v3, vm0, $0xb8;
	[tilespmem:$0x18280] =	vst v63  }
0x4c: {  	_ = 	snop  }
0x4d: {  	[tilespmem:s31], [sflag:$0x1] =	stream.indirect_vreg.gather [hbm4b:s6+s2], $0x80, v3, vm0, $0xb8;
	[tilespmem:$0x18280] =	vst v63  }
0x4e: {  	s1 =	simm.s32 $0x5A80  }
0x4f: {  	[tilespmem:s1], [sflag:$0x1] =	stream.indirect_vreg.gather [hbm4b:s7+s2], $0x80, v3, vm0, $0xb8;
	[tilespmem:$0x18280] =	vst v63  }
0x50: {  	s14 =	simm.s32 $0x6280  }
0x51: {  	[tilespmem:s14], [sflag:$0x1] =	stream.indirect_vreg.gather [hbm4b:s8+s2], $0x80, v3, vm0, $0xb8;
	[tilespmem:$0x18280] =	vst v63  }
0x52: {  	_ = 	snop  }
0x53: {  	[tilespmem:s15], [sflag:$0x1] =	stream.indirect_vreg.gather [hbm4b:s9+s2], $0x80, v3, vm0, $0xb8;
	[tilespmem:$0x18280] =	vst v63  }
0x54: {  	_ = 	snop  }
0x55: {  	[tilespmem:s16], [sflag:$0x1] =	stream.indirect_vreg.gather [hbm4b:s10+s2], $0x80, v3, vm0, $0xb8;
	[tilespmem:$0x18280] =	vst v63  }
0x56: {  	_ = 	snop  }
0x57: {  	[tilespmem:s17], [sflag:$0x1] =	stream.indirect_vreg.gather [hbm4b:s11+s2], $0x80, v3, vm0, $0xb8;
	[tilespmem:$0x18280] =	vst v63  }
0x58: {  	v3 =	vld [tilespmem:$0x100];
	_ =	sdelay $0x4  }
0x59: {  	v61 =	vshll.u32 v3, $0x4  }
0x5a: {  	v3 =	vand.u32 $0x7, v3;
	v4 =	vand.u32 $0xFFFFFF80, v61  }
0x5b: {  	v3 =	vor.u32 v3, v4  }
0x5c: {  	v4 =	vperm.xlane v3, v0;
	_ =	sdelay $0x1  }
0x5d: {  	v4 =	vadd.s32 v1, v4;
	_ =	sdelay $0x4  }
0x5e: {  	[tilespmem:s18], [sflag:$0x2] =	stream.indirect_vreg.gather [hbm4b:s4+s2], $0x80, v4, vm0, $0xb8;
	[tilespmem:$0x18280] =	vst v63  }
0x5f: {  	s14 =	rddreg [dreg:$0x7]  }
0x60: {  	[tilespmem:s14], [sflag:$0x2] =	stream.indirect_vreg.gather [hbm4b:s5+s2], $0x80, v4, vm0, $0xb8;
	[tilespmem:$0x18280] =	vst v63  }
0x61: {  	s20 =	rddreg [dreg:$0x8]  }
0x62: {  	[tilespmem:s20], [sflag:$0x2] =	stream.indirect_vreg.gather [hbm4b:s6+s2], $0x80, v4, vm0, $0xb8;
	[tilespmem:$0x18280] =	vst v63  }
0x63: {  	s14 =	rddreg [dreg:$0x9]  }
0x64: {  	[tilespmem:s14], [sflag:$0x2] =	stream.indirect_vreg.gather [hbm4b:s7+s2], $0x80, v4, vm0, $0xb8;
	[tilespmem:$0x18280] =	vst v63  }
0x65: {  	s20 =	rddreg [dreg:$0xa]  }
0x66: {  	[tilespmem:s20], [sflag:$0x2] =	stream.indirect_vreg.gather [hbm4b:s8+s2], $0x80, v4, vm0, $0xb8;
	[tilespmem:$0x18280] =	vst v63  }
0x67: {  	v3 =	vperm.xlane v3, v2;
	s14 =	rddreg [dreg:$0xb]  }
0x68: {  	[tilespmem:s14], [sflag:$0x2] =	stream.indirect_vreg.gather [hbm4b:s9+s2], $0x80, v4, vm0, $0xb8;
	[tilespmem:$0x18280] =	vst v63  }
0x69: {  	v3 =	vadd.s32 v1, v3;
	s20 =	rddreg [dreg:$0xc]  }
0x6a: {  	[tilespmem:s20], [sflag:$0x2] =	stream.indirect_vreg.gather [hbm4b:s10+s2], $0x80, v4, vm0, $0xb8;
	[tilespmem:$0x18280] =	vst v63  }
0x6b: {  	s14 =	rddreg [dreg:$0xd]  }
0x6c: {  	[tilespmem:s14], [sflag:$0x2] =	stream.indirect_vreg.gather [hbm4b:s11+s2], $0x80, v4, vm0, $0xb8;
	[tilespmem:$0x18280] =	vst v63  }
0x6d: {  	s20 =	rddreg [dreg:$0xe]  }
0x6e: {  	[tilespmem:s20], [sflag:$0x2] =	stream.indirect_vreg.gather [hbm4b:s4+s2], $0x80, v3, vm0, $0xb8;
	[tilespmem:$0x18280] =	vst v63  }
0x6f: {  	s14 =	rddreg [dreg:$0xf]  }
0x70: {  	[tilespmem:s14], [sflag:$0x2] =	stream.indirect_vreg.gather [hbm4b:s5+s2], $0x80, v3, vm0, $0xb8;
	[tilespmem:$0x18280] =	vst v63  }
0x71: {  	s20 =	rddreg [dreg:$0x10]  }
0x72: {  	[tilespmem:s20], [sflag:$0x2] =	stream.indirect_vreg.gather [hbm4b:s6+s2], $0x80, v3, vm0, $0xb8;
	[tilespmem:$0x18280] =	vst v63  }
0x73: {  	s14 =	rddreg [dreg:$0x11]  }
0x74: {  	[tilespmem:s14], [sflag:$0x2] =	stream.indirect_vreg.gather [hbm4b:s7+s2], $0x80, v3, vm0, $0xb8;
	[tilespmem:$0x18280] =	vst v63  }
0x75: {  	s20 =	rddreg [dreg:$0x12]  }
0x76: {  	[tilespmem:s20], [sflag:$0x2] =	stream.indirect_vreg.gather [hbm4b:s8+s2], $0x80, v3, vm0, $0xb8;
	[tilespmem:$0x18280] =	vst v63  }
0x77: {  	s14 =	rddreg [dreg:$0x13]  }
0x78: {  	[tilespmem:s14], [sflag:$0x2] =	stream.indirect_vreg.gather [hbm4b:s9+s2], $0x80, v3, vm0, $0xb8;
	[tilespmem:$0x18280] =	vst v63  }
0x79: {  	s20 =	rddreg [dreg:$0x14]  }
0x7a: {  	[tilespmem:s20], [sflag:$0x2] =	stream.indirect_vreg.gather [hbm4b:s10+s2], $0x80, v3, vm0, $0xb8;
	[tilespmem:$0x18280] =	vst v63  }
0x7b: {  	s14 =	rddreg [dreg:$0x15]  }
0x7c: {  	[tilespmem:s14], [sflag:$0x2] =	stream.indirect_vreg.gather [hbm4b:s11+s2], $0x80, v3, vm0, $0xb8;
	[tilespmem:$0x18280] =	vst v63  }
0x7d: {  	v3 =	vld [tilespmem:$0x180];
	_ =	sdelay $0x4  }
0x7e: {  	v62 =	vshll.u32 v3, $0x4  }
0x7f: {  	v3 =	vand.u32 $0x7, v3;
	v4 =	vand.u32 $0xFFFFFF80, v62  }
0x80: {  	v3 =	vor.u32 v3, v4  }
0x81: {  	v4 =	vperm.xlane v3, v0;
	_ =	sdelay $0x1  }
0x82: {  	v4 =	vadd.s32 v1, v4;
	_ =	sdelay $0x3  }
0x83: {  	s19 =	rddreg [dreg:$0x16];
	s14 =	simm.s32 $0x10280  }
0x84: {  	[tilespmem:s14], [sflag:$0x3] =	stream.indirect_vreg.gather [hbm4b:s4+s2], $0x80, v4, vm0, $0xb8;
	[tilespmem:$0x18280] =	vst v63  }
0x85: {  	s20 =	rddreg [dreg:$0x17]  }
0x86: {  	[tilespmem:s19], [sflag:$0x3] =	stream.indirect_vreg.gather [hbm4b:s5+s2], $0x80, v4, vm0, $0xb8;
	[tilespmem:$0x18280] =	vst v63  }
0x87: {  	s19 =	rddreg [dreg:$0x18]  }
0x88: {  	[tilespmem:s20], [sflag:$0x3] =	stream.indirect_vreg.gather [hbm4b:s6+s2], $0x80, v4, vm0, $0xb8;
	[tilespmem:$0x18280] =	vst v63  }
0x89: {  	s20 =	rddreg [dreg:$0x19]  }
0x8a: {  	[tilespmem:s19], [sflag:$0x3] =	stream.indirect_vreg.gather [hbm4b:s7+s2], $0x80, v4, vm0, $0xb8;
	[tilespmem:$0x18280] =	vst v63  }
0x8b: {  	s19 =	rddreg [dreg:$0x1a]  }
0x8c: {  	[tilespmem:s20], [sflag:$0x3] =	stream.indirect_vreg.gather [hbm4b:s8+s2], $0x80, v4, vm0, $0xb8;
	[tilespmem:$0x18280] =	vst v63  }
0x8d: {  	v3 =	vperm.xlane v3, v2;
	s20 =	rddreg [dreg:$0x1b]  }
0x8e: {  	[tilespmem:s19], [sflag:$0x3] =	stream.indirect_vreg.gather [hbm4b:s9+s2], $0x80, v4, vm0, $0xb8;
	[tilespmem:$0x18280] =	vst v63  }
0x8f: {  	v3 =	vadd.s32 v1, v3;
	s19 =	rddreg [dreg:$0x1c]  }
0x90: {  	[tilespmem:s20], [sflag:$0x3] =	stream.indirect_vreg.gather [hbm4b:s10+s2], $0x80, v4, vm0, $0xb8;
	[tilespmem:$0x18280] =	vst v63  }
0x91: {  	s20 =	rddreg [dreg:$0x1d]  }
0x92: {  	[tilespmem:s19], [sflag:$0x3] =	stream.indirect_vreg.gather [hbm4b:s11+s2], $0x80, v4, vm0, $0xb8;
	[tilespmem:$0x18280] =	vst v63  }
0x93: {  	s19 =	rddreg [dreg:$0x1e]  }
0x94: {  	[tilespmem:s20], [sflag:$0x3] =	stream.indirect_vreg.gather [hbm4b:s4+s2], $0x80, v3, vm0, $0xb8;
	[tilespmem:$0x18280] =	vst v63  }
0x95: {  	s20 =	rddreg [dreg:$0x1f]  }
0x96: {  	[tilespmem:s19], [sflag:$0x3] =	stream.indirect_vreg.gather [hbm4b:s5+s2], $0x80, v3, vm0, $0xb8;
	[tilespmem:$0x18280] =	vst v63  }
0x97: {  	s19 =	sld [smem:$0x7F9]  }
0x98: {  	[tilespmem:s20], [sflag:$0x3] =	stream.indirect_vreg.gather [hbm4b:s6+s2], $0x80, v3, vm0, $0xb8;
	[tilespmem:$0x18280] =	vst v63  }
0x99: {  	s20 =	sld [smem:$0x7FA]  }
0x9a: {  	[tilespmem:s19], [sflag:$0x3] =	stream.indirect_vreg.gather [hbm4b:s7+s2], $0x80, v3, vm0, $0xb8;
	[tilespmem:$0x18280] =	vst v63  }
0x9b: {  	s19 =	sld [smem:$0x7FB]  }
0x9c: {  	[tilespmem:s20], [sflag:$0x3] =	stream.indirect_vreg.gather [hbm4b:s8+s2], $0x80, v3, vm0, $0xb8;
	[tilespmem:$0x18280] =	vst v63  }
0x9d: {  	s20 =	sld [smem:$0x7FC]  }
0x9e: {  	[tilespmem:s19], [sflag:$0x3] =	stream.indirect_vreg.gather [hbm4b:s9+s2], $0x80, v3, vm0, $0xb8;
	[tilespmem:$0x18280] =	vst v63  }
0x9f: {  	s19 =	sld [smem:$0x7FD]  }
0xa0: {  	[tilespmem:s20], [sflag:$0x3] =	stream.indirect_vreg.gather [hbm4b:s10+s2], $0x80, v3, vm0, $0xb8;
	[tilespmem:$0x18280] =	vst v63  }
0xa1: {  	_ = 	snop  }
0xa2: {  	[tilespmem:s19], [sflag:$0x3] =	stream.indirect_vreg.gather [hbm4b:s11+s2], $0x80, v3, vm0, $0xb8;
	[tilespmem:$0x18280] =	vst v63  }
0xa3: {  	_ =	swait.ge [sflag:s13], $0x8000  }
0xa4: {  	s20 =	sld [smem:$0x7F8]  }
0xa5: {  	[sflag:s13] =	ssyncset.done $0x0  }
0xa6: {  	[sflag:s13] =	ssyncadd.s32 $0xFFFF8000  }
0xa7: {  	[hbm4b:s20+s2] =	stream.linear.scatter [tilespmem:s0], [sflag:$0x4], $0x8000, $0x38;
	[tilespmem:$0x18280] =	vst v63  }
0xa8: {  	_ =	swait.ge [sflag:s3], $0x8000  }
0xa9: {  	[sflag:s3] =	ssyncset.done $0x0  }
0xaa: {  	[sflag:s3] =	ssyncadd.s32 $0xFFFF8000  }
0xab: {  	v3 =	vld [tilespmem:$0x200];
	_ =	sdelay $0x4  }
0xac: {  	v63 =	vshll.u32 v3, $0x4  }
0xad: {  	v3 =	vand.u32 $0x7, v3;
	v4 =	vand.u32 $0xFFFFFF80, v63  }
0xae: {  	v3 =	vor.u32 v3, v4  }
0xaf: {  	v4 =	vperm.xlane v3, v0;
	_ =	sdelay $0x1  }
0xb0: {  	v4 =	vadd.s32 v1, v4;
	_ =	sdelay $0x4  }
0xb1: {  	[tilespmem:s0], [sflag:$0x1] =	stream.indirect_vreg.gather [hbm4b:s4+s2], $0x80, v4, vm0, $0xb8;
	[tilespmem:$0x18280] =	vst v63  }
0xb2: {  	_ = 	snop  }
0xb3: {  	[tilespmem:s21], [sflag:$0x1] =	stream.indirect_vreg.gather [hbm4b:s5+s2], $0x80, v4, vm0, $0xb8;
	[tilespmem:$0x18280] =	vst v63  }
0xb4: {  	_ = 	snop  }
0xb5: {  	[tilespmem:s22], [sflag:$0x1] =	stream.indirect_vreg.gather [hbm4b:s6+s2], $0x80, v4, vm0, $0xb8;
	[tilespmem:$0x18280] =	vst v63  }
0xb6: {  	_ = 	snop  }
0xb7: {  	[tilespmem:s23], [sflag:$0x1] =	stream.indirect_vreg.gather [hbm4b:s7+s2], $0x80, v4, vm0, $0xb8;
	[tilespmem:$0x18280] =	vst v63  }
0xb8: {  	_ = 	snop  }
0xb9: {  	[tilespmem:s24], [sflag:$0x1] =	stream.indirect_vreg.gather [hbm4b:s8+s2], $0x80, v4, vm0, $0xb8;
	[tilespmem:$0x18280] =	vst v63  }
0xba: {  	v3 =	vperm.xlane v3, v2  }
0xbb: {  	[tilespmem:s25], [sflag:$0x1] =	stream.indirect_vreg.gather [hbm4b:s9+s2], $0x80, v4, vm0, $0xb8;
	[tilespmem:$0x18280] =	vst v63  }
0xbc: {  	v3 =	vadd.s32 v1, v3  }
0xbd: {  	[tilespmem:s26], [sflag:$0x1] =	stream.indirect_vreg.gather [hbm4b:s10+s2], $0x80, v4, vm0, $0xb8;
	[tilespmem:$0x18280] =	vst v63  }
0xbe: {  	_ = 	snop  }
0xbf: {  	[tilespmem:s28], [sflag:$0x1] =	stream.indirect_vreg.gather [hbm4b:s11+s2], $0x80, v4, vm0, $0xb8;
	[tilespmem:$0x18280] =	vst v63  }
0xc0: {  	_ = 	snop  }
0xc1: {  	[tilespmem:s29], [sflag:$0x1] =	stream.indirect_vreg.gather [hbm4b:s4+s2], $0x80, v3, vm0, $0xb8;
	[tilespmem:$0x18280] =	vst v63  }
0xc2: {  	_ = 	snop  }
0xc3: {  	[tilespmem:s30], [sflag:$0x1] =	stream.indirect_vreg.gather [hbm4b:s5+s2], $0x80, v3, vm0, $0xb8;
	[tilespmem:$0x18280] =	vst v63  }
0xc4: {  	_ = 	snop  }
0xc5: {  	[tilespmem:s31], [sflag:$0x1] =	stream.indirect_vreg.gather [hbm4b:s6+s2], $0x80, v3, vm0, $0xb8;
	[tilespmem:$0x18280] =	vst v63  }
0xc6: {  	_ = 	snop  }
0xc7: {  	[tilespmem:s1], [sflag:$0x1] =	stream.indirect_vreg.gather [hbm4b:s7+s2], $0x80, v3, vm0, $0xb8;
	[tilespmem:$0x18280] =	vst v63  }
0xc8: {  	s20 =	simm.s32 $0x6280  }
0xc9: {  	[tilespmem:s20], [sflag:$0x1] =	stream.indirect_vreg.gather [hbm4b:s8+s2], $0x80, v3, vm0, $0xb8;
	[tilespmem:$0x18280] =	vst v63  }
0xca: {  	_ = 	snop  }
0xcb: {  	[tilespmem:s15], [sflag:$0x1] =	stream.indirect_vreg.gather [hbm4b:s9+s2], $0x80, v3, vm0, $0xb8;
	[tilespmem:$0x18280] =	vst v63  }
0xcc: {  	_ = 	snop  }
0xcd: {  	[tilespmem:s16], [sflag:$0x1] =	stream.indirect_vreg.gather [hbm4b:s10+s2], $0x80, v3, vm0, $0xb8;
	[tilespmem:$0x18280] =	vst v63  }
0xce: {  	s19 =	simm.s32 $0x2  }
0xcf: {  	[tilespmem:s17], [sflag:$0x1] =	stream.indirect_vreg.gather [hbm4b:s11+s2], $0x80, v3, vm0, $0xb8;
	[tilespmem:$0x18280] =	vst v63  }
0xd0: {  	_ =	swait.ge [sflag:s19], $0x8000  }
0xd1: {  	[sflag:s19] =	ssyncset.done $0x0  }
0xd2: {  	s20 =	rddreg [dreg:$0x4];
	[sflag:s19] =	ssyncadd.s32 $0xFFFF8000;
	s19 =	simm.s32 $0x3  }
0xd3: {  	[hbm4b:s20+s2] =	stream.linear.scatter [tilespmem:s18], [sflag:$0x5], $0x8000, $0x38;
	[tilespmem:$0x18280] =	vst v63  }
0xd4: {  	_ =	swait.ge [sflag:s19], $0x8000  }
0xd5: {  	[sflag:s19] =	ssyncset.done $0x0  }
0xd6: {  	s20 =	rddreg [dreg:$0x5];
	[sflag:s19] =	ssyncadd.s32 $0xFFFF8000  }
0xd7: {  	[hbm4b:s20+s2] =	stream.linear.scatter [tilespmem:s14], [sflag:$0x6], $0x8000, $0x38;
	[tilespmem:$0x18280] =	vst v63  }
0xd8: {  	_ =	swait.ge [sflag:s13], $0x8000  }
0xd9: {  	[sflag:s13] =	ssyncset.done $0x0  }
0xda: {  	s19 =	simm.s32 $0x5;
	s14 =	rddreg [dreg:$0x6];
	[sflag:s13] =	ssyncadd.s32 $0xFFFF8000  }
0xdb: {  	[hbm4b:s14+s2] =	stream.linear.scatter [tilespmem:s0], [sflag:$0x4], $0x8000, $0x38;
	[tilespmem:$0x18280] =	vst v63  }
0xdc: {  	_ =	swait.ge [sflag:s19], $0x8000  }
0xdd: {  	[sflag:s19] =	ssyncset.done $0x0  }
0xde: {  	s20 =	simm.s32 $0x6;
	[sflag:s19] =	ssyncadd.s32 $0xFFFF8000  }
0xdf: {  	p0 =	sne.s32 s12, $0x1;
	_ =	swait.ge [sflag:s20], $0x8000  }
.Ltmp0:
0xe0: {  	[sflag:s20] =	ssyncset.done $0x0;
	(pc) =	sbr.rel @p0 .LBB2_1-.Ltmp0, $4  }
0xe1: {  	[sflag:s20] =	ssyncadd.s32 $0xFFFF8000  }
0xe2: {  	_ =	swait.ge [sflag:s3], $0x8000  }
0xe3: {  	[sflag:s3] =	ssyncset.done $0x0  }
0xe4: {  	s12 =	sadd.s32 $0xFFFFFFFF, s12;
	[sflag:s3] =	ssyncadd.s32 $0xFFFF8000  }
0xe5: {  	_ =	sfence.sel $0x180000  }
0xe6: {  	[bflag:$0x0] =	sbarrier.arrive $0xFFFF  }
0xe7: {  	_ =	strace $0x9000004A  }
0xe8: {  	s0 =	stileid.u32;
	[bflag:$0x2] =	sbarrier.arrive $0xFFFF  }
0xe9: {  	p0 =	sne.s32 s0, $0x0;
	s0 =	rddreg [dreg:$0x2]  }
0xea: {  	s0 =	sadd.s32 @!p0 $0x100000, s0  }
0xeb: {  	[sflag:s0] =	ssyncadd.tile.s32 @!p0 $0x1;
	_ =	shalt  }
.Lfunc_end2:
_tile_overlayer_lowered:
.L_overlay_start_2:
0xec: {  	(tag) =	ssettag $0x2  }
0xed: {  	s0 =	rddreg [dreg:$0x0];
	s2 =	stileid.u32  }
0xee: {  	s1 =	rddreg [dreg:$0x1];
	p0 =	sne.s32 s2, $0x0  }
0xef: {  	s3 =	rddreg [dreg:$0x2];
	[bflag:$0x3] =	sbarrier.arrive $0xFFFF;
	s2 =	simm.s32 @!p0 $0x1C07  }
0xf0: {  	[timem:s3], [sflag:s2] =	dma.local @!p0 [hbm:s0], s1  }
0xf1: {  	s0 =	simm.s32 @!p0 $0x7  }
0xf2: {  	_ =	swait.ge @!p0 [sflag:s0], s1  }
0xf3: {  	s1 =	ssub.s32 @!p0 $0x0, s1;
	[sflag:s0] =	ssyncset.done @!p0 $0x0  }
0xf4: {  	[sflag:s0] =	ssyncadd.s32 @!p0 s1  }
0xf5: {  	[bflag:$0x3] =	sbarrier.arrive $0xFFFF  }
0xf6: {  	_ =	shalt  }

</sc_bundles>
